<compile_context>
chip_gen: v7x
topology: tpu7x:2x2x1
jax: 0.10.2.dev20260603
libtpu: 0.0.44.dev20260713+nightly
codegen_flags: <defaults>
</compile_context>

<pallas_src>
import functools

import jax
import jax.numpy as jnp
from jax import lax
from jax.experimental import pallas as pl
from jax.experimental.pallas import tpu as pltpu
from jax.experimental.pallas import tpu_sc as plsc

N = 10000
E = 320000
F_IN = 128
H = 256
C = 32
G = 64

_K = 80
_NPAD = 10112
_ROWS_PER_TILE = _NPAD // 16


def _sc_segment_sum(table, src, dst, zeros, nchunks, split_features):
    mesh = plsc.VectorSubcoreMesh(
        core_axis_name="c", subcore_axis_name="s", num_cores=2, num_subcores=16)

    @functools.partial(
        pl.kernel,
        out_type=jax.ShapeDtypeStruct((2 * _NPAD, 128), jnp.float32),
        mesh=mesh,
        scratch_types=[
            pltpu.VMEM((6, 1, _K), jnp.int32),
            pltpu.VMEM((6, 1, _K), jnp.int32),
            pltpu.VMEM((4, _K, 128), jnp.float32),
            pltpu.VMEM_SHARED((_NPAD, 128), jnp.float32),
            pltpu.SemaphoreType.DMA,
            pltpu.SemaphoreType.DMA,
            pltpu.SemaphoreType.DMA,
        ],
    )
    def k(table_h, src_h, dst_h, zeros_h, out_h, src_v, dst_v, rows_v, acc,
          gsem, isem, ssem):
        cid = lax.axis_index("c")
        sid = lax.axis_index("s")
        widx = sid if split_features else cid * 16 + sid
        tbl = table_h.at[cid] if split_features else table_h.at[0]
        zrows = acc.at[pl.ds(sid * _ROWS_PER_TILE, _ROWS_PER_TILE)]
        pltpu.async_copy(zeros_h, zrows, ssem)

        def idx_load(chunk, islot):
            pltpu.async_copy(src_h.at[widx, chunk], src_v.at[islot], isem)
            pltpu.async_copy(dst_h.at[widx, chunk], dst_v.at[islot], isem)

        def idx_wait(chunk, islot):
            pltpu.make_async_copy(src_h.at[widx, chunk], src_v.at[islot],
                                  isem).wait()
            pltpu.make_async_copy(dst_h.at[widx, chunk], dst_v.at[islot],
                                  isem).wait()

        def gather_start(islot, rslot):
            pltpu.async_copy(tbl.at[src_v.at[islot, 0]], rows_v.at[rslot],
                             gsem)

        def gather_wait(islot, rslot):
            pltpu.make_async_copy(tbl.at[src_v.at[islot, 0]],
                                  rows_v.at[rslot], gsem).wait()

        def scatter_start(islot, rslot):
            pltpu.async_copy(rows_v.at[rslot], acc.at[dst_v.at[islot, 0]],
                             ssem, add=True)

        def scatter_wait(islot, rslot):
            pltpu.make_async_copy(rows_v.at[rslot], acc.at[dst_v.at[islot, 0]],
                                  ssem).wait()

        idx_load(0, 0)
        idx_load(jnp.minimum(1, nchunks - 1), 1)
        idx_load(jnp.minimum(2, nchunks - 1), 2)
        idx_wait(0, 0)
        gather_start(0, 0)
        idx_wait(jnp.minimum(1, nchunks - 1), 1)
        gather_start(1, 1)
        pltpu.make_async_copy(zeros_h, zrows, ssem).wait()
        plsc.subcore_barrier()

        def body(j, carry):
            jn2 = jnp.minimum(j + 2, nchunks - 1)
            jn3 = jnp.minimum(j + 3, nchunks - 1)

            @pl.when(j > 1)
            def _():
                scatter_wait((j - 2) % 6, (j + 2) % 4)

            idx_load(jn3, (j + 3) % 6)
            idx_wait(jn2, (j + 2) % 6)
            gather_wait(j % 6, j % 4)
            gather_start((j + 2) % 6, (j + 2) % 4)
            scatter_start(j % 6, j % 4)
            return carry

        lax.fori_loop(0, nchunks, body, 0)
        nc = nchunks
        scatter_wait((nc - 2) % 6, (nc - 2) % 4)
        scatter_wait((nc - 1) % 6, (nc - 1) % 4)
        gather_wait(nc % 6, nc % 4)
        gather_wait((nc + 1) % 6, (nc + 1) % 4)
        idx_wait(nc - 1, (nc + 2) % 6)
        plsc.subcore_barrier()
        base = sid * _ROWS_PER_TILE
        pltpu.sync_copy(
            acc.at[pl.ds(base, _ROWS_PER_TILE)],
            out_h.at[pl.ds(cid * _NPAD + base, _ROWS_PER_TILE)],
        )

    return k(table, src, dst, zeros)


def _tc_conv0bn(x, aggP, w1, b1, w2, b2, g, b):
    nb = 5
    bn = N // nb

    def body(x_ref, agg_ref, w1_ref, b1_ref, w2_ref, b2_ref, g_ref, b_ref,
             out_ref, vbuf, st_ref):
        i = pl.program_id(0)

        @pl.when(i < nb)
        def _():
            s = x_ref[...] + agg_ref[0] + agg_ref[1]
            t = jnp.tanh(jnp.dot(s, w1_ref[...],
                                 preferred_element_type=jnp.float32)
                         + b1_ref[...])
            u = (jnp.dot(t, w2_ref[...], preferred_element_type=jnp.float32)
                 + b2_ref[...])
            v = jnp.tanh(u)
            vbuf[pl.ds(i * bn, bn), :] = v
            st = jnp.stack([jnp.sum(v, axis=0), jnp.sum(v * v, axis=0)])

            @pl.when(i == 0)
            def _():
                st_ref[...] = st

            @pl.when(i > 0)
            def _():
                st_ref[...] = st_ref[...] + st

        @pl.when(i == nb)
        def _():
            m = st_ref[0] / float(N)
            var = st_ref[1] / float(N) - m * m
            a = g_ref[...] * lax.rsqrt(var + 1e-5)
            c = b_ref[...] - m * a
            av = vbuf[...] * a + c
            out_ref[0] = av[:, :128]
            out_ref[1] = av[:, 128:]

    clam = lambda i: (jnp.minimum(i, nb - 1), 0)
    clam3 = lambda i: (0, jnp.minimum(i, nb - 1), 0)
    return pl.pallas_call(
        body,
        grid=(nb + 1,),
        in_specs=[
            pl.BlockSpec((bn, F_IN), clam),
            pl.BlockSpec((2, bn, 128), clam3),
            pl.BlockSpec((F_IN, H), lambda i: (0, 0)),
            pl.BlockSpec((1, H), lambda i: (0, 0)),
            pl.BlockSpec((H, H), lambda i: (0, 0)),
            pl.BlockSpec((1, H), lambda i: (0, 0)),
            pl.BlockSpec((1, H), lambda i: (0, 0)),
            pl.BlockSpec((1, H), lambda i: (0, 0)),
        ],
        out_specs=pl.BlockSpec((2, N, 128), lambda i: (0, 0, 0)),
        out_shape=jax.ShapeDtypeStruct((2, N, 128), jnp.float32),
        scratch_shapes=[
            pltpu.VMEM((N, H), jnp.float32),
            pltpu.VMEM((2, H), jnp.float32),
        ],
    )(x, aggP, w1, b1, w2, b2, g, b)


def _tc_final(h0S, agg1S, batch3, w1, b1, w2, b2, g, bb, l1w, l1b, l2w, l2b):
    nb = 5
    bn = N // nb

    def body(h_ref, agg_ref, bt_ref, w1_ref, b1_ref, w2_ref, b2_ref, g_ref,
             bb_ref, l1w_ref, l1b_ref, l2w_ref, l2b_ref, o_ref,
             pooled, cnt, st):
        i = pl.program_id(0)

        @pl.when(i == 0)
        def _():
            pooled[...] = jnp.zeros((G, H), jnp.float32)
            cnt[...] = jnp.zeros((1, G), jnp.float32)
            st[...] = jnp.zeros((2, H), jnp.float32)

        s = jnp.concatenate(
            [h_ref[0] + agg_ref[0], h_ref[1] + agg_ref[1]], axis=1)
        t = jnp.tanh(jnp.dot(s, w1_ref[...], preferred_element_type=jnp.float32)
                     + b1_ref[...])
        u = jnp.dot(t, w2_ref[...], preferred_element_type=jnp.float32) + b2_ref[...]
        v = jnp.tanh(u)

        gids = bt_ref[0, 0]
        oh = (gids[:, None] ==
              lax.broadcasted_iota(jnp.int32, (bn, G), 1)).astype(jnp.float32)
        pooled[...] = pooled[...] + lax.dot_general(
            oh, v, (((0,), (0,)), ((), ())), preferred_element_type=jnp.float32)
        cnt[...] = cnt[...] + jnp.sum(oh, axis=0, keepdims=True)
        st[...] = st[...] + jnp.stack([jnp.sum(v, axis=0), jnp.sum(v * v, axis=0)])

        @pl.when(i == nb - 1)
        def _():
            m = st[0] / float(N)
            var = st[1] / float(N) - m * m
            a = g_ref[...] * lax.rsqrt(var + 1e-5)
            c = bb_ref[...] - m * a
            cc = cnt[...].reshape(G, 1)
            pm = pooled[...] / jnp.maximum(cc, 1.0)
            pb = jnp.where(cc > 0.0, pm * a + c, 0.0)
            o = jnp.dot(jnp.tanh(jnp.dot(pb, l1w_ref[...],
                                         preferred_element_type=jnp.float32)
                                 + l1b_ref[...]),
                        l2w_ref[...], preferred_element_type=jnp.float32)
            o_ref[...] = o + l2b_ref[...]

    return pl.pallas_call(
        body,
        grid=(nb,),
        in_specs=[
            pl.BlockSpec((2, bn, 128), lambda i: (0, i, 0)),
            pl.BlockSpec((2, bn, 128), lambda i: (0, i, 0)),
            pl.BlockSpec((1, 1, bn), lambda i: (i, 0, 0)),
            pl.BlockSpec((H, H), lambda i: (0, 0)),
            pl.BlockSpec((1, H), lambda i: (0, 0)),
            pl.BlockSpec((H, H), lambda i: (0, 0)),
            pl.BlockSpec((1, H), lambda i: (0, 0)),
            pl.BlockSpec((1, H), lambda i: (0, 0)),
            pl.BlockSpec((1, H), lambda i: (0, 0)),
            pl.BlockSpec((H, H), lambda i: (0, 0)),
            pl.BlockSpec((1, H), lambda i: (0, 0)),
            pl.BlockSpec((H, C), lambda i: (0, 0)),
            pl.BlockSpec((1, C), lambda i: (0, 0)),
        ],
        out_specs=pl.BlockSpec((G, C), lambda i: (0, 0)),
        out_shape=jax.ShapeDtypeStruct((G, C), jnp.float32),
        scratch_shapes=[
            pltpu.VMEM((G, H), jnp.float32),
            pltpu.VMEM((1, G), jnp.float32),
            pltpu.VMEM((2, H), jnp.float32),
        ],
    )(h0S, agg1S, batch3, w1, b1, w2, b2, g, bb, l1w, l1b, l2w, l2b)


def kernel(x, edge_index, batch, conv0_w1, conv0_b1, conv0_w2, conv0_b2,
           bn0_g, bn0_b, conv1_w1, conv1_b1, conv1_w2, conv1_b2, bn1_g, bn1_b,
           lin1_w, lin1_b, lin2_w, lin2_b):
    src = edge_index[0].astype(jnp.int32)
    dst = edge_index[1].astype(jnp.int32)
    zeros = jnp.zeros((_ROWS_PER_TILE, 128), jnp.float32)

    nch0 = E // (32 * _K)
    agg0P = _sc_segment_sum(
        x.reshape(1, N, F_IN), src.reshape(32, nch0, 1, _K),
        dst.reshape(32, nch0, 1, _K), zeros, nch0, split_features=False)
    agg0P = agg0P.reshape(2, _NPAD, 128)

    h0S = _tc_conv0bn(
        x, agg0P, conv0_w1, conv0_b1.reshape(1, H), conv0_w2,
        conv0_b2.reshape(1, H), bn0_g.reshape(1, H), bn0_b.reshape(1, H))

    nch1 = E // (16 * _K)
    agg1S = _sc_segment_sum(
        h0S, src.reshape(16, nch1, 1, _K), dst.reshape(16, nch1, 1, _K),
        zeros, nch1, split_features=True)
    agg1S = agg1S.reshape(2, _NPAD, 128)

    o = _tc_final(
        h0S, agg1S, batch.astype(jnp.int32).reshape(5, 1, N // 5),
        conv1_w1, conv1_b1.reshape(1, H), conv1_w2, conv1_b2.reshape(1, H),
        bn1_g.reshape(1, H), bn1_b.reshape(1, H),
        lin1_w, lin1_b.reshape(1, H), lin2_w, lin2_b.reshape(1, C))
    return o

# --- scband reference (transcript-rebuilt; emitter-appended) ---
"""Pipeline reference for scband-gin4-57071525429584 (READ-ONLY COPY).

The authoritative reference and input builder live on the scoring server;
editing this copy changes nothing except your own understanding.
"""

import jax, jax.numpy as jnp
import numpy as np

N = 10000
E = 320000
F_IN = 128
H = 256
C = 32
G = 64

def setup_inputs(seed: int = 0):
    key = jax.random.key(seed)
    ks = jax.random.split(key, 24)
    s = 0.05
    inp = {}
    inp['x'] = jax.random.normal(ks[0], (N, F_IN), dtype=jnp.float32)
    inp['edge_index'] = jax.random.randint(ks[1], (2, E), 0, N)
    inp['batch'] = jnp.sort(jax.random.randint(ks[2], (N,), 0, G))
    inp['conv0_w1'] = jax.random.normal(ks[3], (F_IN, H), dtype=jnp.float32) * s
    inp['conv0_b1'] = jnp.zeros((H,), jnp.float32)
    inp['conv0_w2'] = jax.random.normal(ks[4], (H, H), dtype=jnp.float32) * s
    inp['conv0_b2'] = jnp.zeros((H,), jnp.float32)
    inp['bn0_g'] = jnp.ones((H,), jnp.float32)
    inp['bn0_b'] = jnp.zeros((H,), jnp.float32)
    inp['conv1_w1'] = jax.random.normal(ks[5], (H, H), dtype=jnp.float32) * s
    inp['conv1_b1'] = jnp.zeros((H,), jnp.float32)
    inp['conv1_w2'] = jax.random.normal(ks[6], (H, H), dtype=jnp.float32) * s
    inp['conv1_b2'] = jnp.zeros((H,), jnp.float32)
    inp['bn1_g'] = jnp.ones((H,), jnp.float32)
    inp['bn1_b'] = jnp.zeros((H,), jnp.float32)
    inp['lin1_w'] = jax.random.normal(ks[7], (H, H), dtype=jnp.float32) * s
    inp['lin1_b'] = jnp.zeros((H,), jnp.float32)
    inp['lin2_w'] = jax.random.normal(ks[8], (H, C), dtype=jnp.float32) * s
    inp['lin2_b'] = jnp.zeros((C,), jnp.float32)
    return inp

def _gin_conv(x, src, dst, w1, b1, w2, b2):
    # GINConv with eps=0: MLP(x + sum_{j in N(i)} x_j), MLP = Linear->Tanh->Linear
    agg = jax.ops.segment_sum(x[src], dst, num_segments=x.shape[0])
    h = x + agg
    return jnp.tanh(h @ w1 + b1) @ w2 + b2

def _bn(x, g, b):
    # BatchNorm1d, training-mode batch statistics
    m = jnp.mean(x, axis=0)
    v = jnp.var(x, axis=0)
    return g * (x - m) / jnp.sqrt(v + 1e-5) + b

def reference(x, edge_index, batch, conv0_w1, conv0_b1, conv0_w2, conv0_b2, bn0_g, bn0_b, conv1_w1, conv1_b1, conv1_w2, conv1_b2, bn1_g, bn1_b, lin1_w, lin1_b, lin2_w, lin2_b):
    src = edge_index[0]
    dst = edge_index[1]
    h = _gin_conv(x, src, dst, conv0_w1, conv0_b1, conv0_w2, conv0_b2)
    h = jnp.tanh(h)
    h = _bn(h, bn0_g, bn0_b)
    h = _gin_conv(h, src, dst, conv1_w1, conv1_b1, conv1_w2, conv1_b2)
    h = jnp.tanh(h)
    h = _bn(h, bn1_g, bn1_b)
    sums = jax.ops.segment_sum(h, batch, num_segments=G)
    cnt = jax.ops.segment_sum(jnp.ones((h.shape[0], 1), h.dtype), batch, num_segments=G)
    pooled = sums / jnp.maximum(cnt, 1.0)
    o = jnp.tanh(pooled @ lin1_w + lin1_b)
    # dropout is identity in eval/reference mode
    o = o @ lin2_w + lin2_b
    return o

if __name__ == "__main__":
    import jax
    _d = setup_inputs()
    print(jax.jit(kernel)(*tuple(_d.values())))

</pallas_src>

<mosaic_0001>
#map = affine_map<(d0, d1) -> (0, 0, 0)>
#map1 = affine_map<(d0, d1) -> (0, 0, 0, 0)>
#map2 = affine_map<(d0, d1) -> (0, 0)>
module attributes {stable_mosaic.version = 14 : i64} {
  func.func @k(%arg0: i32, %arg1: i32, %arg2: memref<1x10000x128xf32, #tpu.memory_space<hbm>>, %arg3: memref<32x125x1x80xi32, #tpu.memory_space<hbm>>, %arg4: memref<32x125x1x80xi32, #tpu.memory_space<hbm>>, %arg5: memref<632x128xf32, #tpu.memory_space<hbm>>, %arg6: memref<20224x128xf32, #tpu.memory_space<hbm>>, %arg7: memref<6x1x80xi32, #tpu.memory_space<vmem>>, %arg8: memref<6x1x80xi32, #tpu.memory_space<vmem>>, %arg9: memref<4x80x128xf32, #tpu.memory_space<vmem>>, %arg10: memref<10112x128xf32, #tpu.memory_space<vmem_shared>>, %arg11: memref<!tpu.dma_semaphore, #tpu.memory_space<semaphore_mem>>, %arg12: memref<!tpu.dma_semaphore, #tpu.memory_space<semaphore_mem>>, %arg13: memref<!tpu.dma_semaphore, #tpu.memory_space<semaphore_mem>>) attributes {dimension_semantics = [#tpu.dimension_semantics<core_parallel>, #tpu.dimension_semantics<subcore_parallel>], iteration_bounds = array<i64: 2, 16>, scalar_prefetch = 0 : i64, scratch_operands = 7 : i64, tpu.core_type = #tpu.core_type<sc_vector_subcore>, window_params = [{transform_indices = #map}, {transform_indices = #map1}, {transform_indices = #map1}, {transform_indices = #map2}, {transform_indices = #map2}]} {
    %mul3A = arith.constant 16 : i32
    %mul3A_0 = arith.muli %arg0, %mul3A : i32
    %add3A = arith.addi %mul3A_0, %arg1 : i32
    %mul3A_1 = arith.constant 632 : i32
    %mul3A_2 = arith.muli %arg1, %mul3A_1 : i32
    %dma_start3A = arith.constant 0 : i32
    %dma_start3A_3 = tpu.memref_slice %arg10[%mul3A_2, %dma_start3A] : memref<10112x128xf32, #tpu.memory_space<vmem_shared>> -> memref<632x128xf32, #tpu.memory_space<vmem_shared>>
    tpu.enqueue_dma source(%arg5 : memref<632x128xf32, #tpu.memory_space<hbm>>) target(%dma_start3A_3 : memref<632x128xf32, #tpu.memory_space<vmem_shared>>) target_semaphore(%arg13 : memref<!tpu.dma_semaphore, #tpu.memory_space<semaphore_mem>>)
    %dma_start3A_4 = arith.constant 0 : i32
    %dma_start3A_5 = arith.constant 0 : i32
    %dma_start3A_6 = arith.constant 0 : i32
    %dma_start3A_7 = arith.constant 0 : i32
    %dma_start3A_8 = tpu.memref_slice %arg7[%dma_start3A_5, %dma_start3A_6, %dma_start3A_7] : memref<6x1x80xi32, #tpu.memory_space<vmem>> -> memref<1x1x80xi32, #tpu.memory_space<vmem>>
    %dma_start3A_9 = tpu.memref_squeeze %dma_start3A_8 : memref<1x1x80xi32, #tpu.memory_space<vmem>> -> memref<1x80xi32, #tpu.memory_space<vmem>>
    %dma_start3A_10 = arith.constant 0 : i32
    %dma_start3A_11 = arith.constant 0 : i32
    %dma_start3A_12 = tpu.memref_slice %arg3[%add3A, %dma_start3A_4, %dma_start3A_10, %dma_start3A_11] : memref<32x125x1x80xi32, #tpu.memory_space<hbm>> -> memref<1x1x1x80xi32, #tpu.memory_space<hbm>>
    %dma_start3A_13 = tpu.memref_squeeze %dma_start3A_12 : memref<1x1x1x80xi32, #tpu.memory_space<hbm>> -> memref<1x80xi32, #tpu.memory_space<hbm>>
    %dma_start3A_14 = arith.constant 0 : i32
    %dma_start3A_15 = arith.constant 0 : i32
    %dma_start3A_16 = tpu.memref_slice %arg7[%dma_start3A_5, %dma_start3A_14, %dma_start3A_15] : memref<6x1x80xi32, #tpu.memory_space<vmem>> -> memref<1x1x80xi32, #tpu.memory_space<vmem>>
    %dma_start3A_17 = tpu.memref_squeeze %dma_start3A_16 : memref<1x1x80xi32, #tpu.memory_space<vmem>> -> memref<1x80xi32, #tpu.memory_space<vmem>>
    %dma_start3A_18 = arith.constant 0 : i32
    %dma_start3A_19 = arith.constant 0 : i32
    %dma_start3A_20 = tpu.memref_slice %arg3[%add3A, %dma_start3A_4, %dma_start3A_18, %dma_start3A_19] : memref<32x125x1x80xi32, #tpu.memory_space<hbm>> -> memref<1x1x1x80xi32, #tpu.memory_space<hbm>>
    %dma_start3A_21 = tpu.memref_squeeze %dma_start3A_20 : memref<1x1x1x80xi32, #tpu.memory_space<hbm>> -> memref<1x80xi32, #tpu.memory_space<hbm>>
    tpu.enqueue_dma source(%dma_start3A_21 : memref<1x80xi32, #tpu.memory_space<hbm>>) target(%dma_start3A_17 : memref<1x80xi32, #tpu.memory_space<vmem>>) target_semaphore(%arg12 : memref<!tpu.dma_semaphore, #tpu.memory_space<semaphore_mem>>)
    %dma_start3A_22 = arith.constant 0 : i32
    %dma_start3A_23 = arith.constant 0 : i32
    %dma_start3A_24 = arith.constant 0 : i32
    %dma_start3A_25 = arith.constant 0 : i32
    %dma_start3A_26 = tpu.memref_slice %arg8[%dma_start3A_23, %dma_start3A_24, %dma_start3A_25] : memref<6x1x80xi32, #tpu.memory_space<vmem>> -> memref<1x1x80xi32, #tpu.memory_space<vmem>>
    %dma_start3A_27 = tpu.memref_squeeze %dma_start3A_26 : memref<1x1x80xi32, #tpu.memory_space<vmem>> -> memref<1x80xi32, #tpu.memory_space<vmem>>
    %dma_start3A_28 = arith.constant 0 : i32
    %dma_start3A_29 = arith.constant 0 : i32
    %dma_start3A_30 = tpu.memref_slice %arg4[%add3A, %dma_start3A_22, %dma_start3A_28, %dma_start3A_29] : memref<32x125x1x80xi32, #tpu.memory_space<hbm>> -> memref<1x1x1x80xi32, #tpu.memory_space<hbm>>
    %dma_start3A_31 = tpu.memref_squeeze %dma_start3A_30 : memref<1x1x1x80xi32, #tpu.memory_space<hbm>> -> memref<1x80xi32, #tpu.memory_space<hbm>>
    %dma_start3A_32 = arith.constant 0 : i32
    %dma_start3A_33 = arith.constant 0 : i32
    %dma_start3A_34 = tpu.memref_slice %arg8[%dma_start3A_23, %dma_start3A_32, %dma_start3A_33] : memref<6x1x80xi32, #tpu.memory_space<vmem>> -> memref<1x1x80xi32, #tpu.memory_space<vmem>>
    %dma_start3A_35 = tpu.memref_squeeze %dma_start3A_34 : memref<1x1x80xi32, #tpu.memory_space<vmem>> -> memref<1x80xi32, #tpu.memory_space<vmem>>
    %dma_start3A_36 = arith.constant 0 : i32
    %dma_start3A_37 = arith.constant 0 : i32
    %dma_start3A_38 = tpu.memref_slice %arg4[%add3A, %dma_start3A_22, %dma_start3A_36, %dma_start3A_37] : memref<32x125x1x80xi32, #tpu.memory_space<hbm>> -> memref<1x1x1x80xi32, #tpu.memory_space<hbm>>
    %dma_start3A_39 = tpu.memref_squeeze %dma_start3A_38 : memref<1x1x1x80xi32, #tpu.memory_space<hbm>> -> memref<1x80xi32, #tpu.memory_space<hbm>>
    tpu.enqueue_dma source(%dma_start3A_39 : memref<1x80xi32, #tpu.memory_space<hbm>>) target(%dma_start3A_35 : memref<1x80xi32, #tpu.memory_space<vmem>>) target_semaphore(%arg12 : memref<!tpu.dma_semaphore, #tpu.memory_space<semaphore_mem>>)
    %min3A = arith.constant 1 : i32
    %min3A_40 = arith.constant 124 : i32
    %min3A_41 = arith.minsi %min3A, %min3A_40 : i32
    %dma_start3A_42 = arith.constant 1 : i32
    %dma_start3A_43 = arith.constant 0 : i32
    %dma_start3A_44 = arith.constant 0 : i32
    %dma_start3A_45 = tpu.memref_slice %arg7[%dma_start3A_42, %dma_start3A_43, %dma_start3A_44] : memref<6x1x80xi32, #tpu.memory_space<vmem>> -> memref<1x1x80xi32, #tpu.memory_space<vmem>>
    %dma_start3A_46 = tpu.memref_squeeze %dma_start3A_45 : memref<1x1x80xi32, #tpu.memory_space<vmem>> -> memref<1x80xi32, #tpu.memory_space<vmem>>
    %dma_start3A_47 = arith.constant 0 : i32
    %dma_start3A_48 = arith.constant 0 : i32
    %dma_start3A_49 = tpu.memref_slice %arg3[%add3A, %min3A_41, %dma_start3A_47, %dma_start3A_48] : memref<32x125x1x80xi32, #tpu.memory_space<hbm>> -> memref<1x1x1x80xi32, #tpu.memory_space<hbm>>
    %dma_start3A_50 = tpu.memref_squeeze %dma_start3A_49 : memref<1x1x1x80xi32, #tpu.memory_space<hbm>> -> memref<1x80xi32, #tpu.memory_space<hbm>>
    %dma_start3A_51 = arith.constant 0 : i32
    %dma_start3A_52 = arith.constant 0 : i32
    %dma_start3A_53 = tpu.memref_slice %arg7[%dma_start3A_42, %dma_start3A_51, %dma_start3A_52] : memref<6x1x80xi32, #tpu.memory_space<vmem>> -> memref<1x1x80xi32, #tpu.memory_space<vmem>>
    %dma_start3A_54 = tpu.memref_squeeze %dma_start3A_53 : memref<1x1x80xi32, #tpu.memory_space<vmem>> -> memref<1x80xi32, #tpu.memory_space<vmem>>
    %dma_start3A_55 = arith.constant 0 : i32
    %dma_start3A_56 = arith.constant 0 : i32
    %dma_start3A_57 = tpu.memref_slice %arg3[%add3A, %min3A_41, %dma_start3A_55, %dma_start3A_56] : memref<32x125x1x80xi32, #tpu.memory_space<hbm>> -> memref<1x1x1x80xi32, #tpu.memory_space<hbm>>
    %dma_start3A_58 = tpu.memref_squeeze %dma_start3A_57 : memref<1x1x1x80xi32, #tpu.memory_space<hbm>> -> memref<1x80xi32, #tpu.memory_space<hbm>>
    tpu.enqueue_dma source(%dma_start3A_58 : memref<1x80xi32, #tpu.memory_space<hbm>>) target(%dma_start3A_54 : memref<1x80xi32, #tpu.memory_space<vmem>>) target_semaphore(%arg12 : memref<!tpu.dma_semaphore, #tpu.memory_space<semaphore_mem>>)
    %dma_start3A_59 = arith.constant 1 : i32
    %dma_start3A_60 = arith.constant 0 : i32
    %dma_start3A_61 = arith.constant 0 : i32
    %dma_start3A_62 = tpu.memref_slice %arg8[%dma_start3A_59, %dma_start3A_60, %dma_start3A_61] : memref<6x1x80xi32, #tpu.memory_space<vmem>> -> memref<1x1x80xi32, #tpu.memory_space<vmem>>
    %dma_start3A_63 = tpu.memref_squeeze %dma_start3A_62 : memref<1x1x80xi32, #tpu.memory_space<vmem>> -> memref<1x80xi32, #tpu.memory_space<vmem>>
    %dma_start3A_64 = arith.constant 0 : i32
    %dma_start3A_65 = arith.constant 0 : i32
    %dma_start3A_66 = tpu.memref_slice %arg4[%add3A, %min3A_41, %dma_start3A_64, %dma_start3A_65] : memref<32x125x1x80xi32, #tpu.memory_space<hbm>> -> memref<1x1x1x80xi32, #tpu.memory_space<hbm>>
    %dma_start3A_67 = tpu.memref_squeeze %dma_start3A_66 : memref<1x1x1x80xi32, #tpu.memory_space<hbm>> -> memref<1x80xi32, #tpu.memory_space<hbm>>
    %dma_start3A_68 = arith.constant 0 : i32
    %dma_start3A_69 = arith.constant 0 : i32
    %dma_start3A_70 = tpu.memref_slice %arg8[%dma_start3A_59, %dma_start3A_68, %dma_start3A_69] : memref<6x1x80xi32, #tpu.memory_space<vmem>> -> memref<1x1x80xi32, #tpu.memory_space<vmem>>
    %dma_start3A_71 = tpu.memref_squeeze %dma_start3A_70 : memref<1x1x80xi32, #tpu.memory_space<vmem>> -> memref<1x80xi32, #tpu.memory_space<vmem>>
    %dma_start3A_72 = arith.constant 0 : i32
    %dma_start3A_73 = arith.constant 0 : i32
    %dma_start3A_74 = tpu.memref_slice %arg4[%add3A, %min3A_41, %dma_start3A_72, %dma_start3A_73] : memref<32x125x1x80xi32, #tpu.memory_space<hbm>> -> memref<1x1x1x80xi32, #tpu.memory_space<hbm>>
    %dma_start3A_75 = tpu.memref_squeeze %dma_start3A_74 : memref<1x1x1x80xi32, #tpu.memory_space<hbm>> -> memref<1x80xi32, #tpu.memory_space<hbm>>
    tpu.enqueue_dma source(%dma_start3A_75 : memref<1x80xi32, #tpu.memory_space<hbm>>) target(%dma_start3A_71 : memref<1x80xi32, #tpu.memory_space<vmem>>) target_semaphore(%arg12 : memref<!tpu.dma_semaphore, #tpu.memory_space<semaphore_mem>>)
    %min3A_76 = arith.constant 2 : i32
    %min3A_77 = arith.constant 124 : i32
    %min3A_78 = arith.minsi %min3A_76, %min3A_77 : i32
    %dma_start3A_79 = arith.constant 2 : i32
    %dma_start3A_80 = arith.constant 0 : i32
    %dma_start3A_81 = arith.constant 0 : i32
    %dma_start3A_82 = tpu.memref_slice %arg7[%dma_start3A_79, %dma_start3A_80, %dma_start3A_81] : memref<6x1x80xi32, #tpu.memory_space<vmem>> -> memref<1x1x80xi32, #tpu.memory_space<vmem>>
    %dma_start3A_83 = tpu.memref_squeeze %dma_start3A_82 : memref<1x1x80xi32, #tpu.memory_space<vmem>> -> memref<1x80xi32, #tpu.memory_space<vmem>>
    %dma_start3A_84 = arith.constant 0 : i32
    %dma_start3A_85 = arith.constant 0 : i32
    %dma_start3A_86 = tpu.memref_slice %arg3[%add3A, %min3A_78, %dma_start3A_84, %dma_start3A_85] : memref<32x125x1x80xi32, #tpu.memory_space<hbm>> -> memref<1x1x1x80xi32, #tpu.memory_space<hbm>>
    %dma_start3A_87 = tpu.memref_squeeze %dma_start3A_86 : memref<1x1x1x80xi32, #tpu.memory_space<hbm>> -> memref<1x80xi32, #tpu.memory_space<hbm>>
    %dma_start3A_88 = arith.constant 0 : i32
    %dma_start3A_89 = arith.constant 0 : i32
    %dma_start3A_90 = tpu.memref_slice %arg7[%dma_start3A_79, %dma_start3A_88, %dma_start3A_89] : memref<6x1x80xi32, #tpu.memory_space<vmem>> -> memref<1x1x80xi32, #tpu.memory_space<vmem>>
    %dma_start3A_91 = tpu.memref_squeeze %dma_start3A_90 : memref<1x1x80xi32, #tpu.memory_space<vmem>> -> memref<1x80xi32, #tpu.memory_space<vmem>>
    %dma_start3A_92 = arith.constant 0 : i32
    %dma_start3A_93 = arith.constant 0 : i32
    %dma_start3A_94 = tpu.memref_slice %arg3[%add3A, %min3A_78, %dma_start3A_92, %dma_start3A_93] : memref<32x125x1x80xi32, #tpu.memory_space<hbm>> -> memref<1x1x1x80xi32, #tpu.memory_space<hbm>>
    %dma_start3A_95 = tpu.memref_squeeze %dma_start3A_94 : memref<1x1x1x80xi32, #tpu.memory_space<hbm>> -> memref<1x80xi32, #tpu.memory_space<hbm>>
    tpu.enqueue_dma source(%dma_start3A_95 : memref<1x80xi32, #tpu.memory_space<hbm>>) target(%dma_start3A_91 : memref<1x80xi32, #tpu.memory_space<vmem>>) target_semaphore(%arg12 : memref<!tpu.dma_semaphore, #tpu.memory_space<semaphore_mem>>)
    %dma_start3A_96 = arith.constant 2 : i32
    %dma_start3A_97 = arith.constant 0 : i32
    %dma_start3A_98 = arith.constant 0 : i32
    %dma_start3A_99 = tpu.memref_slice %arg8[%dma_start3A_96, %dma_start3A_97, %dma_start3A_98] : memref<6x1x80xi32, #tpu.memory_space<vmem>> -> memref<1x1x80xi32, #tpu.memory_space<vmem>>
    %dma_start3A_100 = tpu.memref_squeeze %dma_start3A_99 : memref<1x1x80xi32, #tpu.memory_space<vmem>> -> memref<1x80xi32, #tpu.memory_space<vmem>>
    %dma_start3A_101 = arith.constant 0 : i32
    %dma_start3A_102 = arith.constant 0 : i32
    %dma_start3A_103 = tpu.memref_slice %arg4[%add3A, %min3A_78, %dma_start3A_101, %dma_start3A_102] : memref<32x125x1x80xi32, #tpu.memory_space<hbm>> -> memref<1x1x1x80xi32, #tpu.memory_space<hbm>>
    %dma_start3A_104 = tpu.memref_squeeze %dma_start3A_103 : memref<1x1x1x80xi32, #tpu.memory_space<hbm>> -> memref<1x80xi32, #tpu.memory_space<hbm>>
    %dma_start3A_105 = arith.constant 0 : i32
    %dma_start3A_106 = arith.constant 0 : i32
    %dma_start3A_107 = tpu.memref_slice %arg8[%dma_start3A_96, %dma_start3A_105, %dma_start3A_106] : memref<6x1x80xi32, #tpu.memory_space<vmem>> -> memref<1x1x80xi32, #tpu.memory_space<vmem>>
    %dma_start3A_108 = tpu.memref_squeeze %dma_start3A_107 : memref<1x1x80xi32, #tpu.memory_space<vmem>> -> memref<1x80xi32, #tpu.memory_space<vmem>>
    %dma_start3A_109 = arith.constant 0 : i32
    %dma_start3A_110 = arith.constant 0 : i32
    %dma_start3A_111 = tpu.memref_slice %arg4[%add3A, %min3A_78, %dma_start3A_109, %dma_start3A_110] : memref<32x125x1x80xi32, #tpu.memory_space<hbm>> -> memref<1x1x1x80xi32, #tpu.memory_space<hbm>>
    %dma_start3A_112 = tpu.memref_squeeze %dma_start3A_111 : memref<1x1x1x80xi32, #tpu.memory_space<hbm>> -> memref<1x80xi32, #tpu.memory_space<hbm>>
    tpu.enqueue_dma source(%dma_start3A_112 : memref<1x80xi32, #tpu.memory_space<hbm>>) target(%dma_start3A_108 : memref<1x80xi32, #tpu.memory_space<vmem>>) target_semaphore(%arg12 : memref<!tpu.dma_semaphore, #tpu.memory_space<semaphore_mem>>)
    %dma_wait3A = arith.constant 0 : i32
    %dma_wait3A_113 = arith.constant 0 : i32
    %dma_wait3A_114 = arith.constant 0 : i32
    %dma_wait3A_115 = arith.constant 0 : i32
    %dma_wait3A_116 = tpu.memref_slice %arg7[%dma_wait3A_113, %dma_wait3A_114, %dma_wait3A_115] : memref<6x1x80xi32, #tpu.memory_space<vmem>> -> memref<1x1x80xi32, #tpu.memory_space<vmem>>
    %dma_wait3A_117 = tpu.memref_squeeze %dma_wait3A_116 : memref<1x1x80xi32, #tpu.memory_space<vmem>> -> memref<1x80xi32, #tpu.memory_space<vmem>>
    %dma_wait3A_118 = arith.constant 0 : i32
    %dma_wait3A_119 = arith.constant 0 : i32
    %dma_wait3A_120 = tpu.memref_slice %arg3[%add3A, %dma_wait3A, %dma_wait3A_118, %dma_wait3A_119] : memref<32x125x1x80xi32, #tpu.memory_space<hbm>> -> memref<1x1x1x80xi32, #tpu.memory_space<hbm>>
    %dma_wait3A_121 = tpu.memref_squeeze %dma_wait3A_120 : memref<1x1x1x80xi32, #tpu.memory_space<hbm>> -> memref<1x80xi32, #tpu.memory_space<hbm>>
    %dma_wait3A_122 = arith.constant 0 : i32
    %dma_wait3A_123 = arith.constant 0 : i32
    %dma_wait3A_124 = tpu.memref_slice %arg7[%dma_wait3A_113, %dma_wait3A_122, %dma_wait3A_123] : memref<6x1x80xi32, #tpu.memory_space<vmem>> -> memref<1x1x80xi32, #tpu.memory_space<vmem>>
    %dma_wait3A_125 = tpu.memref_squeeze %dma_wait3A_124 : memref<1x1x80xi32, #tpu.memory_space<vmem>> -> memref<1x80xi32, #tpu.memory_space<vmem>>
    %dma_wait3A_126 = arith.constant 0 : i32
    %dma_wait3A_127 = arith.constant 0 : i32
    %dma_wait3A_128 = tpu.memref_slice %arg3[%add3A, %dma_wait3A, %dma_wait3A_126, %dma_wait3A_127] : memref<32x125x1x80xi32, #tpu.memory_space<hbm>> -> memref<1x1x1x80xi32, #tpu.memory_space<hbm>>
    %dma_wait3A_129 = tpu.memref_squeeze %dma_wait3A_128 : memref<1x1x1x80xi32, #tpu.memory_space<hbm>> -> memref<1x80xi32, #tpu.memory_space<hbm>>
    tpu.wait_dma2 semaphore(%arg12 : memref<!tpu.dma_semaphore, #tpu.memory_space<semaphore_mem>>) src(%dma_wait3A_129 : memref<1x80xi32, #tpu.memory_space<hbm>>) dst(%dma_wait3A_125 : memref<1x80xi32, #tpu.memory_space<vmem>>)
    %dma_wait3A_130 = arith.constant 0 : i32
    %dma_wait3A_131 = arith.constant 0 : i32
    %dma_wait3A_132 = arith.constant 0 : i32
    %dma_wait3A_133 = arith.constant 0 : i32
    %dma_wait3A_134 = tpu.memref_slice %arg8[%dma_wait3A_131, %dma_wait3A_132, %dma_wait3A_133] : memref<6x1x80xi32, #tpu.memory_space<vmem>> -> memref<1x1x80xi32, #tpu.memory_space<vmem>>
    %dma_wait3A_135 = tpu.memref_squeeze %dma_wait3A_134 : memref<1x1x80xi32, #tpu.memory_space<vmem>> -> memref<1x80xi32, #tpu.memory_space<vmem>>
    %dma_wait3A_136 = arith.constant 0 : i32
    %dma_wait3A_137 = arith.constant 0 : i32
    %dma_wait3A_138 = tpu.memref_slice %arg4[%add3A, %dma_wait3A_130, %dma_wait3A_136, %dma_wait3A_137] : memref<32x125x1x80xi32, #tpu.memory_space<hbm>> -> memref<1x1x1x80xi32, #tpu.memory_space<hbm>>
    %dma_wait3A_139 = tpu.memref_squeeze %dma_wait3A_138 : memref<1x1x1x80xi32, #tpu.memory_space<hbm>> -> memref<1x80xi32, #tpu.memory_space<hbm>>
    %dma_wait3A_140 = arith.constant 0 : i32
    %dma_wait3A_141 = arith.constant 0 : i32
    %dma_wait3A_142 = tpu.memref_slice %arg8[%dma_wait3A_131, %dma_wait3A_140, %dma_wait3A_141] : memref<6x1x80xi32, #tpu.memory_space<vmem>> -> memref<1x1x80xi32, #tpu.memory_space<vmem>>
    %dma_wait3A_143 = tpu.memref_squeeze %dma_wait3A_142 : memref<1x1x80xi32, #tpu.memory_space<vmem>> -> memref<1x80xi32, #tpu.memory_space<vmem>>
    %dma_wait3A_144 = arith.constant 0 : i32
    %dma_wait3A_145 = arith.constant 0 : i32
    %dma_wait3A_146 = tpu.memref_slice %arg4[%add3A, %dma_wait3A_130, %dma_wait3A_144, %dma_wait3A_145] : memref<32x125x1x80xi32, #tpu.memory_space<hbm>> -> memref<1x1x1x80xi32, #tpu.memory_space<hbm>>
    %dma_wait3A_147 = tpu.memref_squeeze %dma_wait3A_146 : memref<1x1x1x80xi32, #tpu.memory_space<hbm>> -> memref<1x80xi32, #tpu.memory_space<hbm>>
    tpu.wait_dma2 semaphore(%arg12 : memref<!tpu.dma_semaphore, #tpu.memory_space<semaphore_mem>>) src(%dma_wait3A_147 : memref<1x80xi32, #tpu.memory_space<hbm>>) dst(%dma_wait3A_143 : memref<1x80xi32, #tpu.memory_space<vmem>>)
    %dma_start3A_148 = arith.constant 0 : i32
    %dma_start3A_149 = arith.constant 0 : i32
    %dma_start3A_150 = arith.constant 0 : i32
    %dma_start3A_151 = arith.constant 0 : i32
    %dma_start3A_152 = arith.constant 0 : i32
    %dma_start3A_153 = arith.constant 0 : i32
    %dma_start3A_154 = tpu.memref_slice %arg9[%dma_start3A_151, %dma_start3A_152, %dma_start3A_153] : memref<4x80x128xf32, #tpu.memory_space<vmem>> -> memref<1x80x128xf32, #tpu.memory_space<vmem>>
    %dma_start3A_155 = tpu.memref_squeeze %dma_start3A_154 : memref<1x80x128xf32, #tpu.memory_space<vmem>> -> memref<80x128xf32, #tpu.memory_space<vmem>>
    %dma_start3A_156 = arith.constant 0 : i32
    %dma_start3A_157 = tpu.memref_slice %arg7[%dma_start3A_149, %dma_start3A_150, %dma_start3A_156] : memref<6x1x80xi32, #tpu.memory_space<vmem>> -> memref<1x1x80xi32, #tpu.memory_space<vmem>>
    %dma_start3A_158 = tpu.memref_squeeze %dma_start3A_157 : memref<1x1x80xi32, #tpu.memory_space<vmem>> -> memref<80xi32, #tpu.memory_space<vmem>>
    %dma_start3A_159 = arith.constant 0 : i32
    %dma_start3A_160 = arith.constant 0 : i32
    %dma_start3A_161 = tpu.memref_slice %arg2[%dma_start3A_148, %dma_start3A_159, %dma_start3A_160] : memref<1x10000x128xf32, #tpu.memory_space<hbm>> -> memref<1x10000x128xf32, #tpu.memory_space<hbm>>
    %dma_start3A_162 = tpu.memref_squeeze %dma_start3A_161 : memref<1x10000x128xf32, #tpu.memory_space<hbm>> -> memref<10000x128xf32, #tpu.memory_space<hbm>>
    %dma_start3A_163 = arith.constant 0 : i32
    %dma_start3A_164 = arith.constant 0 : i32
    %dma_start3A_165 = tpu.memref_slice %dma_start3A_162[%dma_start3A_163, %dma_start3A_164] : memref<10000x128xf32, #tpu.memory_space<hbm>> -> memref<10000x128xf32, #tpu.memory_space<hbm>>
    tpu.enqueue_indirect_dma source(%dma_start3A_165 : memref<10000x128xf32, #tpu.memory_space<hbm>>) target(%dma_start3A_155 : memref<80x128xf32, #tpu.memory_space<vmem>>) offsets(%dma_start3A_158 : memref<80xi32, #tpu.memory_space<vmem>>) semaphore(%arg11 : memref<!tpu.dma_semaphore, #tpu.memory_space<semaphore_mem>>)
    %min3A_166 = arith.constant 1 : i32
    %min3A_167 = arith.constant 124 : i32
    %min3A_168 = arith.minsi %min3A_166, %min3A_167 : i32
    %dma_wait3A_169 = arith.constant 1 : i32
    %dma_wait3A_170 = arith.constant 0 : i32
    %dma_wait3A_171 = arith.constant 0 : i32
    %dma_wait3A_172 = tpu.memref_slice %arg7[%dma_wait3A_169, %dma_wait3A_170, %dma_wait3A_171] : memref<6x1x80xi32, #tpu.memory_space<vmem>> -> memref<1x1x80xi32, #tpu.memory_space<vmem>>
    %dma_wait3A_173 = tpu.memref_squeeze %dma_wait3A_172 : memref<1x1x80xi32, #tpu.memory_space<vmem>> -> memref<1x80xi32, #tpu.memory_space<vmem>>
    %dma_wait3A_174 = arith.constant 0 : i32
    %dma_wait3A_175 = arith.constant 0 : i32
    %dma_wait3A_176 = tpu.memref_slice %arg3[%add3A, %min3A_168, %dma_wait3A_174, %dma_wait3A_175] : memref<32x125x1x80xi32, #tpu.memory_space<hbm>> -> memref<1x1x1x80xi32, #tpu.memory_space<hbm>>
    %dma_wait3A_177 = tpu.memref_squeeze %dma_wait3A_176 : memref<1x1x1x80xi32, #tpu.memory_space<hbm>> -> memref<1x80xi32, #tpu.memory_space<hbm>>
    %dma_wait3A_178 = arith.constant 0 : i32
    %dma_wait3A_179 = arith.constant 0 : i32
    %dma_wait3A_180 = tpu.memref_slice %arg7[%dma_wait3A_169, %dma_wait3A_178, %dma_wait3A_179] : memref<6x1x80xi32, #tpu.memory_space<vmem>> -> memref<1x1x80xi32, #tpu.memory_space<vmem>>
    %dma_wait3A_181 = tpu.memref_squeeze %dma_wait3A_180 : memref<1x1x80xi32, #tpu.memory_space<vmem>> -> memref<1x80xi32, #tpu.memory_space<vmem>>
    %dma_wait3A_182 = arith.constant 0 : i32
    %dma_wait3A_183 = arith.constant 0 : i32
    %dma_wait3A_184 = tpu.memref_slice %arg3[%add3A, %min3A_168, %dma_wait3A_182, %dma_wait3A_183] : memref<32x125x1x80xi32, #tpu.memory_space<hbm>> -> memref<1x1x1x80xi32, #tpu.memory_space<hbm>>
    %dma_wait3A_185 = tpu.memref_squeeze %dma_wait3A_184 : memref<1x1x1x80xi32, #tpu.memory_space<hbm>> -> memref<1x80xi32, #tpu.memory_space<hbm>>
    tpu.wait_dma2 semaphore(%arg12 : memref<!tpu.dma_semaphore, #tpu.memory_space<semaphore_mem>>) src(%dma_wait3A_185 : memref<1x80xi32, #tpu.memory_space<hbm>>) dst(%dma_wait3A_181 : memref<1x80xi32, #tpu.memory_space<vmem>>)
    %dma_wait3A_186 = arith.constant 1 : i32
    %dma_wait3A_187 = arith.constant 0 : i32
    %dma_wait3A_188 = arith.constant 0 : i32
    %dma_wait3A_189 = tpu.memref_slice %arg8[%dma_wait3A_186, %dma_wait3A_187, %dma_wait3A_188] : memref<6x1x80xi32, #tpu.memory_space<vmem>> -> memref<1x1x80xi32, #tpu.memory_space<vmem>>
    %dma_wait3A_190 = tpu.memref_squeeze %dma_wait3A_189 : memref<1x1x80xi32, #tpu.memory_space<vmem>> -> memref<1x80xi32, #tpu.memory_space<vmem>>
    %dma_wait3A_191 = arith.constant 0 : i32
    %dma_wait3A_192 = arith.constant 0 : i32
    %dma_wait3A_193 = tpu.memref_slice %arg4[%add3A, %min3A_168, %dma_wait3A_191, %dma_wait3A_192] : memref<32x125x1x80xi32, #tpu.memory_space<hbm>> -> memref<1x1x1x80xi32, #tpu.memory_space<hbm>>
    %dma_wait3A_194 = tpu.memref_squeeze %dma_wait3A_193 : memref<1x1x1x80xi32, #tpu.memory_space<hbm>> -> memref<1x80xi32, #tpu.memory_space<hbm>>
    %dma_wait3A_195 = arith.constant 0 : i32
    %dma_wait3A_196 = arith.constant 0 : i32
    %dma_wait3A_197 = tpu.memref_slice %arg8[%dma_wait3A_186, %dma_wait3A_195, %dma_wait3A_196] : memref<6x1x80xi32, #tpu.memory_space<vmem>> -> memref<1x1x80xi32, #tpu.memory_space<vmem>>
    %dma_wait3A_198 = tpu.memref_squeeze %dma_wait3A_197 : memref<1x1x80xi32, #tpu.memory_space<vmem>> -> memref<1x80xi32, #tpu.memory_space<vmem>>
    %dma_wait3A_199 = arith.constant 0 : i32
    %dma_wait3A_200 = arith.constant 0 : i32
    %dma_wait3A_201 = tpu.memref_slice %arg4[%add3A, %min3A_168, %dma_wait3A_199, %dma_wait3A_200] : memref<32x125x1x80xi32, #tpu.memory_space<hbm>> -> memref<1x1x1x80xi32, #tpu.memory_space<hbm>>
    %dma_wait3A_202 = tpu.memref_squeeze %dma_wait3A_201 : memref<1x1x1x80xi32, #tpu.memory_space<hbm>> -> memref<1x80xi32, #tpu.memory_space<hbm>>
    tpu.wait_dma2 semaphore(%arg12 : memref<!tpu.dma_semaphore, #tpu.memory_space<semaphore_mem>>) src(%dma_wait3A_202 : memref<1x80xi32, #tpu.memory_space<hbm>>) dst(%dma_wait3A_198 : memref<1x80xi32, #tpu.memory_space<vmem>>)
    %dma_start3A_203 = arith.constant 0 : i32
    %dma_start3A_204 = arith.constant 1 : i32
    %dma_start3A_205 = arith.constant 0 : i32
    %dma_start3A_206 = arith.constant 1 : i32
    %dma_start3A_207 = arith.constant 0 : i32
    %dma_start3A_208 = arith.constant 0 : i32
    %dma_start3A_209 = tpu.memref_slice %arg9[%dma_start3A_206, %dma_start3A_207, %dma_start3A_208] : memref<4x80x128xf32, #tpu.memory_space<vmem>> -> memref<1x80x128xf32, #tpu.memory_space<vmem>>
    %dma_start3A_210 = tpu.memref_squeeze %dma_start3A_209 : memref<1x80x128xf32, #tpu.memory_space<vmem>> -> memref<80x128xf32, #tpu.memory_space<vmem>>
    %dma_start3A_211 = arith.constant 0 : i32
    %dma_start3A_212 = tpu.memref_slice %arg7[%dma_start3A_204, %dma_start3A_205, %dma_start3A_211] : memref<6x1x80xi32, #tpu.memory_space<vmem>> -> memref<1x1x80xi32, #tpu.memory_space<vmem>>
    %dma_start3A_213 = tpu.memref_squeeze %dma_start3A_212 : memref<1x1x80xi32, #tpu.memory_space<vmem>> -> memref<80xi32, #tpu.memory_space<vmem>>
    %dma_start3A_214 = arith.constant 0 : i32
    %dma_start3A_215 = arith.constant 0 : i32
    %dma_start3A_216 = tpu.memref_slice %arg2[%dma_start3A_203, %dma_start3A_214, %dma_start3A_215] : memref<1x10000x128xf32, #tpu.memory_space<hbm>> -> memref<1x10000x128xf32, #tpu.memory_space<hbm>>
    %dma_start3A_217 = tpu.memref_squeeze %dma_start3A_216 : memref<1x10000x128xf32, #tpu.memory_space<hbm>> -> memref<10000x128xf32, #tpu.memory_space<hbm>>
    %dma_start3A_218 = arith.constant 0 : i32
    %dma_start3A_219 = arith.constant 0 : i32
    %dma_start3A_220 = tpu.memref_slice %dma_start3A_217[%dma_start3A_218, %dma_start3A_219] : memref<10000x128xf32, #tpu.memory_space<hbm>> -> memref<10000x128xf32, #tpu.memory_space<hbm>>
    tpu.enqueue_indirect_dma source(%dma_start3A_220 : memref<10000x128xf32, #tpu.memory_space<hbm>>) target(%dma_start3A_210 : memref<80x128xf32, #tpu.memory_space<vmem>>) offsets(%dma_start3A_213 : memref<80xi32, #tpu.memory_space<vmem>>) semaphore(%arg11 : memref<!tpu.dma_semaphore, #tpu.memory_space<semaphore_mem>>)
    %dma_wait3A_221 = arith.constant 0 : i32
    %dma_wait3A_222 = tpu.memref_slice %arg10[%mul3A_2, %dma_wait3A_221] : memref<10112x128xf32, #tpu.memory_space<vmem_shared>> -> memref<632x128xf32, #tpu.memory_space<vmem_shared>>
    tpu.wait_dma2 semaphore(%arg13 : memref<!tpu.dma_semaphore, #tpu.memory_space<semaphore_mem>>) src(%arg5 : memref<632x128xf32, #tpu.memory_space<hbm>>) dst(%dma_wait3A_222 : memref<632x128xf32, #tpu.memory_space<vmem_shared>>)
    %barrier3A = arith.constant 0 : index
    tpu.barrier barrier_id(%barrier3A)
    %scan3A = arith.constant 0 : i32
    %scan3A_223 = arith.constant 0 : i32
    %scan3A_224 = arith.constant 0 : i32
    %scan3A_225 = arith.constant 125 : i32
    %scan3A_226 = arith.addi %scan3A_224, %scan3A_225 : i32
    %scan3A_227 = arith.constant 1 : i32
    scf.for %scan3A_333 = %scan3A_224 to %scan3A_226 step %scan3A_227  : i32 {
      %add3A_334 = arith.constant 2 : i32
      %add3A_335 = arith.addi %scan3A_333, %add3A_334 : i32
      %min3A_336 = arith.constant 124 : i32
      %min3A_337 = arith.minsi %add3A_335, %min3A_336 : i32
      %add3A_338 = arith.constant 3 : i32
      %add3A_339 = arith.addi %scan3A_333, %add3A_338 : i32
      %min3A_340 = arith.constant 124 : i32
      %min3A_341 = arith.minsi %add3A_339, %min3A_340 : i32
      %gt3A = arith.constant 1 : i32
      %gt3A_342 = arith.cmpi sgt, %scan3A_333, %gt3A : i32
      %convert_element_type3A = arith.extui %gt3A_342 : i1 to i32
      %cond3A = arith.constant 0 : i32
      %cond3A_343 = arith.cmpi ne, %convert_element_type3A, %cond3A : i32
      scf.if %cond3A_343 {
        %sub3A = arith.constant 2 : i32
        %sub3A_578 = arith.subi %scan3A_333, %sub3A : i32
        %jit3A_579 = arith.constant 6 : i32
        %eq3A_580 = arith.constant 0 : i32
        %eq3A_581 = arith.cmpi eq, %jit3A_579, %eq3A_580 : i32
        %jit3A_582 = arith.constant 1 : i32
        %select_n3A_583 = arith.select %eq3A_581, %jit3A_582, %jit3A_579 : i32
        %rem3A_584 = arith.remsi %sub3A_578, %select_n3A_583 : i32
        %ne3A_585 = arith.constant 0 : i32
        %ne3A_586 = arith.cmpi ne, %rem3A_584, %ne3A_585 : i32
        %lt3A_587 = arith.constant 0 : i32
        %lt3A_588 = arith.cmpi slt, %rem3A_584, %lt3A_587 : i32
        %lt3A_589 = arith.constant 0 : i32
        %lt3A_590 = arith.cmpi slt, %select_n3A_583, %lt3A_589 : i32
        %ne3A_591 = arith.xori %lt3A_588, %lt3A_590 : i1
        %and3A_592 = arith.andi %ne3A_591, %ne3A_586 : i1
        %add3A_593 = arith.addi %rem3A_584, %select_n3A_583 : i32
        %select_n3A_594 = arith.select %and3A_592, %add3A_593, %rem3A_584 : i32
        %add3A_595 = arith.constant 2 : i32
        %add3A_596 = arith.addi %scan3A_333, %add3A_595 : i32
        %jit3A_597 = arith.constant 4 : i32
        %eq3A_598 = arith.constant 0 : i32
        %eq3A_599 = arith.cmpi eq, %jit3A_597, %eq3A_598 : i32
        %jit3A_600 = arith.constant 1 : i32
        %select_n3A_601 = arith.select %eq3A_599, %jit3A_600, %jit3A_597 : i32
        %rem3A_602 = arith.remsi %add3A_596, %select_n3A_601 : i32
        %ne3A_603 = arith.constant 0 : i32
        %ne3A_604 = arith.cmpi ne, %rem3A_602, %ne3A_603 : i32
        %lt3A_605 = arith.constant 0 : i32
        %lt3A_606 = arith.cmpi slt, %rem3A_602, %lt3A_605 : i32
        %lt3A_607 = arith.constant 0 : i32
        %lt3A_608 = arith.cmpi slt, %select_n3A_601, %lt3A_607 : i32
        %ne3A_609 = arith.xori %lt3A_606, %lt3A_608 : i1
        %and3A_610 = arith.andi %ne3A_609, %ne3A_604 : i1
        %add3A_611 = arith.addi %rem3A_602, %select_n3A_601 : i32
        %select_n3A_612 = arith.select %and3A_610, %add3A_611, %rem3A_602 : i32
        %dma_wait3A_613 = arith.constant 0 : i32
        %dma_wait3A_614 = arith.constant 0 : i32
        %dma_wait3A_615 = arith.constant 0 : i32
        %dma_wait3A_616 = tpu.memref_slice %arg9[%select_n3A_612, %dma_wait3A_614, %dma_wait3A_615] : memref<4x80x128xf32, #tpu.memory_space<vmem>> -> memref<1x80x128xf32, #tpu.memory_space<vmem>>
        %dma_wait3A_617 = tpu.memref_squeeze %dma_wait3A_616 : memref<1x80x128xf32, #tpu.memory_space<vmem>> -> memref<80x128xf32, #tpu.memory_space<vmem>>
        %dma_wait3A_618 = arith.constant 0 : i32
        %dma_wait3A_619 = tpu.memref_slice %arg8[%select_n3A_594, %dma_wait3A_613, %dma_wait3A_618] : memref<6x1x80xi32, #tpu.memory_space<vmem>> -> memref<1x1x80xi32, #tpu.memory_space<vmem>>
        %dma_wait3A_620 = tpu.memref_squeeze %dma_wait3A_619 : memref<1x1x80xi32, #tpu.memory_space<vmem>> -> memref<80xi32, #tpu.memory_space<vmem>>
        %dma_wait3A_621 = arith.constant 0 : i32
        %dma_wait3A_622 = arith.constant 0 : i32
        %dma_wait3A_623 = tpu.memref_slice %arg10[%dma_wait3A_621, %dma_wait3A_622] : memref<10112x128xf32, #tpu.memory_space<vmem_shared>> -> memref<10112x128xf32, #tpu.memory_space<vmem_shared>>
        tpu.wait_indirect_dma semaphore(%arg13 : memref<!tpu.dma_semaphore, #tpu.memory_space<semaphore_mem>>) src(%dma_wait3A_617 : memref<80x128xf32, #tpu.memory_space<vmem>>) dst(%dma_wait3A_623 : memref<10112x128xf32, #tpu.memory_space<vmem_shared>>)
      } else {
      }
      %add3A_344 = arith.constant 3 : i32
      %add3A_345 = arith.addi %scan3A_333, %add3A_344 : i32
      %jit3A = arith.constant 6 : i32
      %eq3A = arith.constant 0 : i32
      %eq3A_346 = arith.cmpi eq, %jit3A, %eq3A : i32
      %jit3A_347 = arith.constant 1 : i32
      %select_n3A = arith.select %eq3A_346, %jit3A_347, %jit3A : i32
      %rem3A = arith.remsi %add3A_345, %select_n3A : i32
      %ne3A = arith.constant 0 : i32
      %ne3A_348 = arith.cmpi ne, %rem3A, %ne3A : i32
      %lt3A = arith.constant 0 : i32
      %lt3A_349 = arith.cmpi slt, %rem3A, %lt3A : i32
      %lt3A_350 = arith.constant 0 : i32
      %lt3A_351 = arith.cmpi slt, %select_n3A, %lt3A_350 : i32
      %ne3A_352 = arith.xori %lt3A_349, %lt3A_351 : i1
      %and3A = arith.andi %ne3A_352, %ne3A_348 : i1
      %add3A_353 = arith.addi %rem3A, %select_n3A : i32
      %select_n3A_354 = arith.select %and3A, %add3A_353, %rem3A : i32
      %dma_start3A_355 = arith.constant 0 : i32
      %dma_start3A_356 = arith.constant 0 : i32
      %dma_start3A_357 = tpu.memref_slice %arg7[%select_n3A_354, %dma_start3A_355, %dma_start3A_356] : memref<6x1x80xi32, #tpu.memory_space<vmem>> -> memref<1x1x80xi32, #tpu.memory_space<vmem>>
      %dma_start3A_358 = tpu.memref_squeeze %dma_start3A_357 : memref<1x1x80xi32, #tpu.memory_space<vmem>> -> memref<1x80xi32, #tpu.memory_space<vmem>>
      %dma_start3A_359 = arith.constant 0 : i32
      %dma_start3A_360 = arith.constant 0 : i32
      %dma_start3A_361 = tpu.memref_slice %arg3[%add3A, %min3A_341, %dma_start3A_359, %dma_start3A_360] : memref<32x125x1x80xi32, #tpu.memory_space<hbm>> -> memref<1x1x1x80xi32, #tpu.memory_space<hbm>>
      %dma_start3A_362 = tpu.memref_squeeze %dma_start3A_361 : memref<1x1x1x80xi32, #tpu.memory_space<hbm>> -> memref<1x80xi32, #tpu.memory_space<hbm>>
      %dma_start3A_363 = arith.constant 0 : i32
      %dma_start3A_364 = arith.constant 0 : i32
      %dma_start3A_365 = tpu.memref_slice %arg7[%select_n3A_354, %dma_start3A_363, %dma_start3A_364] : memref<6x1x80xi32, #tpu.memory_space<vmem>> -> memref<1x1x80xi32, #tpu.memory_space<vmem>>
      %dma_start3A_366 = tpu.memref_squeeze %dma_start3A_365 : memref<1x1x80xi32, #tpu.memory_space<vmem>> -> memref<1x80xi32, #tpu.memory_space<vmem>>
      %dma_start3A_367 = arith.constant 0 : i32
      %dma_start3A_368 = arith.constant 0 : i32
      %dma_start3A_369 = tpu.memref_slice %arg3[%add3A, %min3A_341, %dma_start3A_367, %dma_start3A_368] : memref<32x125x1x80xi32, #tpu.memory_space<hbm>> -> memref<1x1x1x80xi32, #tpu.memory_space<hbm>>
      %dma_start3A_370 = tpu.memref_squeeze %dma_start3A_369 : memref<1x1x1x80xi32, #tpu.memory_space<hbm>> -> memref<1x80xi32, #tpu.memory_space<hbm>>
      tpu.enqueue_dma source(%dma_start3A_370 : memref<1x80xi32, #tpu.memory_space<hbm>>) target(%dma_start3A_366 : memref<1x80xi32, #tpu.memory_space<vmem>>) target_semaphore(%arg12 : memref<!tpu.dma_semaphore, #tpu.memory_space<semaphore_mem>>)
      %dma_start3A_371 = arith.constant 0 : i32
      %dma_start3A_372 = arith.constant 0 : i32
      %dma_start3A_373 = tpu.memref_slice %arg8[%select_n3A_354, %dma_start3A_371, %dma_start3A_372] : memref<6x1x80xi32, #tpu.memory_space<vmem>> -> memref<1x1x80xi32, #tpu.memory_space<vmem>>
      %dma_start3A_374 = tpu.memref_squeeze %dma_start3A_373 : memref<1x1x80xi32, #tpu.memory_space<vmem>> -> memref<1x80xi32, #tpu.memory_space<vmem>>
      %dma_start3A_375 = arith.constant 0 : i32
      %dma_start3A_376 = arith.constant 0 : i32
      %dma_start3A_377 = tpu.memref_slice %arg4[%add3A, %min3A_341, %dma_start3A_375, %dma_start3A_376] : memref<32x125x1x80xi32, #tpu.memory_space<hbm>> -> memref<1x1x1x80xi32, #tpu.memory_space<hbm>>
      %dma_start3A_378 = tpu.memref_squeeze %dma_start3A_377 : memref<1x1x1x80xi32, #tpu.memory_space<hbm>> -> memref<1x80xi32, #tpu.memory_space<hbm>>
      %dma_start3A_379 = arith.constant 0 : i32
      %dma_start3A_380 = arith.constant 0 : i32
      %dma_start3A_381 = tpu.memref_slice %arg8[%select_n3A_354, %dma_start3A_379, %dma_start3A_380] : memref<6x1x80xi32, #tpu.memory_space<vmem>> -> memref<1x1x80xi32, #tpu.memory_space<vmem>>
      %dma_start3A_382 = tpu.memref_squeeze %dma_start3A_381 : memref<1x1x80xi32, #tpu.memory_space<vmem>> -> memref<1x80xi32, #tpu.memory_space<vmem>>
      %dma_start3A_383 = arith.constant 0 : i32
      %dma_start3A_384 = arith.constant 0 : i32
      %dma_start3A_385 = tpu.memref_slice %arg4[%add3A, %min3A_341, %dma_start3A_383, %dma_start3A_384] : memref<32x125x1x80xi32, #tpu.memory_space<hbm>> -> memref<1x1x1x80xi32, #tpu.memory_space<hbm>>
      %dma_start3A_386 = tpu.memref_squeeze %dma_start3A_385 : memref<1x1x1x80xi32, #tpu.memory_space<hbm>> -> memref<1x80xi32, #tpu.memory_space<hbm>>
      tpu.enqueue_dma source(%dma_start3A_386 : memref<1x80xi32, #tpu.memory_space<hbm>>) target(%dma_start3A_382 : memref<1x80xi32, #tpu.memory_space<vmem>>) target_semaphore(%arg12 : memref<!tpu.dma_semaphore, #tpu.memory_space<semaphore_mem>>)
      %add3A_387 = arith.constant 2 : i32
      %add3A_388 = arith.addi %scan3A_333, %add3A_387 : i32
      %jit3A_389 = arith.constant 6 : i32
      %eq3A_390 = arith.constant 0 : i32
      %eq3A_391 = arith.cmpi eq, %jit3A_389, %eq3A_390 : i32
      %jit3A_392 = arith.constant 1 : i32
      %select_n3A_393 = arith.select %eq3A_391, %jit3A_392, %jit3A_389 : i32
      %rem3A_394 = arith.remsi %add3A_388, %select_n3A_393 : i32
      %ne3A_395 = arith.constant 0 : i32
      %ne3A_396 = arith.cmpi ne, %rem3A_394, %ne3A_395 : i32
      %lt3A_397 = arith.constant 0 : i32
      %lt3A_398 = arith.cmpi slt, %rem3A_394, %lt3A_397 : i32
      %lt3A_399 = arith.constant 0 : i32
      %lt3A_400 = arith.cmpi slt, %select_n3A_393, %lt3A_399 : i32
      %ne3A_401 = arith.xori %lt3A_398, %lt3A_400 : i1
      %and3A_402 = arith.andi %ne3A_401, %ne3A_396 : i1
      %add3A_403 = arith.addi %rem3A_394, %select_n3A_393 : i32
      %select_n3A_404 = arith.select %and3A_402, %add3A_403, %rem3A_394 : i32
      %dma_wait3A_405 = arith.constant 0 : i32
      %dma_wait3A_406 = arith.constant 0 : i32
      %dma_wait3A_407 = tpu.memref_slice %arg7[%select_n3A_404, %dma_wait3A_405, %dma_wait3A_406] : memref<6x1x80xi32, #tpu.memory_space<vmem>> -> memref<1x1x80xi32, #tpu.memory_space<vmem>>
      %dma_wait3A_408 = tpu.memref_squeeze %dma_wait3A_407 : memref<1x1x80xi32, #tpu.memory_space<vmem>> -> memref<1x80xi32, #tpu.memory_space<vmem>>
      %dma_wait3A_409 = arith.constant 0 : i32
      %dma_wait3A_410 = arith.constant 0 : i32
      %dma_wait3A_411 = tpu.memref_slice %arg3[%add3A, %min3A_337, %dma_wait3A_409, %dma_wait3A_410] : memref<32x125x1x80xi32, #tpu.memory_space<hbm>> -> memref<1x1x1x80xi32, #tpu.memory_space<hbm>>
      %dma_wait3A_412 = tpu.memref_squeeze %dma_wait3A_411 : memref<1x1x1x80xi32, #tpu.memory_space<hbm>> -> memref<1x80xi32, #tpu.memory_space<hbm>>
      %dma_wait3A_413 = arith.constant 0 : i32
      %dma_wait3A_414 = arith.constant 0 : i32
      %dma_wait3A_415 = tpu.memref_slice %arg7[%select_n3A_404, %dma_wait3A_413, %dma_wait3A_414] : memref<6x1x80xi32, #tpu.memory_space<vmem>> -> memref<1x1x80xi32, #tpu.memory_space<vmem>>
      %dma_wait3A_416 = tpu.memref_squeeze %dma_wait3A_415 : memref<1x1x80xi32, #tpu.memory_space<vmem>> -> memref<1x80xi32, #tpu.memory_space<vmem>>
      %dma_wait3A_417 = arith.constant 0 : i32
      %dma_wait3A_418 = arith.constant 0 : i32
      %dma_wait3A_419 = tpu.memref_slice %arg3[%add3A, %min3A_337, %dma_wait3A_417, %dma_wait3A_418] : memref<32x125x1x80xi32, #tpu.memory_space<hbm>> -> memref<1x1x1x80xi32, #tpu.memory_space<hbm>>
      %dma_wait3A_420 = tpu.memref_squeeze %dma_wait3A_419 : memref<1x1x1x80xi32, #tpu.memory_space<hbm>> -> memref<1x80xi32, #tpu.memory_space<hbm>>
      tpu.wait_dma2 semaphore(%arg12 : memref<!tpu.dma_semaphore, #tpu.memory_space<semaphore_mem>>) src(%dma_wait3A_420 : memref<1x80xi32, #tpu.memory_space<hbm>>) dst(%dma_wait3A_416 : memref<1x80xi32, #tpu.memory_space<vmem>>)
      %dma_wait3A_421 = arith.constant 0 : i32
      %dma_wait3A_422 = arith.constant 0 : i32
      %dma_wait3A_423 = tpu.memref_slice %arg8[%select_n3A_404, %dma_wait3A_421, %dma_wait3A_422] : memref<6x1x80xi32, #tpu.memory_space<vmem>> -> memref<1x1x80xi32, #tpu.memory_space<vmem>>
      %dma_wait3A_424 = tpu.memref_squeeze %dma_wait3A_423 : memref<1x1x80xi32, #tpu.memory_space<vmem>> -> memref<1x80xi32, #tpu.memory_space<vmem>>
      %dma_wait3A_425 = arith.constant 0 : i32
      %dma_wait3A_426 = arith.constant 0 : i32
      %dma_wait3A_427 = tpu.memref_slice %arg4[%add3A, %min3A_337, %dma_wait3A_425, %dma_wait3A_426] : memref<32x125x1x80xi32, #tpu.memory_space<hbm>> -> memref<1x1x1x80xi32, #tpu.memory_space<hbm>>
      %dma_wait3A_428 = tpu.memref_squeeze %dma_wait3A_427 : memref<1x1x1x80xi32, #tpu.memory_space<hbm>> -> memref<1x80xi32, #tpu.memory_space<hbm>>
      %dma_wait3A_429 = arith.constant 0 : i32
      %dma_wait3A_430 = arith.constant 0 : i32
      %dma_wait3A_431 = tpu.memref_slice %arg8[%select_n3A_404, %dma_wait3A_429, %dma_wait3A_430] : memref<6x1x80xi32, #tpu.memory_space<vmem>> -> memref<1x1x80xi32, #tpu.memory_space<vmem>>
      %dma_wait3A_432 = tpu.memref_squeeze %dma_wait3A_431 : memref<1x1x80xi32, #tpu.memory_space<vmem>> -> memref<1x80xi32, #tpu.memory_space<vmem>>
      %dma_wait3A_433 = arith.constant 0 : i32
      %dma_wait3A_434 = arith.constant 0 : i32
      %dma_wait3A_435 = tpu.memref_slice %arg4[%add3A, %min3A_337, %dma_wait3A_433, %dma_wait3A_434] : memref<32x125x1x80xi32, #tpu.memory_space<hbm>> -> memref<1x1x1x80xi32, #tpu.memory_space<hbm>>
      %dma_wait3A_436 = tpu.memref_squeeze %dma_wait3A_435 : memref<1x1x1x80xi32, #tpu.memory_space<hbm>> -> memref<1x80xi32, #tpu.memory_space<hbm>>
      tpu.wait_dma2 semaphore(%arg12 : memref<!tpu.dma_semaphore, #tpu.memory_space<semaphore_mem>>) src(%dma_wait3A_436 : memref<1x80xi32, #tpu.memory_space<hbm>>) dst(%dma_wait3A_432 : memref<1x80xi32, #tpu.memory_space<vmem>>)
      %jit3A_437 = arith.constant 6 : i32
      %eq3A_438 = arith.constant 0 : i32
      %eq3A_439 = arith.cmpi eq, %jit3A_437, %eq3A_438 : i32
      %jit3A_440 = arith.constant 1 : i32
      %select_n3A_441 = arith.select %eq3A_439, %jit3A_440, %jit3A_437 : i32
      %rem3A_442 = arith.remsi %scan3A_333, %select_n3A_441 : i32
      %ne3A_443 = arith.constant 0 : i32
      %ne3A_444 = arith.cmpi ne, %rem3A_442, %ne3A_443 : i32
      %lt3A_445 = arith.constant 0 : i32
      %lt3A_446 = arith.cmpi slt, %rem3A_442, %lt3A_445 : i32
      %lt3A_447 = arith.constant 0 : i32
      %lt3A_448 = arith.cmpi slt, %select_n3A_441, %lt3A_447 : i32
      %ne3A_449 = arith.xori %lt3A_446, %lt3A_448 : i1
      %and3A_450 = arith.andi %ne3A_449, %ne3A_444 : i1
      %add3A_451 = arith.addi %rem3A_442, %select_n3A_441 : i32
      %select_n3A_452 = arith.select %and3A_450, %add3A_451, %rem3A_442 : i32
      %jit3A_453 = arith.constant 4 : i32
      %eq3A_454 = arith.constant 0 : i32
      %eq3A_455 = arith.cmpi eq, %jit3A_453, %eq3A_454 : i32
      %jit3A_456 = arith.constant 1 : i32
      %select_n3A_457 = arith.select %eq3A_455, %jit3A_456, %jit3A_453 : i32
      %rem3A_458 = arith.remsi %scan3A_333, %select_n3A_457 : i32
      %ne3A_459 = arith.constant 0 : i32
      %ne3A_460 = arith.cmpi ne, %rem3A_458, %ne3A_459 : i32
      %lt3A_461 = arith.constant 0 : i32
      %lt3A_462 = arith.cmpi slt, %rem3A_458, %lt3A_461 : i32
      %lt3A_463 = arith.constant 0 : i32
      %lt3A_464 = arith.cmpi slt, %select_n3A_457, %lt3A_463 : i32
      %ne3A_465 = arith.xori %lt3A_462, %lt3A_464 : i1
      %and3A_466 = arith.andi %ne3A_465, %ne3A_460 : i1
      %add3A_467 = arith.addi %rem3A_458, %select_n3A_457 : i32
      %select_n3A_468 = arith.select %and3A_466, %add3A_467, %rem3A_458 : i32
      %dma_wait3A_469 = arith.constant 0 : i32
      %dma_wait3A_470 = arith.constant 0 : i32
      %dma_wait3A_471 = arith.constant 0 : i32
      %dma_wait3A_472 = tpu.memref_slice %arg9[%select_n3A_468, %dma_wait3A_470, %dma_wait3A_471] : memref<4x80x128xf32, #tpu.memory_space<vmem>> -> memref<1x80x128xf32, #tpu.memory_space<vmem>>
      %dma_wait3A_473 = tpu.memref_squeeze %dma_wait3A_472 : memref<1x80x128xf32, #tpu.memory_space<vmem>> -> memref<80x128xf32, #tpu.memory_space<vmem>>
      %dma_wait3A_474 = arith.constant 0 : i32
      %dma_wait3A_475 = tpu.memref_slice %arg7[%select_n3A_452, %dma_wait3A_469, %dma_wait3A_474] : memref<6x1x80xi32, #tpu.memory_space<vmem>> -> memref<1x1x80xi32, #tpu.memory_space<vmem>>
      %dma_wait3A_476 = tpu.memref_squeeze %dma_wait3A_475 : memref<1x1x80xi32, #tpu.memory_space<vmem>> -> memref<80xi32, #tpu.memory_space<vmem>>
      %dma_wait3A_477 = arith.constant 0 : i32
      %dma_wait3A_478 = arith.constant 0 : i32
      %dma_wait3A_479 = tpu.memref_slice %arg2[%scan3A_223, %dma_wait3A_477, %dma_wait3A_478] : memref<1x10000x128xf32, #tpu.memory_space<hbm>> -> memref<1x10000x128xf32, #tpu.memory_space<hbm>>
      %dma_wait3A_480 = tpu.memref_squeeze %dma_wait3A_479 : memref<1x10000x128xf32, #tpu.memory_space<hbm>> -> memref<10000x128xf32, #tpu.memory_space<hbm>>
      %dma_wait3A_481 = arith.constant 0 : i32
      %dma_wait3A_482 = arith.constant 0 : i32
      %dma_wait3A_483 = tpu.memref_slice %dma_wait3A_480[%dma_wait3A_481, %dma_wait3A_482] : memref<10000x128xf32, #tpu.memory_space<hbm>> -> memref<10000x128xf32, #tpu.memory_space<hbm>>
      tpu.wait_indirect_dma semaphore(%arg11 : memref<!tpu.dma_semaphore, #tpu.memory_space<semaphore_mem>>) src(%dma_wait3A_483 : memref<10000x128xf32, #tpu.memory_space<hbm>>) dst(%dma_wait3A_473 : memref<80x128xf32, #tpu.memory_space<vmem>>)
      %add3A_484 = arith.constant 2 : i32
      %add3A_485 = arith.addi %scan3A_333, %add3A_484 : i32
      %jit3A_486 = arith.constant 6 : i32
      %eq3A_487 = arith.constant 0 : i32
      %eq3A_488 = arith.cmpi eq, %jit3A_486, %eq3A_487 : i32
      %jit3A_489 = arith.constant 1 : i32
      %select_n3A_490 = arith.select %eq3A_488, %jit3A_489, %jit3A_486 : i32
      %rem3A_491 = arith.remsi %add3A_485, %select_n3A_490 : i32
      %ne3A_492 = arith.constant 0 : i32
      %ne3A_493 = arith.cmpi ne, %rem3A_491, %ne3A_492 : i32
      %lt3A_494 = arith.constant 0 : i32
      %lt3A_495 = arith.cmpi slt, %rem3A_491, %lt3A_494 : i32
      %lt3A_496 = arith.constant 0 : i32
      %lt3A_497 = arith.cmpi slt, %select_n3A_490, %lt3A_496 : i32
      %ne3A_498 = arith.xori %lt3A_495, %lt3A_497 : i1
      %and3A_499 = arith.andi %ne3A_498, %ne3A_493 : i1
      %add3A_500 = arith.addi %rem3A_491, %select_n3A_490 : i32
      %select_n3A_501 = arith.select %and3A_499, %add3A_500, %rem3A_491 : i32
      %add3A_502 = arith.constant 2 : i32
      %add3A_503 = arith.addi %scan3A_333, %add3A_502 : i32
      %jit3A_504 = arith.constant 4 : i32
      %eq3A_505 = arith.constant 0 : i32
      %eq3A_506 = arith.cmpi eq, %jit3A_504, %eq3A_505 : i32
      %jit3A_507 = arith.constant 1 : i32
      %select_n3A_508 = arith.select %eq3A_506, %jit3A_507, %jit3A_504 : i32
      %rem3A_509 = arith.remsi %add3A_503, %select_n3A_508 : i32
      %ne3A_510 = arith.constant 0 : i32
      %ne3A_511 = arith.cmpi ne, %rem3A_509, %ne3A_510 : i32
      %lt3A_512 = arith.constant 0 : i32
      %lt3A_513 = arith.cmpi slt, %rem3A_509, %lt3A_512 : i32
      %lt3A_514 = arith.constant 0 : i32
      %lt3A_515 = arith.cmpi slt, %select_n3A_508, %lt3A_514 : i32
      %ne3A_516 = arith.xori %lt3A_513, %lt3A_515 : i1
      %and3A_517 = arith.andi %ne3A_516, %ne3A_511 : i1
      %add3A_518 = arith.addi %rem3A_509, %select_n3A_508 : i32
      %select_n3A_519 = arith.select %and3A_517, %add3A_518, %rem3A_509 : i32
      %dma_start3A_520 = arith.constant 0 : i32
      %dma_start3A_521 = arith.constant 0 : i32
      %dma_start3A_522 = arith.constant 0 : i32
      %dma_start3A_523 = tpu.memref_slice %arg9[%select_n3A_519, %dma_start3A_521, %dma_start3A_522] : memref<4x80x128xf32, #tpu.memory_space<vmem>> -> memref<1x80x128xf32, #tpu.memory_space<vmem>>
      %dma_start3A_524 = tpu.memref_squeeze %dma_start3A_523 : memref<1x80x128xf32, #tpu.memory_space<vmem>> -> memref<80x128xf32, #tpu.memory_space<vmem>>
      %dma_start3A_525 = arith.constant 0 : i32
      %dma_start3A_526 = tpu.memref_slice %arg7[%select_n3A_501, %dma_start3A_520, %dma_start3A_525] : memref<6x1x80xi32, #tpu.memory_space<vmem>> -> memref<1x1x80xi32, #tpu.memory_space<vmem>>
      %dma_start3A_527 = tpu.memref_squeeze %dma_start3A_526 : memref<1x1x80xi32, #tpu.memory_space<vmem>> -> memref<80xi32, #tpu.memory_space<vmem>>
      %dma_start3A_528 = arith.constant 0 : i32
      %dma_start3A_529 = arith.constant 0 : i32
      %dma_start3A_530 = tpu.memref_slice %arg2[%scan3A_223, %dma_start3A_528, %dma_start3A_529] : memref<1x10000x128xf32, #tpu.memory_space<hbm>> -> memref<1x10000x128xf32, #tpu.memory_space<hbm>>
      %dma_start3A_531 = tpu.memref_squeeze %dma_start3A_530 : memref<1x10000x128xf32, #tpu.memory_space<hbm>> -> memref<10000x128xf32, #tpu.memory_space<hbm>>
      %dma_start3A_532 = arith.constant 0 : i32
      %dma_start3A_533 = arith.constant 0 : i32
      %dma_start3A_534 = tpu.memref_slice %dma_start3A_531[%dma_start3A_532, %dma_start3A_533] : memref<10000x128xf32, #tpu.memory_space<hbm>> -> memref<10000x128xf32, #tpu.memory_space<hbm>>
      tpu.enqueue_indirect_dma source(%dma_start3A_534 : memref<10000x128xf32, #tpu.memory_space<hbm>>) target(%dma_start3A_524 : memref<80x128xf32, #tpu.memory_space<vmem>>) offsets(%dma_start3A_527 : memref<80xi32, #tpu.memory_space<vmem>>) semaphore(%arg11 : memref<!tpu.dma_semaphore, #tpu.memory_space<semaphore_mem>>)
      %jit3A_535 = arith.constant 6 : i32
      %eq3A_536 = arith.constant 0 : i32
      %eq3A_537 = arith.cmpi eq, %jit3A_535, %eq3A_536 : i32
      %jit3A_538 = arith.constant 1 : i32
      %select_n3A_539 = arith.select %eq3A_537, %jit3A_538, %jit3A_535 : i32
      %rem3A_540 = arith.remsi %scan3A_333, %select_n3A_539 : i32
      %ne3A_541 = arith.constant 0 : i32
      %ne3A_542 = arith.cmpi ne, %rem3A_540, %ne3A_541 : i32
      %lt3A_543 = arith.constant 0 : i32
      %lt3A_544 = arith.cmpi slt, %rem3A_540, %lt3A_543 : i32
      %lt3A_545 = arith.constant 0 : i32
      %lt3A_546 = arith.cmpi slt, %select_n3A_539, %lt3A_545 : i32
      %ne3A_547 = arith.xori %lt3A_544, %lt3A_546 : i1
      %and3A_548 = arith.andi %ne3A_547, %ne3A_542 : i1
      %add3A_549 = arith.addi %rem3A_540, %select_n3A_539 : i32
      %select_n3A_550 = arith.select %and3A_548, %add3A_549, %rem3A_540 : i32
      %jit3A_551 = arith.constant 4 : i32
      %eq3A_552 = arith.constant 0 : i32
      %eq3A_553 = arith.cmpi eq, %jit3A_551, %eq3A_552 : i32
      %jit3A_554 = arith.constant 1 : i32
      %select_n3A_555 = arith.select %eq3A_553, %jit3A_554, %jit3A_551 : i32
      %rem3A_556 = arith.remsi %scan3A_333, %select_n3A_555 : i32
      %ne3A_557 = arith.constant 0 : i32
      %ne3A_558 = arith.cmpi ne, %rem3A_556, %ne3A_557 : i32
      %lt3A_559 = arith.constant 0 : i32
      %lt3A_560 = arith.cmpi slt, %rem3A_556, %lt3A_559 : i32
      %lt3A_561 = arith.constant 0 : i32
      %lt3A_562 = arith.cmpi slt, %select_n3A_555, %lt3A_561 : i32
      %ne3A_563 = arith.xori %lt3A_560, %lt3A_562 : i1
      %and3A_564 = arith.andi %ne3A_563, %ne3A_558 : i1
      %add3A_565 = arith.addi %rem3A_556, %select_n3A_555 : i32
      %select_n3A_566 = arith.select %and3A_564, %add3A_565, %rem3A_556 : i32
      %dma_start3A_567 = arith.constant 0 : i32
      %dma_start3A_568 = arith.constant 0 : i32
      %dma_start3A_569 = arith.constant 0 : i32
      %dma_start3A_570 = tpu.memref_slice %arg9[%select_n3A_566, %dma_start3A_568, %dma_start3A_569] : memref<4x80x128xf32, #tpu.memory_space<vmem>> -> memref<1x80x128xf32, #tpu.memory_space<vmem>>
      %dma_start3A_571 = tpu.memref_squeeze %dma_start3A_570 : memref<1x80x128xf32, #tpu.memory_space<vmem>> -> memref<80x128xf32, #tpu.memory_space<vmem>>
      %dma_start3A_572 = arith.constant 0 : i32
      %dma_start3A_573 = tpu.memref_slice %arg8[%select_n3A_550, %dma_start3A_567, %dma_start3A_572] : memref<6x1x80xi32, #tpu.memory_space<vmem>> -> memref<1x1x80xi32, #tpu.memory_space<vmem>>
      %dma_start3A_574 = tpu.memref_squeeze %dma_start3A_573 : memref<1x1x80xi32, #tpu.memory_space<vmem>> -> memref<80xi32, #tpu.memory_space<vmem>>
      %dma_start3A_575 = arith.constant 0 : i32
      %dma_start3A_576 = arith.constant 0 : i32
      %dma_start3A_577 = tpu.memref_slice %arg10[%dma_start3A_575, %dma_start3A_576] : memref<10112x128xf32, #tpu.memory_space<vmem_shared>> -> memref<10112x128xf32, #tpu.memory_space<vmem_shared>>
      tpu.enqueue_indirect_dma source(%dma_start3A_571 : memref<80x128xf32, #tpu.memory_space<vmem>>) target(%dma_start3A_577 : memref<10112x128xf32, #tpu.memory_space<vmem_shared>>) offsets(%dma_start3A_574 : memref<80xi32, #tpu.memory_space<vmem>>) semaphore(%arg13 : memref<!tpu.dma_semaphore, #tpu.memory_space<semaphore_mem>>) {add = true}
    }
    %scan3A_228 = arith.constant 125 : i32
    %dma_wait3A_229 = arith.constant 3 : i32
    %dma_wait3A_230 = arith.constant 3 : i32
    %dma_wait3A_231 = arith.constant 0 : i32
    %dma_wait3A_232 = arith.constant 0 : i32
    %dma_wait3A_233 = arith.constant 0 : i32
    %dma_wait3A_234 = tpu.memref_slice %arg9[%dma_wait3A_229, %dma_wait3A_232, %dma_wait3A_233] : memref<4x80x128xf32, #tpu.memory_space<vmem>> -> memref<1x80x128xf32, #tpu.memory_space<vmem>>
    %dma_wait3A_235 = tpu.memref_squeeze %dma_wait3A_234 : memref<1x80x128xf32, #tpu.memory_space<vmem>> -> memref<80x128xf32, #tpu.memory_space<vmem>>
    %dma_wait3A_236 = arith.constant 0 : i32
    %dma_wait3A_237 = tpu.memref_slice %arg8[%dma_wait3A_230, %dma_wait3A_231, %dma_wait3A_236] : memref<6x1x80xi32, #tpu.memory_space<vmem>> -> memref<1x1x80xi32, #tpu.memory_space<vmem>>
    %dma_wait3A_238 = tpu.memref_squeeze %dma_wait3A_237 : memref<1x1x80xi32, #tpu.memory_space<vmem>> -> memref<80xi32, #tpu.memory_space<vmem>>
    %dma_wait3A_239 = arith.constant 0 : i32
    %dma_wait3A_240 = arith.constant 0 : i32
    %dma_wait3A_241 = tpu.memref_slice %arg10[%dma_wait3A_239, %dma_wait3A_240] : memref<10112x128xf32, #tpu.memory_space<vmem_shared>> -> memref<10112x128xf32, #tpu.memory_space<vmem_shared>>
    tpu.wait_indirect_dma semaphore(%arg13 : memref<!tpu.dma_semaphore, #tpu.memory_space<semaphore_mem>>) src(%dma_wait3A_235 : memref<80x128xf32, #tpu.memory_space<vmem>>) dst(%dma_wait3A_241 : memref<10112x128xf32, #tpu.memory_space<vmem_shared>>)
    %dma_wait3A_242 = arith.constant 0 : i32
    %dma_wait3A_243 = arith.constant 4 : i32
    %dma_wait3A_244 = arith.constant 0 : i32
    %dma_wait3A_245 = arith.constant 0 : i32
    %dma_wait3A_246 = arith.constant 0 : i32
    %dma_wait3A_247 = tpu.memref_slice %arg9[%dma_wait3A_242, %dma_wait3A_245, %dma_wait3A_246] : memref<4x80x128xf32, #tpu.memory_space<vmem>> -> memref<1x80x128xf32, #tpu.memory_space<vmem>>
    %dma_wait3A_248 = tpu.memref_squeeze %dma_wait3A_247 : memref<1x80x128xf32, #tpu.memory_space<vmem>> -> memref<80x128xf32, #tpu.memory_space<vmem>>
    %dma_wait3A_249 = arith.constant 0 : i32
    %dma_wait3A_250 = tpu.memref_slice %arg8[%dma_wait3A_243, %dma_wait3A_244, %dma_wait3A_249] : memref<6x1x80xi32, #tpu.memory_space<vmem>> -> memref<1x1x80xi32, #tpu.memory_space<vmem>>
    %dma_wait3A_251 = tpu.memref_squeeze %dma_wait3A_250 : memref<1x1x80xi32, #tpu.memory_space<vmem>> -> memref<80xi32, #tpu.memory_space<vmem>>
    %dma_wait3A_252 = arith.constant 0 : i32
    %dma_wait3A_253 = arith.constant 0 : i32
    %dma_wait3A_254 = tpu.memref_slice %arg10[%dma_wait3A_252, %dma_wait3A_253] : memref<10112x128xf32, #tpu.memory_space<vmem_shared>> -> memref<10112x128xf32, #tpu.memory_space<vmem_shared>>
    tpu.wait_indirect_dma semaphore(%arg13 : memref<!tpu.dma_semaphore, #tpu.memory_space<semaphore_mem>>) src(%dma_wait3A_248 : memref<80x128xf32, #tpu.memory_space<vmem>>) dst(%dma_wait3A_254 : memref<10112x128xf32, #tpu.memory_space<vmem_shared>>)
    %dma_wait3A_255 = arith.constant 0 : i32
    %dma_wait3A_256 = arith.constant 5 : i32
    %dma_wait3A_257 = arith.constant 0 : i32
    %dma_wait3A_258 = arith.constant 1 : i32
    %dma_wait3A_259 = arith.constant 0 : i32
    %dma_wait3A_260 = arith.constant 0 : i32
    %dma_wait3A_261 = tpu.memref_slice %arg9[%dma_wait3A_258, %dma_wait3A_259, %dma_wait3A_260] : memref<4x80x128xf32, #tpu.memory_space<vmem>> -> memref<1x80x128xf32, #tpu.memory_space<vmem>>
    %dma_wait3A_262 = tpu.memref_squeeze %dma_wait3A_261 : memref<1x80x128xf32, #tpu.memory_space<vmem>> -> memref<80x128xf32, #tpu.memory_space<vmem>>
    %dma_wait3A_263 = arith.constant 0 : i32
    %dma_wait3A_264 = tpu.memref_slice %arg7[%dma_wait3A_256, %dma_wait3A_257, %dma_wait3A_263] : memref<6x1x80xi32, #tpu.memory_space<vmem>> -> memref<1x1x80xi32, #tpu.memory_space<vmem>>
    %dma_wait3A_265 = tpu.memref_squeeze %dma_wait3A_264 : memref<1x1x80xi32, #tpu.memory_space<vmem>> -> memref<80xi32, #tpu.memory_space<vmem>>
    %dma_wait3A_266 = arith.constant 0 : i32
    %dma_wait3A_267 = arith.constant 0 : i32
    %dma_wait3A_268 = tpu.memref_slice %arg2[%dma_wait3A_255, %dma_wait3A_266, %dma_wait3A_267] : memref<1x10000x128xf32, #tpu.memory_space<hbm>> -> memref<1x10000x128xf32, #tpu.memory_space<hbm>>
    %dma_wait3A_269 = tpu.memref_squeeze %dma_wait3A_268 : memref<1x10000x128xf32, #tpu.memory_space<hbm>> -> memref<10000x128xf32, #tpu.memory_space<hbm>>
    %dma_wait3A_270 = arith.constant 0 : i32
    %dma_wait3A_271 = arith.constant 0 : i32
    %dma_wait3A_272 = tpu.memref_slice %dma_wait3A_269[%dma_wait3A_270, %dma_wait3A_271] : memref<10000x128xf32, #tpu.memory_space<hbm>> -> memref<10000x128xf32, #tpu.memory_space<hbm>>
    tpu.wait_indirect_dma semaphore(%arg11 : memref<!tpu.dma_semaphore, #tpu.memory_space<semaphore_mem>>) src(%dma_wait3A_272 : memref<10000x128xf32, #tpu.memory_space<hbm>>) dst(%dma_wait3A_262 : memref<80x128xf32, #tpu.memory_space<vmem>>)
    %dma_wait3A_273 = arith.constant 0 : i32
    %dma_wait3A_274 = arith.constant 0 : i32
    %dma_wait3A_275 = arith.constant 0 : i32
    %dma_wait3A_276 = arith.constant 2 : i32
    %dma_wait3A_277 = arith.constant 0 : i32
    %dma_wait3A_278 = arith.constant 0 : i32
    %dma_wait3A_279 = tpu.memref_slice %arg9[%dma_wait3A_276, %dma_wait3A_277, %dma_wait3A_278] : memref<4x80x128xf32, #tpu.memory_space<vmem>> -> memref<1x80x128xf32, #tpu.memory_space<vmem>>
    %dma_wait3A_280 = tpu.memref_squeeze %dma_wait3A_279 : memref<1x80x128xf32, #tpu.memory_space<vmem>> -> memref<80x128xf32, #tpu.memory_space<vmem>>
    %dma_wait3A_281 = arith.constant 0 : i32
    %dma_wait3A_282 = tpu.memref_slice %arg7[%dma_wait3A_274, %dma_wait3A_275, %dma_wait3A_281] : memref<6x1x80xi32, #tpu.memory_space<vmem>> -> memref<1x1x80xi32, #tpu.memory_space<vmem>>
    %dma_wait3A_283 = tpu.memref_squeeze %dma_wait3A_282 : memref<1x1x80xi32, #tpu.memory_space<vmem>> -> memref<80xi32, #tpu.memory_space<vmem>>
    %dma_wait3A_284 = arith.constant 0 : i32
    %dma_wait3A_285 = arith.constant 0 : i32
    %dma_wait3A_286 = tpu.memref_slice %arg2[%dma_wait3A_273, %dma_wait3A_284, %dma_wait3A_285] : memref<1x10000x128xf32, #tpu.memory_space<hbm>> -> memref<1x10000x128xf32, #tpu.memory_space<hbm>>
    %dma_wait3A_287 = tpu.memref_squeeze %dma_wait3A_286 : memref<1x10000x128xf32, #tpu.memory_space<hbm>> -> memref<10000x128xf32, #tpu.memory_space<hbm>>
    %dma_wait3A_288 = arith.constant 0 : i32
    %dma_wait3A_289 = arith.constant 0 : i32
    %dma_wait3A_290 = tpu.memref_slice %dma_wait3A_287[%dma_wait3A_288, %dma_wait3A_289] : memref<10000x128xf32, #tpu.memory_space<hbm>> -> memref<10000x128xf32, #tpu.memory_space<hbm>>
    tpu.wait_indirect_dma semaphore(%arg11 : memref<!tpu.dma_semaphore, #tpu.memory_space<semaphore_mem>>) src(%dma_wait3A_290 : memref<10000x128xf32, #tpu.memory_space<hbm>>) dst(%dma_wait3A_280 : memref<80x128xf32, #tpu.memory_space<vmem>>)
    %dma_wait3A_291 = arith.constant 124 : i32
    %dma_wait3A_292 = arith.constant 1 : i32
    %dma_wait3A_293 = arith.constant 0 : i32
    %dma_wait3A_294 = arith.constant 0 : i32
    %dma_wait3A_295 = tpu.memref_slice %arg7[%dma_wait3A_292, %dma_wait3A_293, %dma_wait3A_294] : memref<6x1x80xi32, #tpu.memory_space<vmem>> -> memref<1x1x80xi32, #tpu.memory_space<vmem>>
    %dma_wait3A_296 = tpu.memref_squeeze %dma_wait3A_295 : memref<1x1x80xi32, #tpu.memory_space<vmem>> -> memref<1x80xi32, #tpu.memory_space<vmem>>
    %dma_wait3A_297 = arith.constant 0 : i32
    %dma_wait3A_298 = arith.constant 0 : i32
    %dma_wait3A_299 = tpu.memref_slice %arg3[%add3A, %dma_wait3A_291, %dma_wait3A_297, %dma_wait3A_298] : memref<32x125x1x80xi32, #tpu.memory_space<hbm>> -> memref<1x1x1x80xi32, #tpu.memory_space<hbm>>
    %dma_wait3A_300 = tpu.memref_squeeze %dma_wait3A_299 : memref<1x1x1x80xi32, #tpu.memory_space<hbm>> -> memref<1x80xi32, #tpu.memory_space<hbm>>
    %dma_wait3A_301 = arith.constant 0 : i32
    %dma_wait3A_302 = arith.constant 0 : i32
    %dma_wait3A_303 = tpu.memref_slice %arg7[%dma_wait3A_292, %dma_wait3A_301, %dma_wait3A_302] : memref<6x1x80xi32, #tpu.memory_space<vmem>> -> memref<1x1x80xi32, #tpu.memory_space<vmem>>
    %dma_wait3A_304 = tpu.memref_squeeze %dma_wait3A_303 : memref<1x1x80xi32, #tpu.memory_space<vmem>> -> memref<1x80xi32, #tpu.memory_space<vmem>>
    %dma_wait3A_305 = arith.constant 0 : i32
    %dma_wait3A_306 = arith.constant 0 : i32
    %dma_wait3A_307 = tpu.memref_slice %arg3[%add3A, %dma_wait3A_291, %dma_wait3A_305, %dma_wait3A_306] : memref<32x125x1x80xi32, #tpu.memory_space<hbm>> -> memref<1x1x1x80xi32, #tpu.memory_space<hbm>>
    %dma_wait3A_308 = tpu.memref_squeeze %dma_wait3A_307 : memref<1x1x1x80xi32, #tpu.memory_space<hbm>> -> memref<1x80xi32, #tpu.memory_space<hbm>>
    tpu.wait_dma2 semaphore(%arg12 : memref<!tpu.dma_semaphore, #tpu.memory_space<semaphore_mem>>) src(%dma_wait3A_308 : memref<1x80xi32, #tpu.memory_space<hbm>>) dst(%dma_wait3A_304 : memref<1x80xi32, #tpu.memory_space<vmem>>)
    %dma_wait3A_309 = arith.constant 124 : i32
    %dma_wait3A_310 = arith.constant 1 : i32
    %dma_wait3A_311 = arith.constant 0 : i32
    %dma_wait3A_312 = arith.constant 0 : i32
    %dma_wait3A_313 = tpu.memref_slice %arg8[%dma_wait3A_310, %dma_wait3A_311, %dma_wait3A_312] : memref<6x1x80xi32, #tpu.memory_space<vmem>> -> memref<1x1x80xi32, #tpu.memory_space<vmem>>
    %dma_wait3A_314 = tpu.memref_squeeze %dma_wait3A_313 : memref<1x1x80xi32, #tpu.memory_space<vmem>> -> memref<1x80xi32, #tpu.memory_space<vmem>>
    %dma_wait3A_315 = arith.constant 0 : i32
    %dma_wait3A_316 = arith.constant 0 : i32
    %dma_wait3A_317 = tpu.memref_slice %arg4[%add3A, %dma_wait3A_309, %dma_wait3A_315, %dma_wait3A_316] : memref<32x125x1x80xi32, #tpu.memory_space<hbm>> -> memref<1x1x1x80xi32, #tpu.memory_space<hbm>>
    %dma_wait3A_318 = tpu.memref_squeeze %dma_wait3A_317 : memref<1x1x1x80xi32, #tpu.memory_space<hbm>> -> memref<1x80xi32, #tpu.memory_space<hbm>>
    %dma_wait3A_319 = arith.constant 0 : i32
    %dma_wait3A_320 = arith.constant 0 : i32
    %dma_wait3A_321 = tpu.memref_slice %arg8[%dma_wait3A_310, %dma_wait3A_319, %dma_wait3A_320] : memref<6x1x80xi32, #tpu.memory_space<vmem>> -> memref<1x1x80xi32, #tpu.memory_space<vmem>>
    %dma_wait3A_322 = tpu.memref_squeeze %dma_wait3A_321 : memref<1x1x80xi32, #tpu.memory_space<vmem>> -> memref<1x80xi32, #tpu.memory_space<vmem>>
    %dma_wait3A_323 = arith.constant 0 : i32
    %dma_wait3A_324 = arith.constant 0 : i32
    %dma_wait3A_325 = tpu.memref_slice %arg4[%add3A, %dma_wait3A_309, %dma_wait3A_323, %dma_wait3A_324] : memref<32x125x1x80xi32, #tpu.memory_space<hbm>> -> memref<1x1x1x80xi32, #tpu.memory_space<hbm>>
    %dma_wait3A_326 = tpu.memref_squeeze %dma_wait3A_325 : memref<1x1x1x80xi32, #tpu.memory_space<hbm>> -> memref<1x80xi32, #tpu.memory_space<hbm>>
    tpu.wait_dma2 semaphore(%arg12 : memref<!tpu.dma_semaphore, #tpu.memory_space<semaphore_mem>>) src(%dma_wait3A_326 : memref<1x80xi32, #tpu.memory_space<hbm>>) dst(%dma_wait3A_322 : memref<1x80xi32, #tpu.memory_space<vmem>>)
    %barrier3A_327 = arith.constant 0 : index
    tpu.barrier barrier_id(%barrier3A_327)
    %mul3A_328 = arith.constant 632 : i32
    %mul3A_329 = arith.muli %arg1, %mul3A_328 : i32
    %mul3A_330 = arith.constant 10112 : i32
    %mul3A_331 = arith.muli %arg0, %mul3A_330 : i32
    %add3A_332 = arith.addi %mul3A_331, %mul3A_329 : i32
    "tpu.region"() ({
      %run_scoped3A = tpu.sem_alloc : memref<!tpu.dma_semaphore, #tpu.memory_space<semaphore_mem>>
      %dma_start3A_333 = arith.constant 0 : i32
      %dma_start3A_334 = tpu.memref_slice %arg6[%add3A_332, %dma_start3A_333] : memref<20224x128xf32, #tpu.memory_space<hbm>> -> memref<632x128xf32, #tpu.memory_space<hbm>>
      %dma_start3A_335 = arith.constant 0 : i32
      %dma_start3A_336 = tpu.memref_slice %arg10[%mul3A_329, %dma_start3A_335] : memref<10112x128xf32, #tpu.memory_space<vmem_shared>> -> memref<632x128xf32, #tpu.memory_space<vmem_shared>>
      tpu.enqueue_dma source(%dma_start3A_336 : memref<632x128xf32, #tpu.memory_space<vmem_shared>>) target(%dma_start3A_334 : memref<632x128xf32, #tpu.memory_space<hbm>>) target_semaphore(%run_scoped3A : memref<!tpu.dma_semaphore, #tpu.memory_space<semaphore_mem>>)
      %dma_wait3A_337 = arith.constant 0 : i32
      %dma_wait3A_338 = tpu.memref_slice %arg6[%add3A_332, %dma_wait3A_337] : memref<20224x128xf32, #tpu.memory_space<hbm>> -> memref<632x128xf32, #tpu.memory_space<hbm>>
      %dma_wait3A_339 = arith.constant 0 : i32
      %dma_wait3A_340 = tpu.memref_slice %arg10[%mul3A_329, %dma_wait3A_339] : memref<10112x128xf32, #tpu.memory_space<vmem_shared>> -> memref<632x128xf32, #tpu.memory_space<vmem_shared>>
      tpu.wait_dma2 semaphore(%run_scoped3A : memref<!tpu.dma_semaphore, #tpu.memory_space<semaphore_mem>>) src(%dma_wait3A_340 : memref<632x128xf32, #tpu.memory_space<vmem_shared>>) dst(%dma_wait3A_338 : memref<632x128xf32, #tpu.memory_space<hbm>>)
      tpu.yield
    }) : () -> ()
    return
  }
}

#map = affine_map<(d0, d1) -> (0, 0, 0)>
#map1 = affine_map<(d0, d1) -> (0, 0, 0, 0)>
#map2 = affine_map<(d0, d1) -> (0, 0)>
module attributes {stable_mosaic.version = 14 : i64} {
  func.func @k(%arg0: i32, %arg1: i32, %arg2: memref<2x10000x128xf32, #tpu.memory_space<hbm>>, %arg3: memref<16x250x1x80xi32, #tpu.memory_space<hbm>>, %arg4: memref<16x250x1x80xi32, #tpu.memory_space<hbm>>, %arg5: memref<632x128xf32, #tpu.memory_space<hbm>>, %arg6: memref<20224x128xf32, #tpu.memory_space<hbm>>, %arg7: memref<6x1x80xi32, #tpu.memory_space<vmem>>, %arg8: memref<6x1x80xi32, #tpu.memory_space<vmem>>, %arg9: memref<4x80x128xf32, #tpu.memory_space<vmem>>, %arg10: memref<10112x128xf32, #tpu.memory_space<vmem_shared>>, %arg11: memref<!tpu.dma_semaphore, #tpu.memory_space<semaphore_mem>>, %arg12: memref<!tpu.dma_semaphore, #tpu.memory_space<semaphore_mem>>, %arg13: memref<!tpu.dma_semaphore, #tpu.memory_space<semaphore_mem>>) attributes {dimension_semantics = [#tpu.dimension_semantics<core_parallel>, #tpu.dimension_semantics<subcore_parallel>], iteration_bounds = array<i64: 2, 16>, scalar_prefetch = 0 : i64, scratch_operands = 7 : i64, tpu.core_type = #tpu.core_type<sc_vector_subcore>, window_params = [{transform_indices = #map}, {transform_indices = #map1}, {transform_indices = #map1}, {transform_indices = #map2}, {transform_indices = #map2}]} {
    %mul3A = arith.constant 632 : i32
    %mul3A_0 = arith.muli %arg1, %mul3A : i32
    %dma_start3A = arith.constant 0 : i32
    %dma_start3A_1 = tpu.memref_slice %arg10[%mul3A_0, %dma_start3A] : memref<10112x128xf32, #tpu.memory_space<vmem_shared>> -> memref<632x128xf32, #tpu.memory_space<vmem_shared>>
    tpu.enqueue_dma source(%arg5 : memref<632x128xf32, #tpu.memory_space<hbm>>) target(%dma_start3A_1 : memref<632x128xf32, #tpu.memory_space<vmem_shared>>) target_semaphore(%arg13 : memref<!tpu.dma_semaphore, #tpu.memory_space<semaphore_mem>>)
    %dma_start3A_2 = arith.constant 0 : i32
    %dma_start3A_3 = arith.constant 0 : i32
    %dma_start3A_4 = arith.constant 0 : i32
    %dma_start3A_5 = arith.constant 0 : i32
    %dma_start3A_6 = tpu.memref_slice %arg7[%dma_start3A_3, %dma_start3A_4, %dma_start3A_5] : memref<6x1x80xi32, #tpu.memory_space<vmem>> -> memref<1x1x80xi32, #tpu.memory_space<vmem>>
    %dma_start3A_7 = tpu.memref_squeeze %dma_start3A_6 : memref<1x1x80xi32, #tpu.memory_space<vmem>> -> memref<1x80xi32, #tpu.memory_space<vmem>>
    %dma_start3A_8 = arith.constant 0 : i32
    %dma_start3A_9 = arith.constant 0 : i32
    %dma_start3A_10 = tpu.memref_slice %arg3[%arg1, %dma_start3A_2, %dma_start3A_8, %dma_start3A_9] : memref<16x250x1x80xi32, #tpu.memory_space<hbm>> -> memref<1x1x1x80xi32, #tpu.memory_space<hbm>>
    %dma_start3A_11 = tpu.memref_squeeze %dma_start3A_10 : memref<1x1x1x80xi32, #tpu.memory_space<hbm>> -> memref<1x80xi32, #tpu.memory_space<hbm>>
    %dma_start3A_12 = arith.constant 0 : i32
    %dma_start3A_13 = arith.constant 0 : i32
    %dma_start3A_14 = tpu.memref_slice %arg7[%dma_start3A_3, %dma_start3A_12, %dma_start3A_13] : memref<6x1x80xi32, #tpu.memory_space<vmem>> -> memref<1x1x80xi32, #tpu.memory_space<vmem>>
    %dma_start3A_15 = tpu.memref_squeeze %dma_start3A_14 : memref<1x1x80xi32, #tpu.memory_space<vmem>> -> memref<1x80xi32, #tpu.memory_space<vmem>>
    %dma_start3A_16 = arith.constant 0 : i32
    %dma_start3A_17 = arith.constant 0 : i32
    %dma_start3A_18 = tpu.memref_slice %arg3[%arg1, %dma_start3A_2, %dma_start3A_16, %dma_start3A_17] : memref<16x250x1x80xi32, #tpu.memory_space<hbm>> -> memref<1x1x1x80xi32, #tpu.memory_space<hbm>>
    %dma_start3A_19 = tpu.memref_squeeze %dma_start3A_18 : memref<1x1x1x80xi32, #tpu.memory_space<hbm>> -> memref<1x80xi32, #tpu.memory_space<hbm>>
    tpu.enqueue_dma source(%dma_start3A_19 : memref<1x80xi32, #tpu.memory_space<hbm>>) target(%dma_start3A_15 : memref<1x80xi32, #tpu.memory_space<vmem>>) target_semaphore(%arg12 : memref<!tpu.dma_semaphore, #tpu.memory_space<semaphore_mem>>)
    %dma_start3A_20 = arith.constant 0 : i32
    %dma_start3A_21 = arith.constant 0 : i32
    %dma_start3A_22 = arith.constant 0 : i32
    %dma_start3A_23 = arith.constant 0 : i32
    %dma_start3A_24 = tpu.memref_slice %arg8[%dma_start3A_21, %dma_start3A_22, %dma_start3A_23] : memref<6x1x80xi32, #tpu.memory_space<vmem>> -> memref<1x1x80xi32, #tpu.memory_space<vmem>>
    %dma_start3A_25 = tpu.memref_squeeze %dma_start3A_24 : memref<1x1x80xi32, #tpu.memory_space<vmem>> -> memref<1x80xi32, #tpu.memory_space<vmem>>
    %dma_start3A_26 = arith.constant 0 : i32
    %dma_start3A_27 = arith.constant 0 : i32
    %dma_start3A_28 = tpu.memref_slice %arg4[%arg1, %dma_start3A_20, %dma_start3A_26, %dma_start3A_27] : memref<16x250x1x80xi32, #tpu.memory_space<hbm>> -> memref<1x1x1x80xi32, #tpu.memory_space<hbm>>
    %dma_start3A_29 = tpu.memref_squeeze %dma_start3A_28 : memref<1x1x1x80xi32, #tpu.memory_space<hbm>> -> memref<1x80xi32, #tpu.memory_space<hbm>>
    %dma_start3A_30 = arith.constant 0 : i32
    %dma_start3A_31 = arith.constant 0 : i32
    %dma_start3A_32 = tpu.memref_slice %arg8[%dma_start3A_21, %dma_start3A_30, %dma_start3A_31] : memref<6x1x80xi32, #tpu.memory_space<vmem>> -> memref<1x1x80xi32, #tpu.memory_space<vmem>>
    %dma_start3A_33 = tpu.memref_squeeze %dma_start3A_32 : memref<1x1x80xi32, #tpu.memory_space<vmem>> -> memref<1x80xi32, #tpu.memory_space<vmem>>
    %dma_start3A_34 = arith.constant 0 : i32
    %dma_start3A_35 = arith.constant 0 : i32
    %dma_start3A_36 = tpu.memref_slice %arg4[%arg1, %dma_start3A_20, %dma_start3A_34, %dma_start3A_35] : memref<16x250x1x80xi32, #tpu.memory_space<hbm>> -> memref<1x1x1x80xi32, #tpu.memory_space<hbm>>
    %dma_start3A_37 = tpu.memref_squeeze %dma_start3A_36 : memref<1x1x1x80xi32, #tpu.memory_space<hbm>> -> memref<1x80xi32, #tpu.memory_space<hbm>>
    tpu.enqueue_dma source(%dma_start3A_37 : memref<1x80xi32, #tpu.memory_space<hbm>>) target(%dma_start3A_33 : memref<1x80xi32, #tpu.memory_space<vmem>>) target_semaphore(%arg12 : memref<!tpu.dma_semaphore, #tpu.memory_space<semaphore_mem>>)
    %min3A = arith.constant 1 : i32
    %min3A_38 = arith.constant 249 : i32
    %min3A_39 = arith.minsi %min3A, %min3A_38 : i32
    %dma_start3A_40 = arith.constant 1 : i32
    %dma_start3A_41 = arith.constant 0 : i32
    %dma_start3A_42 = arith.constant 0 : i32
    %dma_start3A_43 = tpu.memref_slice %arg7[%dma_start3A_40, %dma_start3A_41, %dma_start3A_42] : memref<6x1x80xi32, #tpu.memory_space<vmem>> -> memref<1x1x80xi32, #tpu.memory_space<vmem>>
    %dma_start3A_44 = tpu.memref_squeeze %dma_start3A_43 : memref<1x1x80xi32, #tpu.memory_space<vmem>> -> memref<1x80xi32, #tpu.memory_space<vmem>>
    %dma_start3A_45 = arith.constant 0 : i32
    %dma_start3A_46 = arith.constant 0 : i32
    %dma_start3A_47 = tpu.memref_slice %arg3[%arg1, %min3A_39, %dma_start3A_45, %dma_start3A_46] : memref<16x250x1x80xi32, #tpu.memory_space<hbm>> -> memref<1x1x1x80xi32, #tpu.memory_space<hbm>>
    %dma_start3A_48 = tpu.memref_squeeze %dma_start3A_47 : memref<1x1x1x80xi32, #tpu.memory_space<hbm>> -> memref<1x80xi32, #tpu.memory_space<hbm>>
    %dma_start3A_49 = arith.constant 0 : i32
    %dma_start3A_50 = arith.constant 0 : i32
    %dma_start3A_51 = tpu.memref_slice %arg7[%dma_start3A_40, %dma_start3A_49, %dma_start3A_50] : memref<6x1x80xi32, #tpu.memory_space<vmem>> -> memref<1x1x80xi32, #tpu.memory_space<vmem>>
    %dma_start3A_52 = tpu.memref_squeeze %dma_start3A_51 : memref<1x1x80xi32, #tpu.memory_space<vmem>> -> memref<1x80xi32, #tpu.memory_space<vmem>>
    %dma_start3A_53 = arith.constant 0 : i32
    %dma_start3A_54 = arith.constant 0 : i32
    %dma_start3A_55 = tpu.memref_slice %arg3[%arg1, %min3A_39, %dma_start3A_53, %dma_start3A_54] : memref<16x250x1x80xi32, #tpu.memory_space<hbm>> -> memref<1x1x1x80xi32, #tpu.memory_space<hbm>>
    %dma_start3A_56 = tpu.memref_squeeze %dma_start3A_55 : memref<1x1x1x80xi32, #tpu.memory_space<hbm>> -> memref<1x80xi32, #tpu.memory_space<hbm>>
    tpu.enqueue_dma source(%dma_start3A_56 : memref<1x80xi32, #tpu.memory_space<hbm>>) target(%dma_start3A_52 : memref<1x80xi32, #tpu.memory_space<vmem>>) target_semaphore(%arg12 : memref<!tpu.dma_semaphore, #tpu.memory_space<semaphore_mem>>)
    %dma_start3A_57 = arith.constant 1 : i32
    %dma_start3A_58 = arith.constant 0 : i32
    %dma_start3A_59 = arith.constant 0 : i32
    %dma_start3A_60 = tpu.memref_slice %arg8[%dma_start3A_57, %dma_start3A_58, %dma_start3A_59] : memref<6x1x80xi32, #tpu.memory_space<vmem>> -> memref<1x1x80xi32, #tpu.memory_space<vmem>>
    %dma_start3A_61 = tpu.memref_squeeze %dma_start3A_60 : memref<1x1x80xi32, #tpu.memory_space<vmem>> -> memref<1x80xi32, #tpu.memory_space<vmem>>
    %dma_start3A_62 = arith.constant 0 : i32
    %dma_start3A_63 = arith.constant 0 : i32
    %dma_start3A_64 = tpu.memref_slice %arg4[%arg1, %min3A_39, %dma_start3A_62, %dma_start3A_63] : memref<16x250x1x80xi32, #tpu.memory_space<hbm>> -> memref<1x1x1x80xi32, #tpu.memory_space<hbm>>
    %dma_start3A_65 = tpu.memref_squeeze %dma_start3A_64 : memref<1x1x1x80xi32, #tpu.memory_space<hbm>> -> memref<1x80xi32, #tpu.memory_space<hbm>>
    %dma_start3A_66 = arith.constant 0 : i32
    %dma_start3A_67 = arith.constant 0 : i32
    %dma_start3A_68 = tpu.memref_slice %arg8[%dma_start3A_57, %dma_start3A_66, %dma_start3A_67] : memref<6x1x80xi32, #tpu.memory_space<vmem>> -> memref<1x1x80xi32, #tpu.memory_space<vmem>>
    %dma_start3A_69 = tpu.memref_squeeze %dma_start3A_68 : memref<1x1x80xi32, #tpu.memory_space<vmem>> -> memref<1x80xi32, #tpu.memory_space<vmem>>
    %dma_start3A_70 = arith.constant 0 : i32
    %dma_start3A_71 = arith.constant 0 : i32
    %dma_start3A_72 = tpu.memref_slice %arg4[%arg1, %min3A_39, %dma_start3A_70, %dma_start3A_71] : memref<16x250x1x80xi32, #tpu.memory_space<hbm>> -> memref<1x1x1x80xi32, #tpu.memory_space<hbm>>
    %dma_start3A_73 = tpu.memref_squeeze %dma_start3A_72 : memref<1x1x1x80xi32, #tpu.memory_space<hbm>> -> memref<1x80xi32, #tpu.memory_space<hbm>>
    tpu.enqueue_dma source(%dma_start3A_73 : memref<1x80xi32, #tpu.memory_space<hbm>>) target(%dma_start3A_69 : memref<1x80xi32, #tpu.memory_space<vmem>>) target_semaphore(%arg12 : memref<!tpu.dma_semaphore, #tpu.memory_space<semaphore_mem>>)
    %min3A_74 = arith.constant 2 : i32
    %min3A_75 = arith.constant 249 : i32
    %min3A_76 = arith.minsi %min3A_74, %min3A_75 : i32
    %dma_start3A_77 = arith.constant 2 : i32
    %dma_start3A_78 = arith.constant 0 : i32
    %dma_start3A_79 = arith.constant 0 : i32
    %dma_start3A_80 = tpu.memref_slice %arg7[%dma_start3A_77, %dma_start3A_78, %dma_start3A_79] : memref<6x1x80xi32, #tpu.memory_space<vmem>> -> memref<1x1x80xi32, #tpu.memory_space<vmem>>
    %dma_start3A_81 = tpu.memref_squeeze %dma_start3A_80 : memref<1x1x80xi32, #tpu.memory_space<vmem>> -> memref<1x80xi32, #tpu.memory_space<vmem>>
    %dma_start3A_82 = arith.constant 0 : i32
    %dma_start3A_83 = arith.constant 0 : i32
    %dma_start3A_84 = tpu.memref_slice %arg3[%arg1, %min3A_76, %dma_start3A_82, %dma_start3A_83] : memref<16x250x1x80xi32, #tpu.memory_space<hbm>> -> memref<1x1x1x80xi32, #tpu.memory_space<hbm>>
    %dma_start3A_85 = tpu.memref_squeeze %dma_start3A_84 : memref<1x1x1x80xi32, #tpu.memory_space<hbm>> -> memref<1x80xi32, #tpu.memory_space<hbm>>
    %dma_start3A_86 = arith.constant 0 : i32
    %dma_start3A_87 = arith.constant 0 : i32
    %dma_start3A_88 = tpu.memref_slice %arg7[%dma_start3A_77, %dma_start3A_86, %dma_start3A_87] : memref<6x1x80xi32, #tpu.memory_space<vmem>> -> memref<1x1x80xi32, #tpu.memory_space<vmem>>
    %dma_start3A_89 = tpu.memref_squeeze %dma_start3A_88 : memref<1x1x80xi32, #tpu.memory_space<vmem>> -> memref<1x80xi32, #tpu.memory_space<vmem>>
    %dma_start3A_90 = arith.constant 0 : i32
    %dma_start3A_91 = arith.constant 0 : i32
    %dma_start3A_92 = tpu.memref_slice %arg3[%arg1, %min3A_76, %dma_start3A_90, %dma_start3A_91] : memref<16x250x1x80xi32, #tpu.memory_space<hbm>> -> memref<1x1x1x80xi32, #tpu.memory_space<hbm>>
    %dma_start3A_93 = tpu.memref_squeeze %dma_start3A_92 : memref<1x1x1x80xi32, #tpu.memory_space<hbm>> -> memref<1x80xi32, #tpu.memory_space<hbm>>
    tpu.enqueue_dma source(%dma_start3A_93 : memref<1x80xi32, #tpu.memory_space<hbm>>) target(%dma_start3A_89 : memref<1x80xi32, #tpu.memory_space<vmem>>) target_semaphore(%arg12 : memref<!tpu.dma_semaphore, #tpu.memory_space<semaphore_mem>>)
    %dma_start3A_94 = arith.constant 2 : i32
    %dma_start3A_95 = arith.constant 0 : i32
    %dma_start3A_96 = arith.constant 0 : i32
    %dma_start3A_97 = tpu.memref_slice %arg8[%dma_start3A_94, %dma_start3A_95, %dma_start3A_96] : memref<6x1x80xi32, #tpu.memory_space<vmem>> -> memref<1x1x80xi32, #tpu.memory_space<vmem>>
    %dma_start3A_98 = tpu.memref_squeeze %dma_start3A_97 : memref<1x1x80xi32, #tpu.memory_space<vmem>> -> memref<1x80xi32, #tpu.memory_space<vmem>>
    %dma_start3A_99 = arith.constant 0 : i32
    %dma_start3A_100 = arith.constant 0 : i32
    %dma_start3A_101 = tpu.memref_slice %arg4[%arg1, %min3A_76, %dma_start3A_99, %dma_start3A_100] : memref<16x250x1x80xi32, #tpu.memory_space<hbm>> -> memref<1x1x1x80xi32, #tpu.memory_space<hbm>>
    %dma_start3A_102 = tpu.memref_squeeze %dma_start3A_101 : memref<1x1x1x80xi32, #tpu.memory_space<hbm>> -> memref<1x80xi32, #tpu.memory_space<hbm>>
    %dma_start3A_103 = arith.constant 0 : i32
    %dma_start3A_104 = arith.constant 0 : i32
    %dma_start3A_105 = tpu.memref_slice %arg8[%dma_start3A_94, %dma_start3A_103, %dma_start3A_104] : memref<6x1x80xi32, #tpu.memory_space<vmem>> -> memref<1x1x80xi32, #tpu.memory_space<vmem>>
    %dma_start3A_106 = tpu.memref_squeeze %dma_start3A_105 : memref<1x1x80xi32, #tpu.memory_space<vmem>> -> memref<1x80xi32, #tpu.memory_space<vmem>>
    %dma_start3A_107 = arith.constant 0 : i32
    %dma_start3A_108 = arith.constant 0 : i32
    %dma_start3A_109 = tpu.memref_slice %arg4[%arg1, %min3A_76, %dma_start3A_107, %dma_start3A_108] : memref<16x250x1x80xi32, #tpu.memory_space<hbm>> -> memref<1x1x1x80xi32, #tpu.memory_space<hbm>>
    %dma_start3A_110 = tpu.memref_squeeze %dma_start3A_109 : memref<1x1x1x80xi32, #tpu.memory_space<hbm>> -> memref<1x80xi32, #tpu.memory_space<hbm>>
    tpu.enqueue_dma source(%dma_start3A_110 : memref<1x80xi32, #tpu.memory_space<hbm>>) target(%dma_start3A_106 : memref<1x80xi32, #tpu.memory_space<vmem>>) target_semaphore(%arg12 : memref<!tpu.dma_semaphore, #tpu.memory_space<semaphore_mem>>)
    %dma_wait3A = arith.constant 0 : i32
    %dma_wait3A_111 = arith.constant 0 : i32
    %dma_wait3A_112 = arith.constant 0 : i32
    %dma_wait3A_113 = arith.constant 0 : i32
    %dma_wait3A_114 = tpu.memref_slice %arg7[%dma_wait3A_111, %dma_wait3A_112, %dma_wait3A_113] : memref<6x1x80xi32, #tpu.memory_space<vmem>> -> memref<1x1x80xi32, #tpu.memory_space<vmem>>
    %dma_wait3A_115 = tpu.memref_squeeze %dma_wait3A_114 : memref<1x1x80xi32, #tpu.memory_space<vmem>> -> memref<1x80xi32, #tpu.memory_space<vmem>>
    %dma_wait3A_116 = arith.constant 0 : i32
    %dma_wait3A_117 = arith.constant 0 : i32
    %dma_wait3A_118 = tpu.memref_slice %arg3[%arg1, %dma_wait3A, %dma_wait3A_116, %dma_wait3A_117] : memref<16x250x1x80xi32, #tpu.memory_space<hbm>> -> memref<1x1x1x80xi32, #tpu.memory_space<hbm>>
    %dma_wait3A_119 = tpu.memref_squeeze %dma_wait3A_118 : memref<1x1x1x80xi32, #tpu.memory_space<hbm>> -> memref<1x80xi32, #tpu.memory_space<hbm>>
    %dma_wait3A_120 = arith.constant 0 : i32
    %dma_wait3A_121 = arith.constant 0 : i32
    %dma_wait3A_122 = tpu.memref_slice %arg7[%dma_wait3A_111, %dma_wait3A_120, %dma_wait3A_121] : memref<6x1x80xi32, #tpu.memory_space<vmem>> -> memref<1x1x80xi32, #tpu.memory_space<vmem>>
    %dma_wait3A_123 = tpu.memref_squeeze %dma_wait3A_122 : memref<1x1x80xi32, #tpu.memory_space<vmem>> -> memref<1x80xi32, #tpu.memory_space<vmem>>
    %dma_wait3A_124 = arith.constant 0 : i32
    %dma_wait3A_125 = arith.constant 0 : i32
    %dma_wait3A_126 = tpu.memref_slice %arg3[%arg1, %dma_wait3A, %dma_wait3A_124, %dma_wait3A_125] : memref<16x250x1x80xi32, #tpu.memory_space<hbm>> -> memref<1x1x1x80xi32, #tpu.memory_space<hbm>>
    %dma_wait3A_127 = tpu.memref_squeeze %dma_wait3A_126 : memref<1x1x1x80xi32, #tpu.memory_space<hbm>> -> memref<1x80xi32, #tpu.memory_space<hbm>>
    tpu.wait_dma2 semaphore(%arg12 : memref<!tpu.dma_semaphore, #tpu.memory_space<semaphore_mem>>) src(%dma_wait3A_127 : memref<1x80xi32, #tpu.memory_space<hbm>>) dst(%dma_wait3A_123 : memref<1x80xi32, #tpu.memory_space<vmem>>)
    %dma_wait3A_128 = arith.constant 0 : i32
    %dma_wait3A_129 = arith.constant 0 : i32
    %dma_wait3A_130 = arith.constant 0 : i32
    %dma_wait3A_131 = arith.constant 0 : i32
    %dma_wait3A_132 = tpu.memref_slice %arg8[%dma_wait3A_129, %dma_wait3A_130, %dma_wait3A_131] : memref<6x1x80xi32, #tpu.memory_space<vmem>> -> memref<1x1x80xi32, #tpu.memory_space<vmem>>
    %dma_wait3A_133 = tpu.memref_squeeze %dma_wait3A_132 : memref<1x1x80xi32, #tpu.memory_space<vmem>> -> memref<1x80xi32, #tpu.memory_space<vmem>>
    %dma_wait3A_134 = arith.constant 0 : i32
    %dma_wait3A_135 = arith.constant 0 : i32
    %dma_wait3A_136 = tpu.memref_slice %arg4[%arg1, %dma_wait3A_128, %dma_wait3A_134, %dma_wait3A_135] : memref<16x250x1x80xi32, #tpu.memory_space<hbm>> -> memref<1x1x1x80xi32, #tpu.memory_space<hbm>>
    %dma_wait3A_137 = tpu.memref_squeeze %dma_wait3A_136 : memref<1x1x1x80xi32, #tpu.memory_space<hbm>> -> memref<1x80xi32, #tpu.memory_space<hbm>>
    %dma_wait3A_138 = arith.constant 0 : i32
    %dma_wait3A_139 = arith.constant 0 : i32
    %dma_wait3A_140 = tpu.memref_slice %arg8[%dma_wait3A_129, %dma_wait3A_138, %dma_wait3A_139] : memref<6x1x80xi32, #tpu.memory_space<vmem>> -> memref<1x1x80xi32, #tpu.memory_space<vmem>>
    %dma_wait3A_141 = tpu.memref_squeeze %dma_wait3A_140 : memref<1x1x80xi32, #tpu.memory_space<vmem>> -> memref<1x80xi32, #tpu.memory_space<vmem>>
    %dma_wait3A_142 = arith.constant 0 : i32
    %dma_wait3A_143 = arith.constant 0 : i32
    %dma_wait3A_144 = tpu.memref_slice %arg4[%arg1, %dma_wait3A_128, %dma_wait3A_142, %dma_wait3A_143] : memref<16x250x1x80xi32, #tpu.memory_space<hbm>> -> memref<1x1x1x80xi32, #tpu.memory_space<hbm>>
    %dma_wait3A_145 = tpu.memref_squeeze %dma_wait3A_144 : memref<1x1x1x80xi32, #tpu.memory_space<hbm>> -> memref<1x80xi32, #tpu.memory_space<hbm>>
    tpu.wait_dma2 semaphore(%arg12 : memref<!tpu.dma_semaphore, #tpu.memory_space<semaphore_mem>>) src(%dma_wait3A_145 : memref<1x80xi32, #tpu.memory_space<hbm>>) dst(%dma_wait3A_141 : memref<1x80xi32, #tpu.memory_space<vmem>>)
    %dma_start3A_146 = arith.constant 0 : i32
    %dma_start3A_147 = arith.constant 0 : i32
    %dma_start3A_148 = arith.constant 0 : i32
    %dma_start3A_149 = arith.constant 0 : i32
    %dma_start3A_150 = arith.constant 0 : i32
    %dma_start3A_151 = tpu.memref_slice %arg9[%dma_start3A_148, %dma_start3A_149, %dma_start3A_150] : memref<4x80x128xf32, #tpu.memory_space<vmem>> -> memref<1x80x128xf32, #tpu.memory_space<vmem>>
    %dma_start3A_152 = tpu.memref_squeeze %dma_start3A_151 : memref<1x80x128xf32, #tpu.memory_space<vmem>> -> memref<80x128xf32, #tpu.memory_space<vmem>>
    %dma_start3A_153 = arith.constant 0 : i32
    %dma_start3A_154 = tpu.memref_slice %arg7[%dma_start3A_146, %dma_start3A_147, %dma_start3A_153] : memref<6x1x80xi32, #tpu.memory_space<vmem>> -> memref<1x1x80xi32, #tpu.memory_space<vmem>>
    %dma_start3A_155 = tpu.memref_squeeze %dma_start3A_154 : memref<1x1x80xi32, #tpu.memory_space<vmem>> -> memref<80xi32, #tpu.memory_space<vmem>>
    %dma_start3A_156 = arith.constant 0 : i32
    %dma_start3A_157 = arith.constant 0 : i32
    %dma_start3A_158 = tpu.memref_slice %arg2[%arg0, %dma_start3A_156, %dma_start3A_157] : memref<2x10000x128xf32, #tpu.memory_space<hbm>> -> memref<1x10000x128xf32, #tpu.memory_space<hbm>>
    %dma_start3A_159 = tpu.memref_squeeze %dma_start3A_158 : memref<1x10000x128xf32, #tpu.memory_space<hbm>> -> memref<10000x128xf32, #tpu.memory_space<hbm>>
    %dma_start3A_160 = arith.constant 0 : i32
    %dma_start3A_161 = arith.constant 0 : i32
    %dma_start3A_162 = tpu.memref_slice %dma_start3A_159[%dma_start3A_160, %dma_start3A_161] : memref<10000x128xf32, #tpu.memory_space<hbm>> -> memref<10000x128xf32, #tpu.memory_space<hbm>>
    tpu.enqueue_indirect_dma source(%dma_start3A_162 : memref<10000x128xf32, #tpu.memory_space<hbm>>) target(%dma_start3A_152 : memref<80x128xf32, #tpu.memory_space<vmem>>) offsets(%dma_start3A_155 : memref<80xi32, #tpu.memory_space<vmem>>) semaphore(%arg11 : memref<!tpu.dma_semaphore, #tpu.memory_space<semaphore_mem>>)
    %min3A_163 = arith.constant 1 : i32
    %min3A_164 = arith.constant 249 : i32
    %min3A_165 = arith.minsi %min3A_163, %min3A_164 : i32
    %dma_wait3A_166 = arith.constant 1 : i32
    %dma_wait3A_167 = arith.constant 0 : i32
    %dma_wait3A_168 = arith.constant 0 : i32
    %dma_wait3A_169 = tpu.memref_slice %arg7[%dma_wait3A_166, %dma_wait3A_167, %dma_wait3A_168] : memref<6x1x80xi32, #tpu.memory_space<vmem>> -> memref<1x1x80xi32, #tpu.memory_space<vmem>>
    %dma_wait3A_170 = tpu.memref_squeeze %dma_wait3A_169 : memref<1x1x80xi32, #tpu.memory_space<vmem>> -> memref<1x80xi32, #tpu.memory_space<vmem>>
    %dma_wait3A_171 = arith.constant 0 : i32
    %dma_wait3A_172 = arith.constant 0 : i32
    %dma_wait3A_173 = tpu.memref_slice %arg3[%arg1, %min3A_165, %dma_wait3A_171, %dma_wait3A_172] : memref<16x250x1x80xi32, #tpu.memory_space<hbm>> -> memref<1x1x1x80xi32, #tpu.memory_space<hbm>>
    %dma_wait3A_174 = tpu.memref_squeeze %dma_wait3A_173 : memref<1x1x1x80xi32, #tpu.memory_space<hbm>> -> memref<1x80xi32, #tpu.memory_space<hbm>>
    %dma_wait3A_175 = arith.constant 0 : i32
    %dma_wait3A_176 = arith.constant 0 : i32
    %dma_wait3A_177 = tpu.memref_slice %arg7[%dma_wait3A_166, %dma_wait3A_175, %dma_wait3A_176] : memref<6x1x80xi32, #tpu.memory_space<vmem>> -> memref<1x1x80xi32, #tpu.memory_space<vmem>>
    %dma_wait3A_178 = tpu.memref_squeeze %dma_wait3A_177 : memref<1x1x80xi32, #tpu.memory_space<vmem>> -> memref<1x80xi32, #tpu.memory_space<vmem>>
    %dma_wait3A_179 = arith.constant 0 : i32
    %dma_wait3A_180 = arith.constant 0 : i32
    %dma_wait3A_181 = tpu.memref_slice %arg3[%arg1, %min3A_165, %dma_wait3A_179, %dma_wait3A_180] : memref<16x250x1x80xi32, #tpu.memory_space<hbm>> -> memref<1x1x1x80xi32, #tpu.memory_space<hbm>>
    %dma_wait3A_182 = tpu.memref_squeeze %dma_wait3A_181 : memref<1x1x1x80xi32, #tpu.memory_space<hbm>> -> memref<1x80xi32, #tpu.memory_space<hbm>>
    tpu.wait_dma2 semaphore(%arg12 : memref<!tpu.dma_semaphore, #tpu.memory_space<semaphore_mem>>) src(%dma_wait3A_182 : memref<1x80xi32, #tpu.memory_space<hbm>>) dst(%dma_wait3A_178 : memref<1x80xi32, #tpu.memory_space<vmem>>)
    %dma_wait3A_183 = arith.constant 1 : i32
    %dma_wait3A_184 = arith.constant 0 : i32
    %dma_wait3A_185 = arith.constant 0 : i32
    %dma_wait3A_186 = tpu.memref_slice %arg8[%dma_wait3A_183, %dma_wait3A_184, %dma_wait3A_185] : memref<6x1x80xi32, #tpu.memory_space<vmem>> -> memref<1x1x80xi32, #tpu.memory_space<vmem>>
    %dma_wait3A_187 = tpu.memref_squeeze %dma_wait3A_186 : memref<1x1x80xi32, #tpu.memory_space<vmem>> -> memref<1x80xi32, #tpu.memory_space<vmem>>
    %dma_wait3A_188 = arith.constant 0 : i32
    %dma_wait3A_189 = arith.constant 0 : i32
    %dma_wait3A_190 = tpu.memref_slice %arg4[%arg1, %min3A_165, %dma_wait3A_188, %dma_wait3A_189] : memref<16x250x1x80xi32, #tpu.memory_space<hbm>> -> memref<1x1x1x80xi32, #tpu.memory_space<hbm>>
    %dma_wait3A_191 = tpu.memref_squeeze %dma_wait3A_190 : memref<1x1x1x80xi32, #tpu.memory_space<hbm>> -> memref<1x80xi32, #tpu.memory_space<hbm>>
    %dma_wait3A_192 = arith.constant 0 : i32
    %dma_wait3A_193 = arith.constant 0 : i32
    %dma_wait3A_194 = tpu.memref_slice %arg8[%dma_wait3A_183, %dma_wait3A_192, %dma_wait3A_193] : memref<6x1x80xi32, #tpu.memory_space<vmem>> -> memref<1x1x80xi32, #tpu.memory_space<vmem>>
    %dma_wait3A_195 = tpu.memref_squeeze %dma_wait3A_194 : memref<1x1x80xi32, #tpu.memory_space<vmem>> -> memref<1x80xi32, #tpu.memory_space<vmem>>
    %dma_wait3A_196 = arith.constant 0 : i32
    %dma_wait3A_197 = arith.constant 0 : i32
    %dma_wait3A_198 = tpu.memref_slice %arg4[%arg1, %min3A_165, %dma_wait3A_196, %dma_wait3A_197] : memref<16x250x1x80xi32, #tpu.memory_space<hbm>> -> memref<1x1x1x80xi32, #tpu.memory_space<hbm>>
    %dma_wait3A_199 = tpu.memref_squeeze %dma_wait3A_198 : memref<1x1x1x80xi32, #tpu.memory_space<hbm>> -> memref<1x80xi32, #tpu.memory_space<hbm>>
    tpu.wait_dma2 semaphore(%arg12 : memref<!tpu.dma_semaphore, #tpu.memory_space<semaphore_mem>>) src(%dma_wait3A_199 : memref<1x80xi32, #tpu.memory_space<hbm>>) dst(%dma_wait3A_195 : memref<1x80xi32, #tpu.memory_space<vmem>>)
    %dma_start3A_200 = arith.constant 1 : i32
    %dma_start3A_201 = arith.constant 0 : i32
    %dma_start3A_202 = arith.constant 1 : i32
    %dma_start3A_203 = arith.constant 0 : i32
    %dma_start3A_204 = arith.constant 0 : i32
    %dma_start3A_205 = tpu.memref_slice %arg9[%dma_start3A_202, %dma_start3A_203, %dma_start3A_204] : memref<4x80x128xf32, #tpu.memory_space<vmem>> -> memref<1x80x128xf32, #tpu.memory_space<vmem>>
    %dma_start3A_206 = tpu.memref_squeeze %dma_start3A_205 : memref<1x80x128xf32, #tpu.memory_space<vmem>> -> memref<80x128xf32, #tpu.memory_space<vmem>>
    %dma_start3A_207 = arith.constant 0 : i32
    %dma_start3A_208 = tpu.memref_slice %arg7[%dma_start3A_200, %dma_start3A_201, %dma_start3A_207] : memref<6x1x80xi32, #tpu.memory_space<vmem>> -> memref<1x1x80xi32, #tpu.memory_space<vmem>>
    %dma_start3A_209 = tpu.memref_squeeze %dma_start3A_208 : memref<1x1x80xi32, #tpu.memory_space<vmem>> -> memref<80xi32, #tpu.memory_space<vmem>>
    %dma_start3A_210 = arith.constant 0 : i32
    %dma_start3A_211 = arith.constant 0 : i32
    %dma_start3A_212 = tpu.memref_slice %arg2[%arg0, %dma_start3A_210, %dma_start3A_211] : memref<2x10000x128xf32, #tpu.memory_space<hbm>> -> memref<1x10000x128xf32, #tpu.memory_space<hbm>>
    %dma_start3A_213 = tpu.memref_squeeze %dma_start3A_212 : memref<1x10000x128xf32, #tpu.memory_space<hbm>> -> memref<10000x128xf32, #tpu.memory_space<hbm>>
    %dma_start3A_214 = arith.constant 0 : i32
    %dma_start3A_215 = arith.constant 0 : i32
    %dma_start3A_216 = tpu.memref_slice %dma_start3A_213[%dma_start3A_214, %dma_start3A_215] : memref<10000x128xf32, #tpu.memory_space<hbm>> -> memref<10000x128xf32, #tpu.memory_space<hbm>>
    tpu.enqueue_indirect_dma source(%dma_start3A_216 : memref<10000x128xf32, #tpu.memory_space<hbm>>) target(%dma_start3A_206 : memref<80x128xf32, #tpu.memory_space<vmem>>) offsets(%dma_start3A_209 : memref<80xi32, #tpu.memory_space<vmem>>) semaphore(%arg11 : memref<!tpu.dma_semaphore, #tpu.memory_space<semaphore_mem>>)
    %dma_wait3A_217 = arith.constant 0 : i32
    %dma_wait3A_218 = tpu.memref_slice %arg10[%mul3A_0, %dma_wait3A_217] : memref<10112x128xf32, #tpu.memory_space<vmem_shared>> -> memref<632x128xf32, #tpu.memory_space<vmem_shared>>
    tpu.wait_dma2 semaphore(%arg13 : memref<!tpu.dma_semaphore, #tpu.memory_space<semaphore_mem>>) src(%arg5 : memref<632x128xf32, #tpu.memory_space<hbm>>) dst(%dma_wait3A_218 : memref<632x128xf32, #tpu.memory_space<vmem_shared>>)
    %barrier3A = arith.constant 0 : index
    tpu.barrier barrier_id(%barrier3A)
    %scan3A = arith.constant 0 : i32
    %scan3A_219 = arith.constant 0 : i32
    %scan3A_220 = arith.constant 250 : i32
    %scan3A_221 = arith.addi %scan3A_219, %scan3A_220 : i32
    %scan3A_222 = arith.constant 1 : i32
    scf.for %scan3A_325 = %scan3A_219 to %scan3A_221 step %scan3A_222  : i32 {
      %add3A_326 = arith.constant 2 : i32
      %add3A_327 = arith.addi %scan3A_325, %add3A_326 : i32
      %min3A_328 = arith.constant 249 : i32
      %min3A_329 = arith.minsi %add3A_327, %min3A_328 : i32
      %add3A_330 = arith.constant 3 : i32
      %add3A_331 = arith.addi %scan3A_325, %add3A_330 : i32
      %min3A_332 = arith.constant 249 : i32
      %min3A_333 = arith.minsi %add3A_331, %min3A_332 : i32
      %gt3A = arith.constant 1 : i32
      %gt3A_334 = arith.cmpi sgt, %scan3A_325, %gt3A : i32
      %convert_element_type3A = arith.extui %gt3A_334 : i1 to i32
      %cond3A = arith.constant 0 : i32
      %cond3A_335 = arith.cmpi ne, %convert_element_type3A, %cond3A : i32
      scf.if %cond3A_335 {
        %sub3A = arith.constant 2 : i32
        %sub3A_570 = arith.subi %scan3A_325, %sub3A : i32
        %jit3A_571 = arith.constant 6 : i32
        %eq3A_572 = arith.constant 0 : i32
        %eq3A_573 = arith.cmpi eq, %jit3A_571, %eq3A_572 : i32
        %jit3A_574 = arith.constant 1 : i32
        %select_n3A_575 = arith.select %eq3A_573, %jit3A_574, %jit3A_571 : i32
        %rem3A_576 = arith.remsi %sub3A_570, %select_n3A_575 : i32
        %ne3A_577 = arith.constant 0 : i32
        %ne3A_578 = arith.cmpi ne, %rem3A_576, %ne3A_577 : i32
        %lt3A_579 = arith.constant 0 : i32
        %lt3A_580 = arith.cmpi slt, %rem3A_576, %lt3A_579 : i32
        %lt3A_581 = arith.constant 0 : i32
        %lt3A_582 = arith.cmpi slt, %select_n3A_575, %lt3A_581 : i32
        %ne3A_583 = arith.xori %lt3A_580, %lt3A_582 : i1
        %and3A_584 = arith.andi %ne3A_583, %ne3A_578 : i1
        %add3A_585 = arith.addi %rem3A_576, %select_n3A_575 : i32
        %select_n3A_586 = arith.select %and3A_584, %add3A_585, %rem3A_576 : i32
        %add3A_587 = arith.constant 2 : i32
        %add3A_588 = arith.addi %scan3A_325, %add3A_587 : i32
        %jit3A_589 = arith.constant 4 : i32
        %eq3A_590 = arith.constant 0 : i32
        %eq3A_591 = arith.cmpi eq, %jit3A_589, %eq3A_590 : i32
        %jit3A_592 = arith.constant 1 : i32
        %select_n3A_593 = arith.select %eq3A_591, %jit3A_592, %jit3A_589 : i32
        %rem3A_594 = arith.remsi %add3A_588, %select_n3A_593 : i32
        %ne3A_595 = arith.constant 0 : i32
        %ne3A_596 = arith.cmpi ne, %rem3A_594, %ne3A_595 : i32
        %lt3A_597 = arith.constant 0 : i32
        %lt3A_598 = arith.cmpi slt, %rem3A_594, %lt3A_597 : i32
        %lt3A_599 = arith.constant 0 : i32
        %lt3A_600 = arith.cmpi slt, %select_n3A_593, %lt3A_599 : i32
        %ne3A_601 = arith.xori %lt3A_598, %lt3A_600 : i1
        %and3A_602 = arith.andi %ne3A_601, %ne3A_596 : i1
        %add3A_603 = arith.addi %rem3A_594, %select_n3A_593 : i32
        %select_n3A_604 = arith.select %and3A_602, %add3A_603, %rem3A_594 : i32
        %dma_wait3A_605 = arith.constant 0 : i32
        %dma_wait3A_606 = arith.constant 0 : i32
        %dma_wait3A_607 = arith.constant 0 : i32
        %dma_wait3A_608 = tpu.memref_slice %arg9[%select_n3A_604, %dma_wait3A_606, %dma_wait3A_607] : memref<4x80x128xf32, #tpu.memory_space<vmem>> -> memref<1x80x128xf32, #tpu.memory_space<vmem>>
        %dma_wait3A_609 = tpu.memref_squeeze %dma_wait3A_608 : memref<1x80x128xf32, #tpu.memory_space<vmem>> -> memref<80x128xf32, #tpu.memory_space<vmem>>
        %dma_wait3A_610 = arith.constant 0 : i32
        %dma_wait3A_611 = tpu.memref_slice %arg8[%select_n3A_586, %dma_wait3A_605, %dma_wait3A_610] : memref<6x1x80xi32, #tpu.memory_space<vmem>> -> memref<1x1x80xi32, #tpu.memory_space<vmem>>
        %dma_wait3A_612 = tpu.memref_squeeze %dma_wait3A_611 : memref<1x1x80xi32, #tpu.memory_space<vmem>> -> memref<80xi32, #tpu.memory_space<vmem>>
        %dma_wait3A_613 = arith.constant 0 : i32
        %dma_wait3A_614 = arith.constant 0 : i32
        %dma_wait3A_615 = tpu.memref_slice %arg10[%dma_wait3A_613, %dma_wait3A_614] : memref<10112x128xf32, #tpu.memory_space<vmem_shared>> -> memref<10112x128xf32, #tpu.memory_space<vmem_shared>>
        tpu.wait_indirect_dma semaphore(%arg13 : memref<!tpu.dma_semaphore, #tpu.memory_space<semaphore_mem>>) src(%dma_wait3A_609 : memref<80x128xf32, #tpu.memory_space<vmem>>) dst(%dma_wait3A_615 : memref<10112x128xf32, #tpu.memory_space<vmem_shared>>)
      } else {
      }
      %add3A_336 = arith.constant 3 : i32
      %add3A_337 = arith.addi %scan3A_325, %add3A_336 : i32
      %jit3A = arith.constant 6 : i32
      %eq3A = arith.constant 0 : i32
      %eq3A_338 = arith.cmpi eq, %jit3A, %eq3A : i32
      %jit3A_339 = arith.constant 1 : i32
      %select_n3A = arith.select %eq3A_338, %jit3A_339, %jit3A : i32
      %rem3A = arith.remsi %add3A_337, %select_n3A : i32
      %ne3A = arith.constant 0 : i32
      %ne3A_340 = arith.cmpi ne, %rem3A, %ne3A : i32
      %lt3A = arith.constant 0 : i32
      %lt3A_341 = arith.cmpi slt, %rem3A, %lt3A : i32
      %lt3A_342 = arith.constant 0 : i32
      %lt3A_343 = arith.cmpi slt, %select_n3A, %lt3A_342 : i32
      %ne3A_344 = arith.xori %lt3A_341, %lt3A_343 : i1
      %and3A = arith.andi %ne3A_344, %ne3A_340 : i1
      %add3A_345 = arith.addi %rem3A, %select_n3A : i32
      %select_n3A_346 = arith.select %and3A, %add3A_345, %rem3A : i32
      %dma_start3A_347 = arith.constant 0 : i32
      %dma_start3A_348 = arith.constant 0 : i32
      %dma_start3A_349 = tpu.memref_slice %arg7[%select_n3A_346, %dma_start3A_347, %dma_start3A_348] : memref<6x1x80xi32, #tpu.memory_space<vmem>> -> memref<1x1x80xi32, #tpu.memory_space<vmem>>
      %dma_start3A_350 = tpu.memref_squeeze %dma_start3A_349 : memref<1x1x80xi32, #tpu.memory_space<vmem>> -> memref<1x80xi32, #tpu.memory_space<vmem>>
      %dma_start3A_351 = arith.constant 0 : i32
      %dma_start3A_352 = arith.constant 0 : i32
      %dma_start3A_353 = tpu.memref_slice %arg3[%arg1, %min3A_333, %dma_start3A_351, %dma_start3A_352] : memref<16x250x1x80xi32, #tpu.memory_space<hbm>> -> memref<1x1x1x80xi32, #tpu.memory_space<hbm>>
      %dma_start3A_354 = tpu.memref_squeeze %dma_start3A_353 : memref<1x1x1x80xi32, #tpu.memory_space<hbm>> -> memref<1x80xi32, #tpu.memory_space<hbm>>
      %dma_start3A_355 = arith.constant 0 : i32
      %dma_start3A_356 = arith.constant 0 : i32
      %dma_start3A_357 = tpu.memref_slice %arg7[%select_n3A_346, %dma_start3A_355, %dma_start3A_356] : memref<6x1x80xi32, #tpu.memory_space<vmem>> -> memref<1x1x80xi32, #tpu.memory_space<vmem>>
      %dma_start3A_358 = tpu.memref_squeeze %dma_start3A_357 : memref<1x1x80xi32, #tpu.memory_space<vmem>> -> memref<1x80xi32, #tpu.memory_space<vmem>>
      %dma_start3A_359 = arith.constant 0 : i32
      %dma_start3A_360 = arith.constant 0 : i32
      %dma_start3A_361 = tpu.memref_slice %arg3[%arg1, %min3A_333, %dma_start3A_359, %dma_start3A_360] : memref<16x250x1x80xi32, #tpu.memory_space<hbm>> -> memref<1x1x1x80xi32, #tpu.memory_space<hbm>>
      %dma_start3A_362 = tpu.memref_squeeze %dma_start3A_361 : memref<1x1x1x80xi32, #tpu.memory_space<hbm>> -> memref<1x80xi32, #tpu.memory_space<hbm>>
      tpu.enqueue_dma source(%dma_start3A_362 : memref<1x80xi32, #tpu.memory_space<hbm>>) target(%dma_start3A_358 : memref<1x80xi32, #tpu.memory_space<vmem>>) target_semaphore(%arg12 : memref<!tpu.dma_semaphore, #tpu.memory_space<semaphore_mem>>)
      %dma_start3A_363 = arith.constant 0 : i32
      %dma_start3A_364 = arith.constant 0 : i32
      %dma_start3A_365 = tpu.memref_slice %arg8[%select_n3A_346, %dma_start3A_363, %dma_start3A_364] : memref<6x1x80xi32, #tpu.memory_space<vmem>> -> memref<1x1x80xi32, #tpu.memory_space<vmem>>
      %dma_start3A_366 = tpu.memref_squeeze %dma_start3A_365 : memref<1x1x80xi32, #tpu.memory_space<vmem>> -> memref<1x80xi32, #tpu.memory_space<vmem>>
      %dma_start3A_367 = arith.constant 0 : i32
      %dma_start3A_368 = arith.constant 0 : i32
      %dma_start3A_369 = tpu.memref_slice %arg4[%arg1, %min3A_333, %dma_start3A_367, %dma_start3A_368] : memref<16x250x1x80xi32, #tpu.memory_space<hbm>> -> memref<1x1x1x80xi32, #tpu.memory_space<hbm>>
      %dma_start3A_370 = tpu.memref_squeeze %dma_start3A_369 : memref<1x1x1x80xi32, #tpu.memory_space<hbm>> -> memref<1x80xi32, #tpu.memory_space<hbm>>
      %dma_start3A_371 = arith.constant 0 : i32
      %dma_start3A_372 = arith.constant 0 : i32
      %dma_start3A_373 = tpu.memref_slice %arg8[%select_n3A_346, %dma_start3A_371, %dma_start3A_372] : memref<6x1x80xi32, #tpu.memory_space<vmem>> -> memref<1x1x80xi32, #tpu.memory_space<vmem>>
      %dma_start3A_374 = tpu.memref_squeeze %dma_start3A_373 : memref<1x1x80xi32, #tpu.memory_space<vmem>> -> memref<1x80xi32, #tpu.memory_space<vmem>>
      %dma_start3A_375 = arith.constant 0 : i32
      %dma_start3A_376 = arith.constant 0 : i32
      %dma_start3A_377 = tpu.memref_slice %arg4[%arg1, %min3A_333, %dma_start3A_375, %dma_start3A_376] : memref<16x250x1x80xi32, #tpu.memory_space<hbm>> -> memref<1x1x1x80xi32, #tpu.memory_space<hbm>>
      %dma_start3A_378 = tpu.memref_squeeze %dma_start3A_377 : memref<1x1x1x80xi32, #tpu.memory_space<hbm>> -> memref<1x80xi32, #tpu.memory_space<hbm>>
      tpu.enqueue_dma source(%dma_start3A_378 : memref<1x80xi32, #tpu.memory_space<hbm>>) target(%dma_start3A_374 : memref<1x80xi32, #tpu.memory_space<vmem>>) target_semaphore(%arg12 : memref<!tpu.dma_semaphore, #tpu.memory_space<semaphore_mem>>)
      %add3A_379 = arith.constant 2 : i32
      %add3A_380 = arith.addi %scan3A_325, %add3A_379 : i32
      %jit3A_381 = arith.constant 6 : i32
      %eq3A_382 = arith.constant 0 : i32
      %eq3A_383 = arith.cmpi eq, %jit3A_381, %eq3A_382 : i32
      %jit3A_384 = arith.constant 1 : i32
      %select_n3A_385 = arith.select %eq3A_383, %jit3A_384, %jit3A_381 : i32
      %rem3A_386 = arith.remsi %add3A_380, %select_n3A_385 : i32
      %ne3A_387 = arith.constant 0 : i32
      %ne3A_388 = arith.cmpi ne, %rem3A_386, %ne3A_387 : i32
      %lt3A_389 = arith.constant 0 : i32
      %lt3A_390 = arith.cmpi slt, %rem3A_386, %lt3A_389 : i32
      %lt3A_391 = arith.constant 0 : i32
      %lt3A_392 = arith.cmpi slt, %select_n3A_385, %lt3A_391 : i32
      %ne3A_393 = arith.xori %lt3A_390, %lt3A_392 : i1
      %and3A_394 = arith.andi %ne3A_393, %ne3A_388 : i1
      %add3A_395 = arith.addi %rem3A_386, %select_n3A_385 : i32
      %select_n3A_396 = arith.select %and3A_394, %add3A_395, %rem3A_386 : i32
      %dma_wait3A_397 = arith.constant 0 : i32
      %dma_wait3A_398 = arith.constant 0 : i32
      %dma_wait3A_399 = tpu.memref_slice %arg7[%select_n3A_396, %dma_wait3A_397, %dma_wait3A_398] : memref<6x1x80xi32, #tpu.memory_space<vmem>> -> memref<1x1x80xi32, #tpu.memory_space<vmem>>
      %dma_wait3A_400 = tpu.memref_squeeze %dma_wait3A_399 : memref<1x1x80xi32, #tpu.memory_space<vmem>> -> memref<1x80xi32, #tpu.memory_space<vmem>>
      %dma_wait3A_401 = arith.constant 0 : i32
      %dma_wait3A_402 = arith.constant 0 : i32
      %dma_wait3A_403 = tpu.memref_slice %arg3[%arg1, %min3A_329, %dma_wait3A_401, %dma_wait3A_402] : memref<16x250x1x80xi32, #tpu.memory_space<hbm>> -> memref<1x1x1x80xi32, #tpu.memory_space<hbm>>
      %dma_wait3A_404 = tpu.memref_squeeze %dma_wait3A_403 : memref<1x1x1x80xi32, #tpu.memory_space<hbm>> -> memref<1x80xi32, #tpu.memory_space<hbm>>
      %dma_wait3A_405 = arith.constant 0 : i32
      %dma_wait3A_406 = arith.constant 0 : i32
      %dma_wait3A_407 = tpu.memref_slice %arg7[%select_n3A_396, %dma_wait3A_405, %dma_wait3A_406] : memref<6x1x80xi32, #tpu.memory_space<vmem>> -> memref<1x1x80xi32, #tpu.memory_space<vmem>>
      %dma_wait3A_408 = tpu.memref_squeeze %dma_wait3A_407 : memref<1x1x80xi32, #tpu.memory_space<vmem>> -> memref<1x80xi32, #tpu.memory_space<vmem>>
      %dma_wait3A_409 = arith.constant 0 : i32
      %dma_wait3A_410 = arith.constant 0 : i32
      %dma_wait3A_411 = tpu.memref_slice %arg3[%arg1, %min3A_329, %dma_wait3A_409, %dma_wait3A_410] : memref<16x250x1x80xi32, #tpu.memory_space<hbm>> -> memref<1x1x1x80xi32, #tpu.memory_space<hbm>>
      %dma_wait3A_412 = tpu.memref_squeeze %dma_wait3A_411 : memref<1x1x1x80xi32, #tpu.memory_space<hbm>> -> memref<1x80xi32, #tpu.memory_space<hbm>>
      tpu.wait_dma2 semaphore(%arg12 : memref<!tpu.dma_semaphore, #tpu.memory_space<semaphore_mem>>) src(%dma_wait3A_412 : memref<1x80xi32, #tpu.memory_space<hbm>>) dst(%dma_wait3A_408 : memref<1x80xi32, #tpu.memory_space<vmem>>)
      %dma_wait3A_413 = arith.constant 0 : i32
      %dma_wait3A_414 = arith.constant 0 : i32
      %dma_wait3A_415 = tpu.memref_slice %arg8[%select_n3A_396, %dma_wait3A_413, %dma_wait3A_414] : memref<6x1x80xi32, #tpu.memory_space<vmem>> -> memref<1x1x80xi32, #tpu.memory_space<vmem>>
      %dma_wait3A_416 = tpu.memref_squeeze %dma_wait3A_415 : memref<1x1x80xi32, #tpu.memory_space<vmem>> -> memref<1x80xi32, #tpu.memory_space<vmem>>
      %dma_wait3A_417 = arith.constant 0 : i32
      %dma_wait3A_418 = arith.constant 0 : i32
      %dma_wait3A_419 = tpu.memref_slice %arg4[%arg1, %min3A_329, %dma_wait3A_417, %dma_wait3A_418] : memref<16x250x1x80xi32, #tpu.memory_space<hbm>> -> memref<1x1x1x80xi32, #tpu.memory_space<hbm>>
      %dma_wait3A_420 = tpu.memref_squeeze %dma_wait3A_419 : memref<1x1x1x80xi32, #tpu.memory_space<hbm>> -> memref<1x80xi32, #tpu.memory_space<hbm>>
      %dma_wait3A_421 = arith.constant 0 : i32
      %dma_wait3A_422 = arith.constant 0 : i32
      %dma_wait3A_423 = tpu.memref_slice %arg8[%select_n3A_396, %dma_wait3A_421, %dma_wait3A_422] : memref<6x1x80xi32, #tpu.memory_space<vmem>> -> memref<1x1x80xi32, #tpu.memory_space<vmem>>
      %dma_wait3A_424 = tpu.memref_squeeze %dma_wait3A_423 : memref<1x1x80xi32, #tpu.memory_space<vmem>> -> memref<1x80xi32, #tpu.memory_space<vmem>>
      %dma_wait3A_425 = arith.constant 0 : i32
      %dma_wait3A_426 = arith.constant 0 : i32
      %dma_wait3A_427 = tpu.memref_slice %arg4[%arg1, %min3A_329, %dma_wait3A_425, %dma_wait3A_426] : memref<16x250x1x80xi32, #tpu.memory_space<hbm>> -> memref<1x1x1x80xi32, #tpu.memory_space<hbm>>
      %dma_wait3A_428 = tpu.memref_squeeze %dma_wait3A_427 : memref<1x1x1x80xi32, #tpu.memory_space<hbm>> -> memref<1x80xi32, #tpu.memory_space<hbm>>
      tpu.wait_dma2 semaphore(%arg12 : memref<!tpu.dma_semaphore, #tpu.memory_space<semaphore_mem>>) src(%dma_wait3A_428 : memref<1x80xi32, #tpu.memory_space<hbm>>) dst(%dma_wait3A_424 : memref<1x80xi32, #tpu.memory_space<vmem>>)
      %jit3A_429 = arith.constant 6 : i32
      %eq3A_430 = arith.constant 0 : i32
      %eq3A_431 = arith.cmpi eq, %jit3A_429, %eq3A_430 : i32
      %jit3A_432 = arith.constant 1 : i32
      %select_n3A_433 = arith.select %eq3A_431, %jit3A_432, %jit3A_429 : i32
      %rem3A_434 = arith.remsi %scan3A_325, %select_n3A_433 : i32
      %ne3A_435 = arith.constant 0 : i32
      %ne3A_436 = arith.cmpi ne, %rem3A_434, %ne3A_435 : i32
      %lt3A_437 = arith.constant 0 : i32
      %lt3A_438 = arith.cmpi slt, %rem3A_434, %lt3A_437 : i32
      %lt3A_439 = arith.constant 0 : i32
      %lt3A_440 = arith.cmpi slt, %select_n3A_433, %lt3A_439 : i32
      %ne3A_441 = arith.xori %lt3A_438, %lt3A_440 : i1
      %and3A_442 = arith.andi %ne3A_441, %ne3A_436 : i1
      %add3A_443 = arith.addi %rem3A_434, %select_n3A_433 : i32
      %select_n3A_444 = arith.select %and3A_442, %add3A_443, %rem3A_434 : i32
      %jit3A_445 = arith.constant 4 : i32
      %eq3A_446 = arith.constant 0 : i32
      %eq3A_447 = arith.cmpi eq, %jit3A_445, %eq3A_446 : i32
      %jit3A_448 = arith.constant 1 : i32
      %select_n3A_449 = arith.select %eq3A_447, %jit3A_448, %jit3A_445 : i32
      %rem3A_450 = arith.remsi %scan3A_325, %select_n3A_449 : i32
      %ne3A_451 = arith.constant 0 : i32
      %ne3A_452 = arith.cmpi ne, %rem3A_450, %ne3A_451 : i32
      %lt3A_453 = arith.constant 0 : i32
      %lt3A_454 = arith.cmpi slt, %rem3A_450, %lt3A_453 : i32
      %lt3A_455 = arith.constant 0 : i32
      %lt3A_456 = arith.cmpi slt, %select_n3A_449, %lt3A_455 : i32
      %ne3A_457 = arith.xori %lt3A_454, %lt3A_456 : i1
      %and3A_458 = arith.andi %ne3A_457, %ne3A_452 : i1
      %add3A_459 = arith.addi %rem3A_450, %select_n3A_449 : i32
      %select_n3A_460 = arith.select %and3A_458, %add3A_459, %rem3A_450 : i32
      %dma_wait3A_461 = arith.constant 0 : i32
      %dma_wait3A_462 = arith.constant 0 : i32
      %dma_wait3A_463 = arith.constant 0 : i32
      %dma_wait3A_464 = tpu.memref_slice %arg9[%select_n3A_460, %dma_wait3A_462, %dma_wait3A_463] : memref<4x80x128xf32, #tpu.memory_space<vmem>> -> memref<1x80x128xf32, #tpu.memory_space<vmem>>
      %dma_wait3A_465 = tpu.memref_squeeze %dma_wait3A_464 : memref<1x80x128xf32, #tpu.memory_space<vmem>> -> memref<80x128xf32, #tpu.memory_space<vmem>>
      %dma_wait3A_466 = arith.constant 0 : i32
      %dma_wait3A_467 = tpu.memref_slice %arg7[%select_n3A_444, %dma_wait3A_461, %dma_wait3A_466] : memref<6x1x80xi32, #tpu.memory_space<vmem>> -> memref<1x1x80xi32, #tpu.memory_space<vmem>>
      %dma_wait3A_468 = tpu.memref_squeeze %dma_wait3A_467 : memref<1x1x80xi32, #tpu.memory_space<vmem>> -> memref<80xi32, #tpu.memory_space<vmem>>
      %dma_wait3A_469 = arith.constant 0 : i32
      %dma_wait3A_470 = arith.constant 0 : i32
      %dma_wait3A_471 = tpu.memref_slice %arg2[%arg0, %dma_wait3A_469, %dma_wait3A_470] : memref<2x10000x128xf32, #tpu.memory_space<hbm>> -> memref<1x10000x128xf32, #tpu.memory_space<hbm>>
      %dma_wait3A_472 = tpu.memref_squeeze %dma_wait3A_471 : memref<1x10000x128xf32, #tpu.memory_space<hbm>> -> memref<10000x128xf32, #tpu.memory_space<hbm>>
      %dma_wait3A_473 = arith.constant 0 : i32
      %dma_wait3A_474 = arith.constant 0 : i32
      %dma_wait3A_475 = tpu.memref_slice %dma_wait3A_472[%dma_wait3A_473, %dma_wait3A_474] : memref<10000x128xf32, #tpu.memory_space<hbm>> -> memref<10000x128xf32, #tpu.memory_space<hbm>>
      tpu.wait_indirect_dma semaphore(%arg11 : memref<!tpu.dma_semaphore, #tpu.memory_space<semaphore_mem>>) src(%dma_wait3A_475 : memref<10000x128xf32, #tpu.memory_space<hbm>>) dst(%dma_wait3A_465 : memref<80x128xf32, #tpu.memory_space<vmem>>)
      %add3A_476 = arith.constant 2 : i32
      %add3A_477 = arith.addi %scan3A_325, %add3A_476 : i32
      %jit3A_478 = arith.constant 6 : i32
      %eq3A_479 = arith.constant 0 : i32
      %eq3A_480 = arith.cmpi eq, %jit3A_478, %eq3A_479 : i32
      %jit3A_481 = arith.constant 1 : i32
      %select_n3A_482 = arith.select %eq3A_480, %jit3A_481, %jit3A_478 : i32
      %rem3A_483 = arith.remsi %add3A_477, %select_n3A_482 : i32
      %ne3A_484 = arith.constant 0 : i32
      %ne3A_485 = arith.cmpi ne, %rem3A_483, %ne3A_484 : i32
      %lt3A_486 = arith.constant 0 : i32
      %lt3A_487 = arith.cmpi slt, %rem3A_483, %lt3A_486 : i32
      %lt3A_488 = arith.constant 0 : i32
      %lt3A_489 = arith.cmpi slt, %select_n3A_482, %lt3A_488 : i32
      %ne3A_490 = arith.xori %lt3A_487, %lt3A_489 : i1
      %and3A_491 = arith.andi %ne3A_490, %ne3A_485 : i1
      %add3A_492 = arith.addi %rem3A_483, %select_n3A_482 : i32
      %select_n3A_493 = arith.select %and3A_491, %add3A_492, %rem3A_483 : i32
      %add3A_494 = arith.constant 2 : i32
      %add3A_495 = arith.addi %scan3A_325, %add3A_494 : i32
      %jit3A_496 = arith.constant 4 : i32
      %eq3A_497 = arith.constant 0 : i32
      %eq3A_498 = arith.cmpi eq, %jit3A_496, %eq3A_497 : i32
      %jit3A_499 = arith.constant 1 : i32
      %select_n3A_500 = arith.select %eq3A_498, %jit3A_499, %jit3A_496 : i32
      %rem3A_501 = arith.remsi %add3A_495, %select_n3A_500 : i32
      %ne3A_502 = arith.constant 0 : i32
      %ne3A_503 = arith.cmpi ne, %rem3A_501, %ne3A_502 : i32
      %lt3A_504 = arith.constant 0 : i32
      %lt3A_505 = arith.cmpi slt, %rem3A_501, %lt3A_504 : i32
      %lt3A_506 = arith.constant 0 : i32
      %lt3A_507 = arith.cmpi slt, %select_n3A_500, %lt3A_506 : i32
      %ne3A_508 = arith.xori %lt3A_505, %lt3A_507 : i1
      %and3A_509 = arith.andi %ne3A_508, %ne3A_503 : i1
      %add3A_510 = arith.addi %rem3A_501, %select_n3A_500 : i32
      %select_n3A_511 = arith.select %and3A_509, %add3A_510, %rem3A_501 : i32
      %dma_start3A_512 = arith.constant 0 : i32
      %dma_start3A_513 = arith.constant 0 : i32
      %dma_start3A_514 = arith.constant 0 : i32
      %dma_start3A_515 = tpu.memref_slice %arg9[%select_n3A_511, %dma_start3A_513, %dma_start3A_514] : memref<4x80x128xf32, #tpu.memory_space<vmem>> -> memref<1x80x128xf32, #tpu.memory_space<vmem>>
      %dma_start3A_516 = tpu.memref_squeeze %dma_start3A_515 : memref<1x80x128xf32, #tpu.memory_space<vmem>> -> memref<80x128xf32, #tpu.memory_space<vmem>>
      %dma_start3A_517 = arith.constant 0 : i32
      %dma_start3A_518 = tpu.memref_slice %arg7[%select_n3A_493, %dma_start3A_512, %dma_start3A_517] : memref<6x1x80xi32, #tpu.memory_space<vmem>> -> memref<1x1x80xi32, #tpu.memory_space<vmem>>
      %dma_start3A_519 = tpu.memref_squeeze %dma_start3A_518 : memref<1x1x80xi32, #tpu.memory_space<vmem>> -> memref<80xi32, #tpu.memory_space<vmem>>
      %dma_start3A_520 = arith.constant 0 : i32
      %dma_start3A_521 = arith.constant 0 : i32
      %dma_start3A_522 = tpu.memref_slice %arg2[%arg0, %dma_start3A_520, %dma_start3A_521] : memref<2x10000x128xf32, #tpu.memory_space<hbm>> -> memref<1x10000x128xf32, #tpu.memory_space<hbm>>
      %dma_start3A_523 = tpu.memref_squeeze %dma_start3A_522 : memref<1x10000x128xf32, #tpu.memory_space<hbm>> -> memref<10000x128xf32, #tpu.memory_space<hbm>>
      %dma_start3A_524 = arith.constant 0 : i32
      %dma_start3A_525 = arith.constant 0 : i32
      %dma_start3A_526 = tpu.memref_slice %dma_start3A_523[%dma_start3A_524, %dma_start3A_525] : memref<10000x128xf32, #tpu.memory_space<hbm>> -> memref<10000x128xf32, #tpu.memory_space<hbm>>
      tpu.enqueue_indirect_dma source(%dma_start3A_526 : memref<10000x128xf32, #tpu.memory_space<hbm>>) target(%dma_start3A_516 : memref<80x128xf32, #tpu.memory_space<vmem>>) offsets(%dma_start3A_519 : memref<80xi32, #tpu.memory_space<vmem>>) semaphore(%arg11 : memref<!tpu.dma_semaphore, #tpu.memory_space<semaphore_mem>>)
      %jit3A_527 = arith.constant 6 : i32
      %eq3A_528 = arith.constant 0 : i32
      %eq3A_529 = arith.cmpi eq, %jit3A_527, %eq3A_528 : i32
      %jit3A_530 = arith.constant 1 : i32
      %select_n3A_531 = arith.select %eq3A_529, %jit3A_530, %jit3A_527 : i32
      %rem3A_532 = arith.remsi %scan3A_325, %select_n3A_531 : i32
      %ne3A_533 = arith.constant 0 : i32
      %ne3A_534 = arith.cmpi ne, %rem3A_532, %ne3A_533 : i32
      %lt3A_535 = arith.constant 0 : i32
      %lt3A_536 = arith.cmpi slt, %rem3A_532, %lt3A_535 : i32
      %lt3A_537 = arith.constant 0 : i32
      %lt3A_538 = arith.cmpi slt, %select_n3A_531, %lt3A_537 : i32
      %ne3A_539 = arith.xori %lt3A_536, %lt3A_538 : i1
      %and3A_540 = arith.andi %ne3A_539, %ne3A_534 : i1
      %add3A_541 = arith.addi %rem3A_532, %select_n3A_531 : i32
      %select_n3A_542 = arith.select %and3A_540, %add3A_541, %rem3A_532 : i32
      %jit3A_543 = arith.constant 4 : i32
      %eq3A_544 = arith.constant 0 : i32
      %eq3A_545 = arith.cmpi eq, %jit3A_543, %eq3A_544 : i32
      %jit3A_546 = arith.constant 1 : i32
      %select_n3A_547 = arith.select %eq3A_545, %jit3A_546, %jit3A_543 : i32
      %rem3A_548 = arith.remsi %scan3A_325, %select_n3A_547 : i32
      %ne3A_549 = arith.constant 0 : i32
      %ne3A_550 = arith.cmpi ne, %rem3A_548, %ne3A_549 : i32
      %lt3A_551 = arith.constant 0 : i32
      %lt3A_552 = arith.cmpi slt, %rem3A_548, %lt3A_551 : i32
      %lt3A_553 = arith.constant 0 : i32
      %lt3A_554 = arith.cmpi slt, %select_n3A_547, %lt3A_553 : i32
      %ne3A_555 = arith.xori %lt3A_552, %lt3A_554 : i1
      %and3A_556 = arith.andi %ne3A_555, %ne3A_550 : i1
      %add3A_557 = arith.addi %rem3A_548, %select_n3A_547 : i32
      %select_n3A_558 = arith.select %and3A_556, %add3A_557, %rem3A_548 : i32
      %dma_start3A_559 = arith.constant 0 : i32
      %dma_start3A_560 = arith.constant 0 : i32
      %dma_start3A_561 = arith.constant 0 : i32
      %dma_start3A_562 = tpu.memref_slice %arg9[%select_n3A_558, %dma_start3A_560, %dma_start3A_561] : memref<4x80x128xf32, #tpu.memory_space<vmem>> -> memref<1x80x128xf32, #tpu.memory_space<vmem>>
      %dma_start3A_563 = tpu.memref_squeeze %dma_start3A_562 : memref<1x80x128xf32, #tpu.memory_space<vmem>> -> memref<80x128xf32, #tpu.memory_space<vmem>>
      %dma_start3A_564 = arith.constant 0 : i32
      %dma_start3A_565 = tpu.memref_slice %arg8[%select_n3A_542, %dma_start3A_559, %dma_start3A_564] : memref<6x1x80xi32, #tpu.memory_space<vmem>> -> memref<1x1x80xi32, #tpu.memory_space<vmem>>
      %dma_start3A_566 = tpu.memref_squeeze %dma_start3A_565 : memref<1x1x80xi32, #tpu.memory_space<vmem>> -> memref<80xi32, #tpu.memory_space<vmem>>
      %dma_start3A_567 = arith.constant 0 : i32
      %dma_start3A_568 = arith.constant 0 : i32
      %dma_start3A_569 = tpu.memref_slice %arg10[%dma_start3A_567, %dma_start3A_568] : memref<10112x128xf32, #tpu.memory_space<vmem_shared>> -> memref<10112x128xf32, #tpu.memory_space<vmem_shared>>
      tpu.enqueue_indirect_dma source(%dma_start3A_563 : memref<80x128xf32, #tpu.memory_space<vmem>>) target(%dma_start3A_569 : memref<10112x128xf32, #tpu.memory_space<vmem_shared>>) offsets(%dma_start3A_566 : memref<80xi32, #tpu.memory_space<vmem>>) semaphore(%arg13 : memref<!tpu.dma_semaphore, #tpu.memory_space<semaphore_mem>>) {add = true}
    }
    %scan3A_223 = arith.constant 250 : i32
    %dma_wait3A_224 = arith.constant 0 : i32
    %dma_wait3A_225 = arith.constant 2 : i32
    %dma_wait3A_226 = arith.constant 0 : i32
    %dma_wait3A_227 = arith.constant 0 : i32
    %dma_wait3A_228 = arith.constant 0 : i32
    %dma_wait3A_229 = tpu.memref_slice %arg9[%dma_wait3A_224, %dma_wait3A_227, %dma_wait3A_228] : memref<4x80x128xf32, #tpu.memory_space<vmem>> -> memref<1x80x128xf32, #tpu.memory_space<vmem>>
    %dma_wait3A_230 = tpu.memref_squeeze %dma_wait3A_229 : memref<1x80x128xf32, #tpu.memory_space<vmem>> -> memref<80x128xf32, #tpu.memory_space<vmem>>
    %dma_wait3A_231 = arith.constant 0 : i32
    %dma_wait3A_232 = tpu.memref_slice %arg8[%dma_wait3A_225, %dma_wait3A_226, %dma_wait3A_231] : memref<6x1x80xi32, #tpu.memory_space<vmem>> -> memref<1x1x80xi32, #tpu.memory_space<vmem>>
    %dma_wait3A_233 = tpu.memref_squeeze %dma_wait3A_232 : memref<1x1x80xi32, #tpu.memory_space<vmem>> -> memref<80xi32, #tpu.memory_space<vmem>>
    %dma_wait3A_234 = arith.constant 0 : i32
    %dma_wait3A_235 = arith.constant 0 : i32
    %dma_wait3A_236 = tpu.memref_slice %arg10[%dma_wait3A_234, %dma_wait3A_235] : memref<10112x128xf32, #tpu.memory_space<vmem_shared>> -> memref<10112x128xf32, #tpu.memory_space<vmem_shared>>
    tpu.wait_indirect_dma semaphore(%arg13 : memref<!tpu.dma_semaphore, #tpu.memory_space<semaphore_mem>>) src(%dma_wait3A_230 : memref<80x128xf32, #tpu.memory_space<vmem>>) dst(%dma_wait3A_236 : memref<10112x128xf32, #tpu.memory_space<vmem_shared>>)
    %dma_wait3A_237 = arith.constant 1 : i32
    %dma_wait3A_238 = arith.constant 3 : i32
    %dma_wait3A_239 = arith.constant 0 : i32
    %dma_wait3A_240 = arith.constant 0 : i32
    %dma_wait3A_241 = arith.constant 0 : i32
    %dma_wait3A_242 = tpu.memref_slice %arg9[%dma_wait3A_237, %dma_wait3A_240, %dma_wait3A_241] : memref<4x80x128xf32, #tpu.memory_space<vmem>> -> memref<1x80x128xf32, #tpu.memory_space<vmem>>
    %dma_wait3A_243 = tpu.memref_squeeze %dma_wait3A_242 : memref<1x80x128xf32, #tpu.memory_space<vmem>> -> memref<80x128xf32, #tpu.memory_space<vmem>>
    %dma_wait3A_244 = arith.constant 0 : i32
    %dma_wait3A_245 = tpu.memref_slice %arg8[%dma_wait3A_238, %dma_wait3A_239, %dma_wait3A_244] : memref<6x1x80xi32, #tpu.memory_space<vmem>> -> memref<1x1x80xi32, #tpu.memory_space<vmem>>
    %dma_wait3A_246 = tpu.memref_squeeze %dma_wait3A_245 : memref<1x1x80xi32, #tpu.memory_space<vmem>> -> memref<80xi32, #tpu.memory_space<vmem>>
    %dma_wait3A_247 = arith.constant 0 : i32
    %dma_wait3A_248 = arith.constant 0 : i32
    %dma_wait3A_249 = tpu.memref_slice %arg10[%dma_wait3A_247, %dma_wait3A_248] : memref<10112x128xf32, #tpu.memory_space<vmem_shared>> -> memref<10112x128xf32, #tpu.memory_space<vmem_shared>>
    tpu.wait_indirect_dma semaphore(%arg13 : memref<!tpu.dma_semaphore, #tpu.memory_space<semaphore_mem>>) src(%dma_wait3A_243 : memref<80x128xf32, #tpu.memory_space<vmem>>) dst(%dma_wait3A_249 : memref<10112x128xf32, #tpu.memory_space<vmem_shared>>)
    %dma_wait3A_250 = arith.constant 4 : i32
    %dma_wait3A_251 = arith.constant 0 : i32
    %dma_wait3A_252 = arith.constant 2 : i32
    %dma_wait3A_253 = arith.constant 0 : i32
    %dma_wait3A_254 = arith.constant 0 : i32
    %dma_wait3A_255 = tpu.memref_slice %arg9[%dma_wait3A_252, %dma_wait3A_253, %dma_wait3A_254] : memref<4x80x128xf32, #tpu.memory_space<vmem>> -> memref<1x80x128xf32, #tpu.memory_space<vmem>>
    %dma_wait3A_256 = tpu.memref_squeeze %dma_wait3A_255 : memref<1x80x128xf32, #tpu.memory_space<vmem>> -> memref<80x128xf32, #tpu.memory_space<vmem>>
    %dma_wait3A_257 = arith.constant 0 : i32
    %dma_wait3A_258 = tpu.memref_slice %arg7[%dma_wait3A_250, %dma_wait3A_251, %dma_wait3A_257] : memref<6x1x80xi32, #tpu.memory_space<vmem>> -> memref<1x1x80xi32, #tpu.memory_space<vmem>>
    %dma_wait3A_259 = tpu.memref_squeeze %dma_wait3A_258 : memref<1x1x80xi32, #tpu.memory_space<vmem>> -> memref<80xi32, #tpu.memory_space<vmem>>
    %dma_wait3A_260 = arith.constant 0 : i32
    %dma_wait3A_261 = arith.constant 0 : i32
    %dma_wait3A_262 = tpu.memref_slice %arg2[%arg0, %dma_wait3A_260, %dma_wait3A_261] : memref<2x10000x128xf32, #tpu.memory_space<hbm>> -> memref<1x10000x128xf32, #tpu.memory_space<hbm>>
    %dma_wait3A_263 = tpu.memref_squeeze %dma_wait3A_262 : memref<1x10000x128xf32, #tpu.memory_space<hbm>> -> memref<10000x128xf32, #tpu.memory_space<hbm>>
    %dma_wait3A_264 = arith.constant 0 : i32
    %dma_wait3A_265 = arith.constant 0 : i32
    %dma_wait3A_266 = tpu.memref_slice %dma_wait3A_263[%dma_wait3A_264, %dma_wait3A_265] : memref<10000x128xf32, #tpu.memory_space<hbm>> -> memref<10000x128xf32, #tpu.memory_space<hbm>>
    tpu.wait_indirect_dma semaphore(%arg11 : memref<!tpu.dma_semaphore, #tpu.memory_space<semaphore_mem>>) src(%dma_wait3A_266 : memref<10000x128xf32, #tpu.memory_space<hbm>>) dst(%dma_wait3A_256 : memref<80x128xf32, #tpu.memory_space<vmem>>)
    %dma_wait3A_267 = arith.constant 5 : i32
    %dma_wait3A_268 = arith.constant 0 : i32
    %dma_wait3A_269 = arith.constant 3 : i32
    %dma_wait3A_270 = arith.constant 0 : i32
    %dma_wait3A_271 = arith.constant 0 : i32
    %dma_wait3A_272 = tpu.memref_slice %arg9[%dma_wait3A_269, %dma_wait3A_270, %dma_wait3A_271] : memref<4x80x128xf32, #tpu.memory_space<vmem>> -> memref<1x80x128xf32, #tpu.memory_space<vmem>>
    %dma_wait3A_273 = tpu.memref_squeeze %dma_wait3A_272 : memref<1x80x128xf32, #tpu.memory_space<vmem>> -> memref<80x128xf32, #tpu.memory_space<vmem>>
    %dma_wait3A_274 = arith.constant 0 : i32
    %dma_wait3A_275 = tpu.memref_slice %arg7[%dma_wait3A_267, %dma_wait3A_268, %dma_wait3A_274] : memref<6x1x80xi32, #tpu.memory_space<vmem>> -> memref<1x1x80xi32, #tpu.memory_space<vmem>>
    %dma_wait3A_276 = tpu.memref_squeeze %dma_wait3A_275 : memref<1x1x80xi32, #tpu.memory_space<vmem>> -> memref<80xi32, #tpu.memory_space<vmem>>
    %dma_wait3A_277 = arith.constant 0 : i32
    %dma_wait3A_278 = arith.constant 0 : i32
    %dma_wait3A_279 = tpu.memref_slice %arg2[%arg0, %dma_wait3A_277, %dma_wait3A_278] : memref<2x10000x128xf32, #tpu.memory_space<hbm>> -> memref<1x10000x128xf32, #tpu.memory_space<hbm>>
    %dma_wait3A_280 = tpu.memref_squeeze %dma_wait3A_279 : memref<1x10000x128xf32, #tpu.memory_space<hbm>> -> memref<10000x128xf32, #tpu.memory_space<hbm>>
    %dma_wait3A_281 = arith.constant 0 : i32
    %dma_wait3A_282 = arith.constant 0 : i32
    %dma_wait3A_283 = tpu.memref_slice %dma_wait3A_280[%dma_wait3A_281, %dma_wait3A_282] : memref<10000x128xf32, #tpu.memory_space<hbm>> -> memref<10000x128xf32, #tpu.memory_space<hbm>>
    tpu.wait_indirect_dma semaphore(%arg11 : memref<!tpu.dma_semaphore, #tpu.memory_space<semaphore_mem>>) src(%dma_wait3A_283 : memref<10000x128xf32, #tpu.memory_space<hbm>>) dst(%dma_wait3A_273 : memref<80x128xf32, #tpu.memory_space<vmem>>)
    %dma_wait3A_284 = arith.constant 249 : i32
    %dma_wait3A_285 = arith.constant 0 : i32
    %dma_wait3A_286 = arith.constant 0 : i32
    %dma_wait3A_287 = arith.constant 0 : i32
    %dma_wait3A_288 = tpu.memref_slice %arg7[%dma_wait3A_285, %dma_wait3A_286, %dma_wait3A_287] : memref<6x1x80xi32, #tpu.memory_space<vmem>> -> memref<1x1x80xi32, #tpu.memory_space<vmem>>
    %dma_wait3A_289 = tpu.memref_squeeze %dma_wait3A_288 : memref<1x1x80xi32, #tpu.memory_space<vmem>> -> memref<1x80xi32, #tpu.memory_space<vmem>>
    %dma_wait3A_290 = arith.constant 0 : i32
    %dma_wait3A_291 = arith.constant 0 : i32
    %dma_wait3A_292 = tpu.memref_slice %arg3[%arg1, %dma_wait3A_284, %dma_wait3A_290, %dma_wait3A_291] : memref<16x250x1x80xi32, #tpu.memory_space<hbm>> -> memref<1x1x1x80xi32, #tpu.memory_space<hbm>>
    %dma_wait3A_293 = tpu.memref_squeeze %dma_wait3A_292 : memref<1x1x1x80xi32, #tpu.memory_space<hbm>> -> memref<1x80xi32, #tpu.memory_space<hbm>>
    %dma_wait3A_294 = arith.constant 0 : i32
    %dma_wait3A_295 = arith.constant 0 : i32
    %dma_wait3A_296 = tpu.memref_slice %arg7[%dma_wait3A_285, %dma_wait3A_294, %dma_wait3A_295] : memref<6x1x80xi32, #tpu.memory_space<vmem>> -> memref<1x1x80xi32, #tpu.memory_space<vmem>>
    %dma_wait3A_297 = tpu.memref_squeeze %dma_wait3A_296 : memref<1x1x80xi32, #tpu.memory_space<vmem>> -> memref<1x80xi32, #tpu.memory_space<vmem>>
    %dma_wait3A_298 = arith.constant 0 : i32
    %dma_wait3A_299 = arith.constant 0 : i32
    %dma_wait3A_300 = tpu.memref_slice %arg3[%arg1, %dma_wait3A_284, %dma_wait3A_298, %dma_wait3A_299] : memref<16x250x1x80xi32, #tpu.memory_space<hbm>> -> memref<1x1x1x80xi32, #tpu.memory_space<hbm>>
    %dma_wait3A_301 = tpu.memref_squeeze %dma_wait3A_300 : memref<1x1x1x80xi32, #tpu.memory_space<hbm>> -> memref<1x80xi32, #tpu.memory_space<hbm>>
    tpu.wait_dma2 semaphore(%arg12 : memref<!tpu.dma_semaphore, #tpu.memory_space<semaphore_mem>>) src(%dma_wait3A_301 : memref<1x80xi32, #tpu.memory_space<hbm>>) dst(%dma_wait3A_297 : memref<1x80xi32, #tpu.memory_space<vmem>>)
    %dma_wait3A_302 = arith.constant 249 : i32
    %dma_wait3A_303 = arith.constant 0 : i32
    %dma_wait3A_304 = arith.constant 0 : i32
    %dma_wait3A_305 = arith.constant 0 : i32
    %dma_wait3A_306 = tpu.memref_slice %arg8[%dma_wait3A_303, %dma_wait3A_304, %dma_wait3A_305] : memref<6x1x80xi32, #tpu.memory_space<vmem>> -> memref<1x1x80xi32, #tpu.memory_space<vmem>>
    %dma_wait3A_307 = tpu.memref_squeeze %dma_wait3A_306 : memref<1x1x80xi32, #tpu.memory_space<vmem>> -> memref<1x80xi32, #tpu.memory_space<vmem>>
    %dma_wait3A_308 = arith.constant 0 : i32
    %dma_wait3A_309 = arith.constant 0 : i32
    %dma_wait3A_310 = tpu.memref_slice %arg4[%arg1, %dma_wait3A_302, %dma_wait3A_308, %dma_wait3A_309] : memref<16x250x1x80xi32, #tpu.memory_space<hbm>> -> memref<1x1x1x80xi32, #tpu.memory_space<hbm>>
    %dma_wait3A_311 = tpu.memref_squeeze %dma_wait3A_310 : memref<1x1x1x80xi32, #tpu.memory_space<hbm>> -> memref<1x80xi32, #tpu.memory_space<hbm>>
    %dma_wait3A_312 = arith.constant 0 : i32
    %dma_wait3A_313 = arith.constant 0 : i32
    %dma_wait3A_314 = tpu.memref_slice %arg8[%dma_wait3A_303, %dma_wait3A_312, %dma_wait3A_313] : memref<6x1x80xi32, #tpu.memory_space<vmem>> -> memref<1x1x80xi32, #tpu.memory_space<vmem>>
    %dma_wait3A_315 = tpu.memref_squeeze %dma_wait3A_314 : memref<1x1x80xi32, #tpu.memory_space<vmem>> -> memref<1x80xi32, #tpu.memory_space<vmem>>
    %dma_wait3A_316 = arith.constant 0 : i32
    %dma_wait3A_317 = arith.constant 0 : i32
    %dma_wait3A_318 = tpu.memref_slice %arg4[%arg1, %dma_wait3A_302, %dma_wait3A_316, %dma_wait3A_317] : memref<16x250x1x80xi32, #tpu.memory_space<hbm>> -> memref<1x1x1x80xi32, #tpu.memory_space<hbm>>
    %dma_wait3A_319 = tpu.memref_squeeze %dma_wait3A_318 : memref<1x1x1x80xi32, #tpu.memory_space<hbm>> -> memref<1x80xi32, #tpu.memory_space<hbm>>
    tpu.wait_dma2 semaphore(%arg12 : memref<!tpu.dma_semaphore, #tpu.memory_space<semaphore_mem>>) src(%dma_wait3A_319 : memref<1x80xi32, #tpu.memory_space<hbm>>) dst(%dma_wait3A_315 : memref<1x80xi32, #tpu.memory_space<vmem>>)
    %barrier3A_320 = arith.constant 0 : index
    tpu.barrier barrier_id(%barrier3A_320)
    %mul3A_321 = arith.constant 632 : i32
    %mul3A_322 = arith.muli %arg1, %mul3A_321 : i32
    %mul3A_323 = arith.constant 10112 : i32
    %mul3A_324 = arith.muli %arg0, %mul3A_323 : i32
    %add3A = arith.addi %mul3A_324, %mul3A_322 : i32
    "tpu.region"() ({
      %run_scoped3A = tpu.sem_alloc : memref<!tpu.dma_semaphore, #tpu.memory_space<semaphore_mem>>
      %dma_start3A_325 = arith.constant 0 : i32
      %dma_start3A_326 = tpu.memref_slice %arg6[%add3A, %dma_start3A_325] : memref<20224x128xf32, #tpu.memory_space<hbm>> -> memref<632x128xf32, #tpu.memory_space<hbm>>
      %dma_start3A_327 = arith.constant 0 : i32
      %dma_start3A_328 = tpu.memref_slice %arg10[%mul3A_322, %dma_start3A_327] : memref<10112x128xf32, #tpu.memory_space<vmem_shared>> -> memref<632x128xf32, #tpu.memory_space<vmem_shared>>
      tpu.enqueue_dma source(%dma_start3A_328 : memref<632x128xf32, #tpu.memory_space<vmem_shared>>) target(%dma_start3A_326 : memref<632x128xf32, #tpu.memory_space<hbm>>) target_semaphore(%run_scoped3A : memref<!tpu.dma_semaphore, #tpu.memory_space<semaphore_mem>>)
      %dma_wait3A_329 = arith.constant 0 : i32
      %dma_wait3A_330 = tpu.memref_slice %arg6[%add3A, %dma_wait3A_329] : memref<20224x128xf32, #tpu.memory_space<hbm>> -> memref<632x128xf32, #tpu.memory_space<hbm>>
      %dma_wait3A_331 = arith.constant 0 : i32
      %dma_wait3A_332 = tpu.memref_slice %arg10[%mul3A_322, %dma_wait3A_331] : memref<10112x128xf32, #tpu.memory_space<vmem_shared>> -> memref<632x128xf32, #tpu.memory_space<vmem_shared>>
      tpu.wait_dma2 semaphore(%run_scoped3A : memref<!tpu.dma_semaphore, #tpu.memory_space<semaphore_mem>>) src(%dma_wait3A_332 : memref<632x128xf32, #tpu.memory_space<vmem_shared>>) dst(%dma_wait3A_330 : memref<632x128xf32, #tpu.memory_space<hbm>>)
      tpu.yield
    }) : () -> ()
    return
  }
}

module attributes {stable_mosaic.version = 14 : i64} {
  func.func @body(%arg0: i32, %arg1: memref<2000x128xf32, #tpu.memory_space<vmem>>, %arg2: memref<2x2000x128xf32, #tpu.memory_space<vmem>>, %arg3: memref<128x256xf32, #tpu.memory_space<vmem>>, %arg4: memref<1x256xf32, #tpu.memory_space<vmem>>, %arg5: memref<256x256xf32, #tpu.memory_space<vmem>>, %arg6: memref<1x256xf32, #tpu.memory_space<vmem>>, %arg7: memref<1x256xf32, #tpu.memory_space<vmem>>, %arg8: memref<1x256xf32, #tpu.memory_space<vmem>>, %arg9: memref<2x10000x128xf32, #tpu.memory_space<vmem>>, %arg10: memref<10000x256xf32, #tpu.memory_space<vmem>>, %arg11: memref<2x256xf32, #tpu.memory_space<vmem>>) attributes {dimension_semantics = [#tpu.dimension_semantics<arbitrary>], iteration_bounds = array<i64: 6>, scalar_prefetch = 0 : i64, scratch_operands = 2 : i64, tpu.core_type = #tpu.core_type<tc>, window_params = [{transform_indices = @transform_0, window_bounds = array<i64: 2000, 128>}, {transform_indices = @transform_1, window_bounds = array<i64: 2, 2000, 128>}, {pipeline_mode = #tpu.pipeline_mode<synchronous>, transform_indices = @transform_2, window_bounds = array<i64: 128, 256>}, {pipeline_mode = #tpu.pipeline_mode<synchronous>, transform_indices = @transform_3, window_bounds = array<i64: 1, 256>}, {pipeline_mode = #tpu.pipeline_mode<synchronous>, transform_indices = @transform_4, window_bounds = array<i64: 256, 256>}, {pipeline_mode = #tpu.pipeline_mode<synchronous>, transform_indices = @transform_5, window_bounds = array<i64: 1, 256>}, {pipeline_mode = #tpu.pipeline_mode<synchronous>, transform_indices = @transform_6, window_bounds = array<i64: 1, 256>}, {pipeline_mode = #tpu.pipeline_mode<synchronous>, transform_indices = @transform_7, window_bounds = array<i64: 1, 256>}, {pipeline_mode = #tpu.pipeline_mode<synchronous>, transform_indices = @transform_8, window_bounds = array<i64: 2, 10000, 128>}]} {
    %lt3A = arith.constant 5 : i32
    %lt3A_0 = arith.cmpi slt, %arg0, %lt3A : i32
    %convert_element_type3A = arith.extui %lt3A_0 : i1 to i32
    %cond3A = arith.constant 0 : i32
    %cond3A_1 = arith.cmpi ne, %convert_element_type3A, %cond3A : i32
    scf.if %cond3A_1 {
      %get3A = arith.constant 0 : index
      %get3A_6 = arith.constant 0 : index
      %get3A_7 = vector.load %arg1[%get3A, %get3A_6] : memref<2000x128xf32, #tpu.memory_space<vmem>>, vector<2000x128xf32>
      %get3A_8 = arith.constant 0 : index
      %get3A_9 = arith.constant 0 : index
      %get3A_10 = arith.constant 0 : index
      %get3A_11 = vector.load %arg2[%get3A_8, %get3A_9, %get3A_10] : memref<2x2000x128xf32, #tpu.memory_space<vmem>>, vector<1x2000x128xf32>
      %get3A_12 = vector.shape_cast %get3A_11 : vector<1x2000x128xf32> to vector<2000x128xf32>
      %add3A = arith.addf %get3A_7, %get3A_12 : vector<2000x128xf32>
      %get3A_13 = arith.constant 1 : index
      %get3A_14 = arith.constant 0 : index
      %get3A_15 = arith.constant 0 : index
      %get3A_16 = vector.load %arg2[%get3A_13, %get3A_14, %get3A_15] : memref<2x2000x128xf32, #tpu.memory_space<vmem>>, vector<1x2000x128xf32>
      %get3A_17 = vector.shape_cast %get3A_16 : vector<1x2000x128xf32> to vector<2000x128xf32>
      %add3A_18 = arith.addf %add3A, %get3A_17 : vector<2000x128xf32>
      %get3A_19 = arith.constant 0 : index
      %get3A_20 = arith.constant 0 : index
      %get3A_21 = vector.load %arg3[%get3A_19, %get3A_20] : memref<128x256xf32, #tpu.memory_space<vmem>>, vector<128x256xf32>
      %dot_general3A = arith.constant dense<0.000000e+00> : vector<2000x256xf32>
      %dot_general3A_22 = tpu.matmul %add3A_18, %get3A_21, %dot_general3A {dimension_numbers = #tpu.dot_dimension_numbers<[1], [0], [0], [1], [0, 0, 1, 1], [], []>, transpose_lhs_hint = false} : vector<2000x128xf32>, vector<128x256xf32>, vector<2000x256xf32> -> vector<2000x256xf32>
      %get3A_23 = arith.constant 0 : index
      %get3A_24 = arith.constant 0 : index
      %get3A_25 = vector.load %arg4[%get3A_23, %get3A_24] : memref<1x256xf32, #tpu.memory_space<vmem>>, vector<1x256xf32>
      %add3A_26 = vector.broadcast %get3A_25 : vector<1x256xf32> to vector<2000x256xf32>
      %add3A_27 = arith.addf %dot_general3A_22, %add3A_26 : vector<2000x256xf32>
      %tanh3A = math.tanh %add3A_27 : vector<2000x256xf32>
      %get3A_28 = arith.constant 0 : index
      %get3A_29 = arith.constant 0 : index
      %get3A_30 = vector.load %arg5[%get3A_28, %get3A_29] : memref<256x256xf32, #tpu.memory_space<vmem>>, vector<256x256xf32>
      %dot_general3A_31 = arith.constant dense<0.000000e+00> : vector<2000x256xf32>
      %dot_general3A_32 = tpu.matmul %tanh3A, %get3A_30, %dot_general3A_31 {dimension_numbers = #tpu.dot_dimension_numbers<[1], [0], [0], [1], [0, 0, 1, 1], [], []>, transpose_lhs_hint = false} : vector<2000x256xf32>, vector<256x256xf32>, vector<2000x256xf32> -> vector<2000x256xf32>
      %get3A_33 = arith.constant 0 : index
      %get3A_34 = arith.constant 0 : index
      %get3A_35 = vector.load %arg6[%get3A_33, %get3A_34] : memref<1x256xf32, #tpu.memory_space<vmem>>, vector<1x256xf32>
      %add3A_36 = vector.broadcast %get3A_35 : vector<1x256xf32> to vector<2000x256xf32>
      %add3A_37 = arith.addf %dot_general3A_32, %add3A_36 : vector<2000x256xf32>
      %tanh3A_38 = math.tanh %add3A_37 : vector<2000x256xf32>
      %mul3A = arith.constant 2000 : i32
      %mul3A_39 = arith.muli %arg0, %mul3A : i32
      %swap3A = arith.index_cast %mul3A_39 : i32 to index
      %swap3A_40 = arith.constant 0 : index
      %swap3A_41 = vector.load %arg10[%swap3A, %swap3A_40] : memref<10000x256xf32, #tpu.memory_space<vmem>>, vector<2000x256xf32>
      tpu.vector_store %arg10[%swap3A, %swap3A_40], %tanh3A_38 {strides = array<i32>} : memref<10000x256xf32, #tpu.memory_space<vmem>>, vector<2000x256xf32>,
      %reduce_sum3A = arith.constant dense<0.000000e+00> : vector<256xf32>
      %reduce_sum3A_42 = vector.multi_reduction <add>, %tanh3A_38, %reduce_sum3A [0] : vector<2000x256xf32> to vector<256xf32>
      %mul3A_43 = arith.mulf %tanh3A_38, %tanh3A_38 : vector<2000x256xf32>
      %reduce_sum3A_44 = arith.constant dense<0.000000e+00> : vector<256xf32>
      %reduce_sum3A_45 = vector.multi_reduction <add>, %mul3A_43, %reduce_sum3A_44 [0] : vector<2000x256xf32> to vector<256xf32>
      %stack3A = vector.shape_cast %reduce_sum3A_42 : vector<256xf32> to vector<1x256xf32>
      %stack3A_46 = vector.shape_cast %reduce_sum3A_45 : vector<256xf32> to vector<1x256xf32>
      %stack3A_47 = tpu.concatenate %stack3A, %stack3A_46 in 0 : vector<1x256xf32>, vector<1x256xf32> -> vector<2x256xf32>
      %eq3A_48 = arith.constant 0 : i32
      %eq3A_49 = arith.cmpi eq, %arg0, %eq3A_48 : i32
      %convert_element_type3A_50 = arith.extui %eq3A_49 : i1 to i32
      %cond3A_51 = arith.constant 0 : i32
      %cond3A_52 = arith.cmpi ne, %convert_element_type3A_50, %cond3A_51 : i32
      scf.if %cond3A_52 {
        %swap3A_57 = arith.constant 0 : index
        %swap3A_58 = arith.constant 0 : index
        %swap3A_59 = vector.load %arg11[%swap3A_57, %swap3A_58] : memref<2x256xf32, #tpu.memory_space<vmem>>, vector<2x256xf32>
        tpu.vector_store %arg11[%swap3A_57, %swap3A_58], %stack3A_47 {strides = array<i32>} : memref<2x256xf32, #tpu.memory_space<vmem>>, vector<2x256xf32>,
      } else {
      }
      %gt3A = arith.constant 0 : i32
      %gt3A_53 = arith.cmpi sgt, %arg0, %gt3A : i32
      %convert_element_type3A_54 = arith.extui %gt3A_53 : i1 to i32
      %cond3A_55 = arith.constant 0 : i32
      %cond3A_56 = arith.cmpi ne, %convert_element_type3A_54, %cond3A_55 : i32
      scf.if %cond3A_56 {
        %get3A_57 = arith.constant 0 : index
        %get3A_58 = arith.constant 0 : index
        %get3A_59 = vector.load %arg11[%get3A_57, %get3A_58] : memref<2x256xf32, #tpu.memory_space<vmem>>, vector<2x256xf32>
        %add3A_60 = arith.addf %get3A_59, %stack3A_47 : vector<2x256xf32>
        %swap3A_61 = arith.constant 0 : index
        %swap3A_62 = arith.constant 0 : index
        %swap3A_63 = vector.load %arg11[%swap3A_61, %swap3A_62] : memref<2x256xf32, #tpu.memory_space<vmem>>, vector<2x256xf32>
        tpu.vector_store %arg11[%swap3A_61, %swap3A_62], %add3A_60 {strides = array<i32>} : memref<2x256xf32, #tpu.memory_space<vmem>>, vector<2x256xf32>,
      } else {
      }
    } else {
    }
    %eq3A = arith.constant 5 : i32
    %eq3A_2 = arith.cmpi eq, %arg0, %eq3A : i32
    %convert_element_type3A_3 = arith.extui %eq3A_2 : i1 to i32
    %cond3A_4 = arith.constant 0 : i32
    %cond3A_5 = arith.cmpi ne, %convert_element_type3A_3, %cond3A_4 : i32
    scf.if %cond3A_5 {
      %get3A = arith.constant 0 : index
      %get3A_6 = arith.constant 0 : index
      %get3A_7 = vector.load %arg11[%get3A, %get3A_6] : memref<2x256xf32, #tpu.memory_space<vmem>>, vector<1x256xf32>
      %get3A_8 = vector.shape_cast %get3A_7 : vector<1x256xf32> to vector<256xf32>
      %div3A = arith.constant 1.000000e+04 : f32
      %div3A_9 = vector.broadcast %div3A : f32 to vector<256xf32>
      %div3A_10 = arith.divf %get3A_8, %div3A_9 : vector<256xf32>
      %get3A_11 = arith.constant 1 : index
      %get3A_12 = arith.constant 0 : index
      %get3A_13 = vector.load %arg11[%get3A_11, %get3A_12] : memref<2x256xf32, #tpu.memory_space<vmem>>, vector<1x256xf32>
      %get3A_14 = vector.shape_cast %get3A_13 : vector<1x256xf32> to vector<256xf32>
      %div3A_15 = arith.constant 1.000000e+04 : f32
      %div3A_16 = vector.broadcast %div3A_15 : f32 to vector<256xf32>
      %div3A_17 = arith.divf %get3A_14, %div3A_16 : vector<256xf32>
      %mul3A = arith.mulf %div3A_10, %div3A_10 : vector<256xf32>
      %sub3A = arith.subf %div3A_17, %mul3A : vector<256xf32>
      %get3A_18 = arith.constant 0 : index
      %get3A_19 = arith.constant 0 : index
      %get3A_20 = vector.load %arg7[%get3A_18, %get3A_19] : memref<1x256xf32, #tpu.memory_space<vmem>>, vector<1x256xf32>
      %add3A = arith.constant 9.99999974E-6 : f32
      %add3A_21 = vector.broadcast %add3A : f32 to vector<256xf32>
      %add3A_22 = arith.addf %sub3A, %add3A_21 : vector<256xf32>
      %rsqrt3A = math.rsqrt %add3A_22 : vector<256xf32>
      %broadcast_in_dim3A = vector.shape_cast %rsqrt3A : vector<256xf32> to vector<1x256xf32>
      %mul3A_23 = arith.mulf %get3A_20, %broadcast_in_dim3A : vector<1x256xf32>
      %get3A_24 = arith.constant 0 : index
      %get3A_25 = arith.constant 0 : index
      %get3A_26 = vector.load %arg8[%get3A_24, %get3A_25] : memref<1x256xf32, #tpu.memory_space<vmem>>, vector<1x256xf32>
      %broadcast_in_dim3A_27 = vector.shape_cast %div3A_10 : vector<256xf32> to vector<1x256xf32>
      %mul3A_28 = arith.mulf %broadcast_in_dim3A_27, %mul3A_23 : vector<1x256xf32>
      %sub3A_29 = arith.subf %get3A_26, %mul3A_28 : vector<1x256xf32>
      %get3A_30 = arith.constant 0 : index
      %get3A_31 = arith.constant 0 : index
      %get3A_32 = vector.load %arg10[%get3A_30, %get3A_31] : memref<10000x256xf32, #tpu.memory_space<vmem>>, vector<10000x256xf32>
      %mul3A_33 = vector.broadcast %mul3A_23 : vector<1x256xf32> to vector<10000x256xf32>
      %mul3A_34 = arith.mulf %get3A_32, %mul3A_33 : vector<10000x256xf32>
      %add3A_35 = vector.broadcast %sub3A_29 : vector<1x256xf32> to vector<10000x256xf32>
      %add3A_36 = arith.addf %mul3A_34, %add3A_35 : vector<10000x256xf32>
      %slice3A = vector.extract_strided_slice %add3A_36 {offsets = [0, 0], sizes = [10000, 128], strides = [1, 1]} : vector<10000x256xf32> to vector<10000x128xf32>
      %swap3A = arith.constant 0 : index
      %swap3A_37 = arith.constant 0 : index
      %swap3A_38 = arith.constant 0 : index
      %swap3A_39 = vector.load %arg9[%swap3A, %swap3A_37, %swap3A_38] : memref<2x10000x128xf32, #tpu.memory_space<vmem>>, vector<1x10000x128xf32>
      %swap3A_40 = vector.shape_cast %swap3A_39 : vector<1x10000x128xf32> to vector<10000x128xf32>
      %swap3A_41 = vector.shape_cast %slice3A : vector<10000x128xf32> to vector<1x10000x128xf32>
      tpu.vector_store %arg9[%swap3A, %swap3A_37, %swap3A_38], %swap3A_41 {strides = array<i32>} : memref<2x10000x128xf32, #tpu.memory_space<vmem>>, vector<1x10000x128xf32>,
      %slice3A_42 = vector.extract_strided_slice %add3A_36 {offsets = [0, 128], sizes = [10000, 128], strides = [1, 1]} : vector<10000x256xf32> to vector<10000x128xf32>
      %swap3A_43 = arith.constant 1 : index
      %swap3A_44 = arith.constant 0 : index
      %swap3A_45 = arith.constant 0 : index
      %swap3A_46 = vector.load %arg9[%swap3A_43, %swap3A_44, %swap3A_45] : memref<2x10000x128xf32, #tpu.memory_space<vmem>>, vector<1x10000x128xf32>
      %swap3A_47 = vector.shape_cast %swap3A_46 : vector<1x10000x128xf32> to vector<10000x128xf32>
      %swap3A_48 = vector.shape_cast %slice3A_42 : vector<10000x128xf32> to vector<1x10000x128xf32>
      tpu.vector_store %arg9[%swap3A_43, %swap3A_44, %swap3A_45], %swap3A_48 {strides = array<i32>} : memref<2x10000x128xf32, #tpu.memory_space<vmem>>, vector<1x10000x128xf32>,
    } else {
    }
    return
  }
  func.func @transform_0(%arg0: i32) -> (i32, i32) {
    %min3A = arith.constant 4 : i32
    %min3A_0 = arith.minsi %arg0, %min3A : i32
    %c0_i32 = arith.constant 0 : i32
    %c0_i32_1 = arith.constant 0 : i32
    return %min3A_0, %c0_i32 : i32, i32
  }
  func.func @transform_1(%arg0: i32) -> (i32, i32, i32) {
    %min3A = arith.constant 4 : i32
    %min3A_0 = arith.minsi %arg0, %min3A : i32
    %c0_i32 = arith.constant 0 : i32
    %c0_i32_1 = arith.constant 0 : i32
    %c0_i32_2 = arith.constant 0 : i32
    return %c0_i32, %min3A_0, %c0_i32_1 : i32, i32, i32
  }
  func.func @transform_2(%arg0: i32) -> (i32, i32) {
    %c0_i32 = arith.constant 0 : i32
    %c0_i32_0 = arith.constant 0 : i32
    %c0_i32_1 = arith.constant 0 : i32
    return %c0_i32, %c0_i32_0 : i32, i32
  }
  func.func @transform_3(%arg0: i32) -> (i32, i32) {
    %c0_i32 = arith.constant 0 : i32
    %c0_i32_0 = arith.constant 0 : i32
    %c0_i32_1 = arith.constant 0 : i32
    return %c0_i32, %c0_i32_0 : i32, i32
  }
  func.func @transform_4(%arg0: i32) -> (i32, i32) {
    %c0_i32 = arith.constant 0 : i32
    %c0_i32_0 = arith.constant 0 : i32
    %c0_i32_1 = arith.constant 0 : i32
    return %c0_i32, %c0_i32_0 : i32, i32
  }
  func.func @transform_5(%arg0: i32) -> (i32, i32) {
    %c0_i32 = arith.constant 0 : i32
    %c0_i32_0 = arith.constant 0 : i32
    %c0_i32_1 = arith.constant 0 : i32
    return %c0_i32, %c0_i32_0 : i32, i32
  }
  func.func @transform_6(%arg0: i32) -> (i32, i32) {
    %c0_i32 = arith.constant 0 : i32
    %c0_i32_0 = arith.constant 0 : i32
    %c0_i32_1 = arith.constant 0 : i32
    return %c0_i32, %c0_i32_0 : i32, i32
  }
  func.func @transform_7(%arg0: i32) -> (i32, i32) {
    %c0_i32 = arith.constant 0 : i32
    %c0_i32_0 = arith.constant 0 : i32
    %c0_i32_1 = arith.constant 0 : i32
    return %c0_i32, %c0_i32_0 : i32, i32
  }
  func.func @transform_8(%arg0: i32) -> (i32, i32, i32) {
    %c0_i32 = arith.constant 0 : i32
    %c0_i32_0 = arith.constant 0 : i32
    %c0_i32_1 = arith.constant 0 : i32
    %c0_i32_2 = arith.constant 0 : i32
    return %c0_i32, %c0_i32_0, %c0_i32_1 : i32, i32, i32
  }
}

module attributes {stable_mosaic.version = 14 : i64} {
  func.func @body(%arg0: i32, %arg1: memref<2x2000x128xf32, #tpu.memory_space<vmem>>, %arg2: memref<2x2000x128xf32, #tpu.memory_space<vmem>>, %arg3: memref<1x1x2000xi32, #tpu.memory_space<vmem>>, %arg4: memref<256x256xf32, #tpu.memory_space<vmem>>, %arg5: memref<1x256xf32, #tpu.memory_space<vmem>>, %arg6: memref<256x256xf32, #tpu.memory_space<vmem>>, %arg7: memref<1x256xf32, #tpu.memory_space<vmem>>, %arg8: memref<1x256xf32, #tpu.memory_space<vmem>>, %arg9: memref<1x256xf32, #tpu.memory_space<vmem>>, %arg10: memref<256x256xf32, #tpu.memory_space<vmem>>, %arg11: memref<1x256xf32, #tpu.memory_space<vmem>>, %arg12: memref<256x32xf32, #tpu.memory_space<vmem>>, %arg13: memref<1x32xf32, #tpu.memory_space<vmem>>, %arg14: memref<64x32xf32, #tpu.memory_space<vmem>>, %arg15: memref<64x256xf32, #tpu.memory_space<vmem>>, %arg16: memref<1x64xf32, #tpu.memory_space<vmem>>, %arg17: memref<2x256xf32, #tpu.memory_space<vmem>>) attributes {dimension_semantics = [#tpu.dimension_semantics<arbitrary>], iteration_bounds = array<i64: 5>, scalar_prefetch = 0 : i64, scratch_operands = 3 : i64, tpu.core_type = #tpu.core_type<tc>, window_params = [{transform_indices = @transform_0, window_bounds = array<i64: 2, 2000, 128>}, {transform_indices = @transform_1, window_bounds = array<i64: 2, 2000, 128>}, {transform_indices = @transform_2, window_bounds = array<i64: 1, 1, 2000>}, {pipeline_mode = #tpu.pipeline_mode<synchronous>, transform_indices = @transform_3, window_bounds = array<i64: 256, 256>}, {pipeline_mode = #tpu.pipeline_mode<synchronous>, transform_indices = @transform_4, window_bounds = array<i64: 1, 256>}, {pipeline_mode = #tpu.pipeline_mode<synchronous>, transform_indices = @transform_5, window_bounds = array<i64: 256, 256>}, {pipeline_mode = #tpu.pipeline_mode<synchronous>, transform_indices = @transform_6, window_bounds = array<i64: 1, 256>}, {pipeline_mode = #tpu.pipeline_mode<synchronous>, transform_indices = @transform_7, window_bounds = array<i64: 1, 256>}, {pipeline_mode = #tpu.pipeline_mode<synchronous>, transform_indices = @transform_8, window_bounds = array<i64: 1, 256>}, {pipeline_mode = #tpu.pipeline_mode<synchronous>, transform_indices = @transform_9, window_bounds = array<i64: 256, 256>}, {pipeline_mode = #tpu.pipeline_mode<synchronous>, transform_indices = @transform_10, window_bounds = array<i64: 1, 256>}, {pipeline_mode = #tpu.pipeline_mode<synchronous>, transform_indices = @transform_11, window_bounds = array<i64: 256, 32>}, {pipeline_mode = #tpu.pipeline_mode<synchronous>, transform_indices = @transform_12, window_bounds = array<i64: 1, 32>}, {pipeline_mode = #tpu.pipeline_mode<synchronous>, transform_indices = @transform_13, window_bounds = array<i64: 64, 32>}]} {
    %eq3A = arith.constant 0 : i32
    %eq3A_0 = arith.cmpi eq, %arg0, %eq3A : i32
    %convert_element_type3A = arith.extui %eq3A_0 : i1 to i32
    %cond3A = arith.constant 0 : i32
    %cond3A_1 = arith.cmpi ne, %convert_element_type3A, %cond3A : i32
    scf.if %cond3A_1 {
      %broadcast_in_dim3A_86 = arith.constant 0.000000e+00 : f32
      %broadcast_in_dim3A_87 = vector.broadcast %broadcast_in_dim3A_86 : f32 to vector<64x256xf32>
      %swap3A_88 = arith.constant 0 : index
      %swap3A_89 = arith.constant 0 : index
      %swap3A_90 = vector.load %arg15[%swap3A_88, %swap3A_89] : memref<64x256xf32, #tpu.memory_space<vmem>>, vector<64x256xf32>
      tpu.vector_store %arg15[%swap3A_88, %swap3A_89], %broadcast_in_dim3A_87 {strides = array<i32>} : memref<64x256xf32, #tpu.memory_space<vmem>>, vector<64x256xf32>,
      %broadcast_in_dim3A_91 = arith.constant 0.000000e+00 : f32
      %broadcast_in_dim3A_92 = vector.broadcast %broadcast_in_dim3A_91 : f32 to vector<1x64xf32>
      %swap3A_93 = arith.constant 0 : index
      %swap3A_94 = arith.constant 0 : index
      %swap3A_95 = vector.load %arg16[%swap3A_93, %swap3A_94] : memref<1x64xf32, #tpu.memory_space<vmem>>, vector<1x64xf32>
      tpu.vector_store %arg16[%swap3A_93, %swap3A_94], %broadcast_in_dim3A_92 {strides = array<i32>} : memref<1x64xf32, #tpu.memory_space<vmem>>, vector<1x64xf32>,
      %broadcast_in_dim3A_96 = arith.constant 0.000000e+00 : f32
      %broadcast_in_dim3A_97 = vector.broadcast %broadcast_in_dim3A_96 : f32 to vector<2x256xf32>
      %swap3A_98 = arith.constant 0 : index
      %swap3A_99 = arith.constant 0 : index
      %swap3A_100 = vector.load %arg17[%swap3A_98, %swap3A_99] : memref<2x256xf32, #tpu.memory_space<vmem>>, vector<2x256xf32>
      tpu.vector_store %arg17[%swap3A_98, %swap3A_99], %broadcast_in_dim3A_97 {strides = array<i32>} : memref<2x256xf32, #tpu.memory_space<vmem>>, vector<2x256xf32>,
    } else {
    }
    %get3A = arith.constant 0 : index
    %get3A_2 = arith.constant 0 : index
    %get3A_3 = arith.constant 0 : index
    %get3A_4 = vector.load %arg1[%get3A, %get3A_2, %get3A_3] : memref<2x2000x128xf32, #tpu.memory_space<vmem>>, vector<1x2000x128xf32>
    %get3A_5 = vector.shape_cast %get3A_4 : vector<1x2000x128xf32> to vector<2000x128xf32>
    %get3A_6 = arith.constant 0 : index
    %get3A_7 = arith.constant 0 : index
    %get3A_8 = arith.constant 0 : index
    %get3A_9 = vector.load %arg2[%get3A_6, %get3A_7, %get3A_8] : memref<2x2000x128xf32, #tpu.memory_space<vmem>>, vector<1x2000x128xf32>
    %get3A_10 = vector.shape_cast %get3A_9 : vector<1x2000x128xf32> to vector<2000x128xf32>
    %add3A = arith.addf %get3A_5, %get3A_10 : vector<2000x128xf32>
    %get3A_11 = arith.constant 1 : index
    %get3A_12 = arith.constant 0 : index
    %get3A_13 = arith.constant 0 : index
    %get3A_14 = vector.load %arg1[%get3A_11, %get3A_12, %get3A_13] : memref<2x2000x128xf32, #tpu.memory_space<vmem>>, vector<1x2000x128xf32>
    %get3A_15 = vector.shape_cast %get3A_14 : vector<1x2000x128xf32> to vector<2000x128xf32>
    %get3A_16 = arith.constant 1 : index
    %get3A_17 = arith.constant 0 : index
    %get3A_18 = arith.constant 0 : index
    %get3A_19 = vector.load %arg2[%get3A_16, %get3A_17, %get3A_18] : memref<2x2000x128xf32, #tpu.memory_space<vmem>>, vector<1x2000x128xf32>
    %get3A_20 = vector.shape_cast %get3A_19 : vector<1x2000x128xf32> to vector<2000x128xf32>
    %add3A_21 = arith.addf %get3A_15, %get3A_20 : vector<2000x128xf32>
    %concatenate3A = tpu.concatenate %add3A, %add3A_21 in 1 : vector<2000x128xf32>, vector<2000x128xf32> -> vector<2000x256xf32>
    %get3A_22 = arith.constant 0 : index
    %get3A_23 = arith.constant 0 : index
    %get3A_24 = vector.load %arg4[%get3A_22, %get3A_23] : memref<256x256xf32, #tpu.memory_space<vmem>>, vector<256x256xf32>
    %dot_general3A = arith.constant dense<0.000000e+00> : vector<2000x256xf32>
    %dot_general3A_25 = tpu.matmul %concatenate3A, %get3A_24, %dot_general3A {dimension_numbers = #tpu.dot_dimension_numbers<[1], [0], [0], [1], [0, 0, 1, 1], [], []>, transpose_lhs_hint = false} : vector<2000x256xf32>, vector<256x256xf32>, vector<2000x256xf32> -> vector<2000x256xf32>
    %get3A_26 = arith.constant 0 : index
    %get3A_27 = arith.constant 0 : index
    %get3A_28 = vector.load %arg5[%get3A_26, %get3A_27] : memref<1x256xf32, #tpu.memory_space<vmem>>, vector<1x256xf32>
    %add3A_29 = vector.broadcast %get3A_28 : vector<1x256xf32> to vector<2000x256xf32>
    %add3A_30 = arith.addf %dot_general3A_25, %add3A_29 : vector<2000x256xf32>
    %tanh3A = math.tanh %add3A_30 : vector<2000x256xf32>
    %get3A_31 = arith.constant 0 : index
    %get3A_32 = arith.constant 0 : index
    %get3A_33 = vector.load %arg6[%get3A_31, %get3A_32] : memref<256x256xf32, #tpu.memory_space<vmem>>, vector<256x256xf32>
    %dot_general3A_34 = arith.constant dense<0.000000e+00> : vector<2000x256xf32>
    %dot_general3A_35 = tpu.matmul %tanh3A, %get3A_33, %dot_general3A_34 {dimension_numbers = #tpu.dot_dimension_numbers<[1], [0], [0], [1], [0, 0, 1, 1], [], []>, transpose_lhs_hint = false} : vector<2000x256xf32>, vector<256x256xf32>, vector<2000x256xf32> -> vector<2000x256xf32>
    %get3A_36 = arith.constant 0 : index
    %get3A_37 = arith.constant 0 : index
    %get3A_38 = vector.load %arg7[%get3A_36, %get3A_37] : memref<1x256xf32, #tpu.memory_space<vmem>>, vector<1x256xf32>
    %add3A_39 = vector.broadcast %get3A_38 : vector<1x256xf32> to vector<2000x256xf32>
    %add3A_40 = arith.addf %dot_general3A_35, %add3A_39 : vector<2000x256xf32>
    %tanh3A_41 = math.tanh %add3A_40 : vector<2000x256xf32>
    %get3A_42 = arith.constant 0 : index
    %get3A_43 = arith.constant 0 : index
    %get3A_44 = arith.constant 0 : index
    %get3A_45 = vector.load %arg3[%get3A_42, %get3A_43, %get3A_44] : memref<1x1x2000xi32, #tpu.memory_space<vmem>>, vector<1x1x2000xi32>
    %get3A_46 = vector.shape_cast %get3A_45 : vector<1x1x2000xi32> to vector<2000xi32>
    %broadcast_in_dim3A = vector.shape_cast %get3A_46 : vector<2000xi32> to vector<2000x1xi32>
    %iota3A = tpu.iota {dimensions = array<i32: 1>} : vector<2000x64xi32>
    %eq3A_47 = vector.broadcast %broadcast_in_dim3A : vector<2000x1xi32> to vector<2000x64xi32>
    %eq3A_48 = arith.cmpi eq, %eq3A_47, %iota3A : vector<2000x64xi32>
    %convert_element_type3A_49 = arith.extui %eq3A_48 : vector<2000x64xi1> to vector<2000x64xi32>
    %convert_element_type3A_50 = arith.sitofp %convert_element_type3A_49 : vector<2000x64xi32> to vector<2000x64xf32>
    %get3A_51 = arith.constant 0 : index
    %get3A_52 = arith.constant 0 : index
    %get3A_53 = vector.load %arg15[%get3A_51, %get3A_52] : memref<64x256xf32, #tpu.memory_space<vmem>>, vector<64x256xf32>
    %dot_general3A_54 = arith.constant dense<0.000000e+00> : vector<64x256xf32>
    %dot_general3A_55 = tpu.matmul %convert_element_type3A_50, %tanh3A_41, %dot_general3A_54 {dimension_numbers = #tpu.dot_dimension_numbers<[0], [0], [1], [1], [0, 1, 1, 1], [], []>, transpose_lhs_hint = false} : vector<2000x64xf32>, vector<2000x256xf32>, vector<64x256xf32> -> vector<64x256xf32>
    %add3A_56 = arith.addf %get3A_53, %dot_general3A_55 : vector<64x256xf32>
    %swap3A = arith.constant 0 : index
    %swap3A_57 = arith.constant 0 : index
    %swap3A_58 = vector.load %arg15[%swap3A, %swap3A_57] : memref<64x256xf32, #tpu.memory_space<vmem>>, vector<64x256xf32>
    tpu.vector_store %arg15[%swap3A, %swap3A_57], %add3A_56 {strides = array<i32>} : memref<64x256xf32, #tpu.memory_space<vmem>>, vector<64x256xf32>,
    %get3A_59 = arith.constant 0 : index
    %get3A_60 = arith.constant 0 : index
    %get3A_61 = vector.load %arg16[%get3A_59, %get3A_60] : memref<1x64xf32, #tpu.memory_space<vmem>>, vector<1x64xf32>
    %reduce_sum3A = arith.constant dense<0.000000e+00> : vector<64xf32>
    %reduce_sum3A_62 = vector.multi_reduction <add>, %convert_element_type3A_50, %reduce_sum3A [0] : vector<2000x64xf32> to vector<64xf32>
    %broadcast_in_dim3A_63 = vector.shape_cast %reduce_sum3A_62 : vector<64xf32> to vector<1x64xf32>
    %add3A_64 = arith.addf %get3A_61, %broadcast_in_dim3A_63 : vector<1x64xf32>
    %swap3A_65 = arith.constant 0 : index
    %swap3A_66 = arith.constant 0 : index
    %swap3A_67 = vector.load %arg16[%swap3A_65, %swap3A_66] : memref<1x64xf32, #tpu.memory_space<vmem>>, vector<1x64xf32>
    tpu.vector_store %arg16[%swap3A_65, %swap3A_66], %add3A_64 {strides = array<i32>} : memref<1x64xf32, #tpu.memory_space<vmem>>, vector<1x64xf32>,
    %get3A_68 = arith.constant 0 : index
    %get3A_69 = arith.constant 0 : index
    %get3A_70 = vector.load %arg17[%get3A_68, %get3A_69] : memref<2x256xf32, #tpu.memory_space<vmem>>, vector<2x256xf32>
    %reduce_sum3A_71 = arith.constant dense<0.000000e+00> : vector<256xf32>
    %reduce_sum3A_72 = vector.multi_reduction <add>, %tanh3A_41, %reduce_sum3A_71 [0] : vector<2000x256xf32> to vector<256xf32>
    %mul3A = arith.mulf %tanh3A_41, %tanh3A_41 : vector<2000x256xf32>
    %reduce_sum3A_73 = arith.constant dense<0.000000e+00> : vector<256xf32>
    %reduce_sum3A_74 = vector.multi_reduction <add>, %mul3A, %reduce_sum3A_73 [0] : vector<2000x256xf32> to vector<256xf32>
    %stack3A = vector.shape_cast %reduce_sum3A_72 : vector<256xf32> to vector<1x256xf32>
    %stack3A_75 = vector.shape_cast %reduce_sum3A_74 : vector<256xf32> to vector<1x256xf32>
    %stack3A_76 = tpu.concatenate %stack3A, %stack3A_75 in 0 : vector<1x256xf32>, vector<1x256xf32> -> vector<2x256xf32>
    %add3A_77 = arith.addf %get3A_70, %stack3A_76 : vector<2x256xf32>
    %swap3A_78 = arith.constant 0 : index
    %swap3A_79 = arith.constant 0 : index
    %swap3A_80 = vector.load %arg17[%swap3A_78, %swap3A_79] : memref<2x256xf32, #tpu.memory_space<vmem>>, vector<2x256xf32>
    tpu.vector_store %arg17[%swap3A_78, %swap3A_79], %add3A_77 {strides = array<i32>} : memref<2x256xf32, #tpu.memory_space<vmem>>, vector<2x256xf32>,
    %eq3A_81 = arith.constant 4 : i32
    %eq3A_82 = arith.cmpi eq, %arg0, %eq3A_81 : i32
    %convert_element_type3A_83 = arith.extui %eq3A_82 : i1 to i32
    %cond3A_84 = arith.constant 0 : i32
    %cond3A_85 = arith.cmpi ne, %convert_element_type3A_83, %cond3A_84 : i32
    scf.if %cond3A_85 {
      %get3A_86 = arith.constant 0 : index
      %get3A_87 = arith.constant 0 : index
      %get3A_88 = vector.load %arg17[%get3A_86, %get3A_87] : memref<2x256xf32, #tpu.memory_space<vmem>>, vector<1x256xf32>
      %get3A_89 = vector.shape_cast %get3A_88 : vector<1x256xf32> to vector<256xf32>
      %div3A = arith.constant 1.000000e+04 : f32
      %div3A_90 = vector.broadcast %div3A : f32 to vector<256xf32>
      %div3A_91 = arith.divf %get3A_89, %div3A_90 : vector<256xf32>
      %get3A_92 = arith.constant 1 : index
      %get3A_93 = arith.constant 0 : index
      %get3A_94 = vector.load %arg17[%get3A_92, %get3A_93] : memref<2x256xf32, #tpu.memory_space<vmem>>, vector<1x256xf32>
      %get3A_95 = vector.shape_cast %get3A_94 : vector<1x256xf32> to vector<256xf32>
      %div3A_96 = arith.constant 1.000000e+04 : f32
      %div3A_97 = vector.broadcast %div3A_96 : f32 to vector<256xf32>
      %div3A_98 = arith.divf %get3A_95, %div3A_97 : vector<256xf32>
      %mul3A_99 = arith.mulf %div3A_91, %div3A_91 : vector<256xf32>
      %sub3A = arith.subf %div3A_98, %mul3A_99 : vector<256xf32>
      %get3A_100 = arith.constant 0 : index
      %get3A_101 = arith.constant 0 : index
      %get3A_102 = vector.load %arg8[%get3A_100, %get3A_101] : memref<1x256xf32, #tpu.memory_space<vmem>>, vector<1x256xf32>
      %add3A_103 = arith.constant 9.99999974E-6 : f32
      %add3A_104 = vector.broadcast %add3A_103 : f32 to vector<256xf32>
      %add3A_105 = arith.addf %sub3A, %add3A_104 : vector<256xf32>
      %rsqrt3A = math.rsqrt %add3A_105 : vector<256xf32>
      %broadcast_in_dim3A_106 = vector.shape_cast %rsqrt3A : vector<256xf32> to vector<1x256xf32>
      %mul3A_107 = arith.mulf %get3A_102, %broadcast_in_dim3A_106 : vector<1x256xf32>
      %get3A_108 = arith.constant 0 : index
      %get3A_109 = arith.constant 0 : index
      %get3A_110 = vector.load %arg9[%get3A_108, %get3A_109] : memref<1x256xf32, #tpu.memory_space<vmem>>, vector<1x256xf32>
      %broadcast_in_dim3A_111 = vector.shape_cast %div3A_91 : vector<256xf32> to vector<1x256xf32>
      %mul3A_112 = arith.mulf %broadcast_in_dim3A_111, %mul3A_107 : vector<1x256xf32>
      %sub3A_113 = arith.subf %get3A_110, %mul3A_112 : vector<1x256xf32>
      %get3A_114 = arith.constant 0 : index
      %get3A_115 = arith.constant 0 : index
      %get3A_116 = vector.load %arg16[%get3A_114, %get3A_115] : memref<1x64xf32, #tpu.memory_space<vmem>>, vector<1x64xf32>
      %reshape3A = vector.shape_cast %get3A_116 : vector<1x64xf32> to vector<64x1xf32>
      %get3A_117 = arith.constant 0 : index
      %get3A_118 = arith.constant 0 : index
      %get3A_119 = vector.load %arg15[%get3A_117, %get3A_118] : memref<64x256xf32, #tpu.memory_space<vmem>>, vector<64x256xf32>
      %max3A = arith.constant 1.000000e+00 : f32
      %max3A_120 = vector.broadcast %max3A : f32 to vector<64x1xf32>
      %max3A_121 = arith.maximumf %reshape3A, %max3A_120 : vector<64x1xf32>
      %div3A_122 = vector.broadcast %max3A_121 : vector<64x1xf32> to vector<64x256xf32>
      %div3A_123 = arith.divf %get3A_119, %div3A_122 : vector<64x256xf32>
      %gt3A = arith.constant 0.000000e+00 : f32
      %gt3A_124 = vector.broadcast %gt3A : f32 to vector<64x1xf32>
      %gt3A_125 = arith.cmpf ogt, %reshape3A, %gt3A_124 : vector<64x1xf32>
      %mul3A_126 = vector.broadcast %mul3A_107 : vector<1x256xf32> to vector<64x256xf32>
      %mul3A_127 = arith.mulf %div3A_123, %mul3A_126 : vector<64x256xf32>
      %add3A_128 = vector.broadcast %sub3A_113 : vector<1x256xf32> to vector<64x256xf32>
      %add3A_129 = arith.addf %mul3A_127, %add3A_128 : vector<64x256xf32>
      %jit3A = arith.constant 0.000000e+00 : f32
      %broadcast_in_dim3A_130 = vector.shape_cast %gt3A_125 : vector<64x1xi1> to vector<64x1xi1>
      %broadcast_in_dim3A_131 = vector.broadcast %broadcast_in_dim3A_130 : vector<64x1xi1> to vector<64x256xi1>
      %broadcast_in_dim3A_132 = vector.broadcast %jit3A : f32 to vector<64x256xf32>
      %select_n3A = arith.select %broadcast_in_dim3A_131, %add3A_129, %broadcast_in_dim3A_132 : vector<64x256xi1>, vector<64x256xf32>
      %get3A_133 = arith.constant 0 : index
      %get3A_134 = arith.constant 0 : index
      %get3A_135 = vector.load %arg10[%get3A_133, %get3A_134] : memref<256x256xf32, #tpu.memory_space<vmem>>, vector<256x256xf32>
      %dot_general3A_136 = arith.constant dense<0.000000e+00> : vector<64x256xf32>
      %dot_general3A_137 = tpu.matmul %select_n3A, %get3A_135, %dot_general3A_136 {dimension_numbers = #tpu.dot_dimension_numbers<[1], [0], [0], [1], [0, 0, 1, 1], [], []>, transpose_lhs_hint = false} : vector<64x256xf32>, vector<256x256xf32>, vector<64x256xf32> -> vector<64x256xf32>
      %get3A_138 = arith.constant 0 : index
      %get3A_139 = arith.constant 0 : index
      %get3A_140 = vector.load %arg11[%get3A_138, %get3A_139] : memref<1x256xf32, #tpu.memory_space<vmem>>, vector<1x256xf32>
      %add3A_141 = vector.broadcast %get3A_140 : vector<1x256xf32> to vector<64x256xf32>
      %add3A_142 = arith.addf %dot_general3A_137, %add3A_141 : vector<64x256xf32>
      %tanh3A_143 = math.tanh %add3A_142 : vector<64x256xf32>
      %get3A_144 = arith.constant 0 : index
      %get3A_145 = arith.constant 0 : index
      %get3A_146 = vector.load %arg12[%get3A_144, %get3A_145] : memref<256x32xf32, #tpu.memory_space<vmem>>, vector<256x32xf32>
      %dot_general3A_147 = arith.constant dense<0.000000e+00> : vector<64x32xf32>
      %dot_general3A_148 = tpu.matmul %tanh3A_143, %get3A_146, %dot_general3A_147 {dimension_numbers = #tpu.dot_dimension_numbers<[1], [0], [0], [1], [0, 0, 1, 1], [], []>, transpose_lhs_hint = false} : vector<64x256xf32>, vector<256x32xf32>, vector<64x32xf32> -> vector<64x32xf32>
      %get3A_149 = arith.constant 0 : index
      %get3A_150 = arith.constant 0 : index
      %get3A_151 = vector.load %arg13[%get3A_149, %get3A_150] : memref<1x32xf32, #tpu.memory_space<vmem>>, vector<1x32xf32>
      %add3A_152 = vector.broadcast %get3A_151 : vector<1x32xf32> to vector<64x32xf32>
      %add3A_153 = arith.addf %dot_general3A_148, %add3A_152 : vector<64x32xf32>
      %swap3A_154 = arith.constant 0 : index
      %swap3A_155 = arith.constant 0 : index
      %swap3A_156 = vector.load %arg14[%swap3A_154, %swap3A_155] : memref<64x32xf32, #tpu.memory_space<vmem>>, vector<64x32xf32>
      tpu.vector_store %arg14[%swap3A_154, %swap3A_155], %add3A_153 {strides = array<i32>} : memref<64x32xf32, #tpu.memory_space<vmem>>, vector<64x32xf32>,
    } else {
    }
    return
  }
  func.func @transform_0(%arg0: i32) -> (i32, i32, i32) {
    %c0_i32 = arith.constant 0 : i32
    %c0_i32_0 = arith.constant 0 : i32
    %c0_i32_1 = arith.constant 0 : i32
    return %c0_i32, %arg0, %c0_i32_0 : i32, i32, i32
  }
  func.func @transform_1(%arg0: i32) -> (i32, i32, i32) {
    %c0_i32 = arith.constant 0 : i32
    %c0_i32_0 = arith.constant 0 : i32
    %c0_i32_1 = arith.constant 0 : i32
    return %c0_i32, %arg0, %c0_i32_0 : i32, i32, i32
  }
  func.func @transform_2(%arg0: i32) -> (i32, i32, i32) {
    %c0_i32 = arith.constant 0 : i32
    %c0_i32_0 = arith.constant 0 : i32
    %c0_i32_1 = arith.constant 0 : i32
    return %arg0, %c0_i32, %c0_i32_0 : i32, i32, i32
  }
  func.func @transform_3(%arg0: i32) -> (i32, i32) {
    %c0_i32 = arith.constant 0 : i32
    %c0_i32_0 = arith.constant 0 : i32
    %c0_i32_1 = arith.constant 0 : i32
    return %c0_i32, %c0_i32_0 : i32, i32
  }
  func.func @transform_4(%arg0: i32) -> (i32, i32) {
    %c0_i32 = arith.constant 0 : i32
    %c0_i32_0 = arith.constant 0 : i32
    %c0_i32_1 = arith.constant 0 : i32
    return %c0_i32, %c0_i32_0 : i32, i32
  }
  func.func @transform_5(%arg0: i32) -> (i32, i32) {
    %c0_i32 = arith.constant 0 : i32
    %c0_i32_0 = arith.constant 0 : i32
    %c0_i32_1 = arith.constant 0 : i32
    return %c0_i32, %c0_i32_0 : i32, i32
  }
  func.func @transform_6(%arg0: i32) -> (i32, i32) {
    %c0_i32 = arith.constant 0 : i32
    %c0_i32_0 = arith.constant 0 : i32
    %c0_i32_1 = arith.constant 0 : i32
    return %c0_i32, %c0_i32_0 : i32, i32
  }
  func.func @transform_7(%arg0: i32) -> (i32, i32) {
    %c0_i32 = arith.constant 0 : i32
    %c0_i32_0 = arith.constant 0 : i32
    %c0_i32_1 = arith.constant 0 : i32
    return %c0_i32, %c0_i32_0 : i32, i32
  }
  func.func @transform_8(%arg0: i32) -> (i32, i32) {
    %c0_i32 = arith.constant 0 : i32
    %c0_i32_0 = arith.constant 0 : i32
    %c0_i32_1 = arith.constant 0 : i32
    return %c0_i32, %c0_i32_0 : i32, i32
  }
  func.func @transform_9(%arg0: i32) -> (i32, i32) {
    %c0_i32 = arith.constant 0 : i32
    %c0_i32_0 = arith.constant 0 : i32
    %c0_i32_1 = arith.constant 0 : i32
    return %c0_i32, %c0_i32_0 : i32, i32
  }
  func.func @transform_10(%arg0: i32) -> (i32, i32) {
    %c0_i32 = arith.constant 0 : i32
    %c0_i32_0 = arith.constant 0 : i32
    %c0_i32_1 = arith.constant 0 : i32
    return %c0_i32, %c0_i32_0 : i32, i32
  }
  func.func @transform_11(%arg0: i32) -> (i32, i32) {
    %c0_i32 = arith.constant 0 : i32
    %c0_i32_0 = arith.constant 0 : i32
    %c0_i32_1 = arith.constant 0 : i32
    return %c0_i32, %c0_i32_0 : i32, i32
  }
  func.func @transform_12(%arg0: i32) -> (i32, i32) {
    %c0_i32 = arith.constant 0 : i32
    %c0_i32_0 = arith.constant 0 : i32
    %c0_i32_1 = arith.constant 0 : i32
    return %c0_i32, %c0_i32_0 : i32, i32
  }
  func.func @transform_13(%arg0: i32) -> (i32, i32) {
    %c0_i32 = arith.constant 0 : i32
    %c0_i32_0 = arith.constant 0 : i32
    %c0_i32_1 = arith.constant 0 : i32
    return %c0_i32, %c0_i32_0 : i32, i32
  }
}

</mosaic_0001>

<sc_bundles>
// kernel: kernel.6.cloned.1.call-start
scs
__scs_entry_jumppad:
0x0: {  	(pc) =	sbr.rel $0x88, $3  }
0x1: {  	(tag) =	ssettag $0x0;
	lr =	simm.s32 $0x1  }
0x2: {  	[smem:$0x3F8E] =	sst lr;
	_ =	strace $0xD0000000  }
0x3: {  	_ = 	snop  }
0x4: {  	_ = 	snop  }
0x5: {  	_ = 	snop  }
0x6: {  	_ = 	snop  }
0x7: {  	_ = 	snop  }
__scs_overlays_trampoline_lowered:
0x8: {  	[smem:$0x3F9D] =	sst s0  }
0x9: {  	[smem:$0x3F9E] =	sst s1  }
0xa: {  	[smem:$0x3F9F] =	sst s2  }
0xb: {  	[smem:$0x3FA0] =	sst s3  }
0xc: {  	[smem:$0x3FA1] =	sst s4  }
0xd: {  	[smem:$0x3FA2] =	sst s5  }
0xe: {  	[smem:$0x3FA3] =	sst s6  }
0xf: {  	[smem:$0x3FA4] =	sst s7  }
0x10: {  	[smem:$0x3FA5] =	sst s8  }
0x11: {  	[smem:$0x3FA6] =	sst s9;
	s0 =	simm.s32 @!p0 $0x0  }
0x12: {  	s1 =	sld [smem:$0x3F8C];
	s0 =	simm.s32 @p0 $0x1  }
0x13: {  	[smem:$0x3FA7] =	sst s0;
	s0 =	simm.s32 @!p1 $0x0  }
0x14: {  	s2 =	sld [smem:$0x3F8B];
	s0 =	simm.s32 @p1 $0x1  }
0x15: {  	[smem:$0x3FA8] =	sst s0;
	s0 =	simm.s32 @!p2 $0x0  }
0x16: {  	s3 =	sld [smem:$0x3FDB];
	s0 =	simm.s32 @p2 $0x1  }
0x17: {  	s4 =	simm.s32 $0x1BF5;
	[smem:$0x3FAA] =	sst s0  }
0x18: {  	s0 =	sld [smem:$0x3F8D];
	_ =	swait.ge [sflag:s4], $0x0  }
0x19: {  	s7 =	sld [smem:$0x3F8E]  }
0x1a: {  	s8 =	sadd.s32 $0xFFFFE003, lr  }
0x1b: {  	s9 =	sadd.s32 $0xFFFFFEF7, lr;
	s5 =	simm.s32 $0xFFFFFFFF;
	p2 =	slt.u32 s8, $0xFFFFF086  }
0x1c: {  	p1 =	slt.u32 s9, $0xF7A;
	s5 =	simm.s32 @!p2 $0x0  }
0x1d: {  	s5 =	simm.s32 @p1 $0x1;
	p0 =	seq.s32 s7, s2  }
0x1e: {  	s7 =	smul.u32 @!p0 $0xF7A, s2;
	p2 =	seq.s32 @!p0 s5, $0x0  }
0x1f: {  	s9 =	smul.u32 $0xF7A, s1;
	s8 =	simm.s32 @!p0 $0x1BF5;
	p2 =	por !p2, p0  }
0x20: {  	[sflag:s8] =	ssyncset.s32 @!p0 $0xFFFFF086;
	s6 =	sadd.s32 @!p0 s3, s7;
	s7 =	simm.s32 @!p0 $0x108  }
0x21: {  	s3 =	sadd.s32 s3, s9;
	s6 =	sadd.s32 @!p0 $0x88, s6;
	s7 =	simm.s32 @p2 $0x1082  }
0x22: {  	[simem:s7], [sflag:s8] =	dma.local @!p0 [hbm:s6], $0xF7A  }
0x23: {  	s9 =	sor.u32 $0xD0000000, s2;
	s6 =	simm.s32 $0x108;
	_ =	swait.ge @!p0 [sflag:s8], $0x0  }
0x24: {  	s3 =	sadd.s32 $0x88, s3;
	s6 =	simm.s32 @!p1 $0x1082;
	[sflag:s4] =	ssyncset.s32 $0xFFFFF086  }
0x25: {  	[simem:s6], [sflag:s4] =	dma.local [hbm:s3], $0xF7A  }
0x26: {  	[smem:$0x3F8E] =	sst s1;
	(tag) =	ssettag s2;
	_ =	strace s9  }
0x27: {  	s1 =	sld [smem:$0x3F9E]  }
0x28: {  	s2 =	sld [smem:$0x3F9F]  }
0x29: {  	s4 =	sld [smem:$0x3FA1]  }
0x2a: {  	p0 =	seq.s32 s5, $0x0;
	s5 =	sld [smem:$0x3FA2]  }
0x2b: {  	s6 =	sld [smem:$0x3FA3]  }
0x2c: {  	s7 =	sld [smem:$0x3FA4]  }
0x2d: {  	s3 =	simm.s32 $0x108;
	s8 =	sld [smem:$0x3FA5]  }
0x2e: {  	s3 =	simm.s32 @!p0 $0x1082;
	s9 =	sld [smem:$0x3FA6]  }
0x2f: {  	lr =	sadd.s32 s0, s3;
	s0 =	sld [smem:$0x3F9D]  }
0x30: {  	s3 =	sld [smem:$0x3FA0]  }
0x31: {  	[smem:$0x3FA9] =	sst s10  }
0x32: {  	s10 =	sld [smem:$0x3FA7];
	_ =	sdelay $0x3  }
0x33: {  	p0 =	seq.s32 s10, $0x1;
	s10 =	sld [smem:$0x3FA9];
	_ =	sdelay $0x3  }
0x34: {  	[smem:$0x3FA9] =	sst s10  }
0x35: {  	s10 =	sld [smem:$0x3FA8];
	_ =	sdelay $0x3  }
0x36: {  	p1 =	seq.s32 s10, $0x1;
	s10 =	sld [smem:$0x3FA9];
	_ =	sdelay $0x3  }
0x37: {  	[smem:$0x3FA9] =	sst s10  }
0x38: {  	s10 =	sld [smem:$0x3FAA]  }
0x39: {  	_ = 	snop;
	(pc) =	sbr.ind lr, $3  }
0x3a: {  	_ = 	snop  }
0x3b: {  	_ = 	snop  }
0x3c: {  	p2 =	seq.s32 s10, $0x1;
	s10 =	sld [smem:$0x3FA9]  }
0x3d: {  	_ =	shalt  }
0x3e: {  	_ =	shalt  }
0x3f: {  	_ =	shalt  }
0x40: {  	_ =	shalt  }
0x41: {  	_ =	shalt  }
0x42: {  	_ =	shalt  }
0x43: {  	_ =	shalt  }
0x44: {  	_ =	shalt  }
0x45: {  	_ =	shalt  }
0x46: {  	_ =	shalt  }
0x47: {  	_ =	shalt  }
0x48: {  	_ =	shalt  }
0x49: {  	_ =	shalt  }
0x4a: {  	_ =	shalt  }
0x4b: {  	_ =	shalt  }
0x4c: {  	_ =	shalt  }
0x4d: {  	_ =	shalt  }
0x4e: {  	_ =	shalt  }
0x4f: {  	_ =	shalt  }
0x50: {  	_ =	shalt  }
0x51: {  	_ =	shalt  }
0x52: {  	_ =	shalt  }
0x53: {  	_ =	shalt  }
0x54: {  	_ =	shalt  }
0x55: {  	_ =	shalt  }
0x56: {  	_ =	shalt  }
0x57: {  	_ =	shalt  }
0x58: {  	_ =	shalt  }
0x59: {  	_ =	shalt  }
0x5a: {  	_ =	shalt  }
0x5b: {  	_ =	shalt  }
0x5c: {  	_ =	shalt  }
0x5d: {  	_ =	shalt  }
0x5e: {  	_ =	shalt  }
0x5f: {  	_ =	shalt  }
0x60: {  	_ =	shalt  }
0x61: {  	_ =	shalt  }
0x62: {  	_ =	shalt  }
0x63: {  	_ =	shalt  }
0x64: {  	_ =	shalt  }
0x65: {  	_ =	shalt  }
0x66: {  	_ =	shalt  }
0x67: {  	_ =	shalt  }
0x68: {  	_ =	shalt  }
0x69: {  	_ =	shalt  }
0x6a: {  	_ =	shalt  }
0x6b: {  	_ =	shalt  }
0x6c: {  	_ =	shalt  }
0x6d: {  	_ =	shalt  }
0x6e: {  	_ =	shalt  }
0x6f: {  	_ =	shalt  }
0x70: {  	_ =	shalt  }
0x71: {  	_ =	shalt  }
0x72: {  	_ =	shalt  }
0x73: {  	_ =	shalt  }
0x74: {  	_ =	shalt  }
0x75: {  	_ =	shalt  }
0x76: {  	_ =	shalt  }
0x77: {  	_ =	shalt  }
0x78: {  	_ =	shalt  }
0x79: {  	_ =	shalt  }
0x7a: {  	_ =	shalt  }
0x7b: {  	_ =	shalt  }
0x7c: {  	_ =	shalt  }
0x7d: {  	_ =	shalt  }
0x7e: {  	_ =	shalt  }
0x7f: {  	_ =	shalt  }
0x80: {  	_ =	shalt  }
0x81: {  	_ =	shalt  }
0x82: {  	_ =	shalt  }
0x83: {  	_ =	shalt  }
0x84: {  	_ =	shalt  }
0x85: {  	_ =	shalt  }
0x86: {  	_ =	shalt  }
0x87: {  	_ =	shalt  }
.Lfunc_end0:
.L_simem_size_0:
called_computation_lowered:
.L_overlay_start_0:
0x88: {  	s2 =	sld [smem:$0x3FD9]  }
0x89: {  	s3 =	sld [smem:$0x3FFE];
	_ =	sdelay $0x1  }
0x8a: {  	s1 =	srdreg.scid  }
0x8b: {  	s0 =	sand.u32 $0x1, s1  }
0x8c: {  	s17 =	sshll.u32 s0, $0xA;
	s2 =	sadd.s32 s3, s2  }
0x8d: {  	s2 =	sadd.s32 s2, s17  }
0x8e: {  	[smem:$0x3FB5] =	sst s2  }
0x8f: {  	_ = 	snop  }
0x90: {  	s2 =	sld [smem:$0x3FC9];
	(tm) =	ssettm $0x1  }
0x91: {  	s18 =	sld [smem:$0x3FFB];
	_ =	sdelay $0x3  }
0x92: {  	_ =	strace s18  }
0x93: {  	s3 =	sld [smem:$0x3FFC];
	_ =	sdelay $0x3  }
0x94: {  	_ =	strace s3  }
0x95: {  	s3 =	sld [smem:$0x3FFD];
	_ =	sdelay $0x3  }
0x96: {  	_ =	strace s3  }
0x97: {  	_ =	strace $0x8FFFFFFF  }
0x98: {  	s19 =	sld [smem:$0x3FDB];
	_ =	sdelay $0x1  }
0x99: {  	s4 =	simm.s32 $_scs_section_size  }
0x9a: {  	s5 =	simm.s32 $_size__tile_overlayer_lowered;
	s6 =	simm.s32 $_tile_overlayer_lowered  }
0x9b: {  	s22 =	simm.s32 $0x1BFF;
	s21 =	sshll.u32 s6, $0x1;
	s3 =	sadd.s32 s4, s19  }
0x9c: {  	s7 =	simm.s32 $0x0;
	s20 =	sshll.u32 s5, $0x1;
	s5 =	sadd.s32 s21, s3  }
0x9d: {  	[timem:s7], [sflag:s22] =	dma.local [hbm:s5], s20  }
0x9e: {  	_ =	swait.ge [sflag:s22], s20  }
0x9f: {  	s4 =	ssub.s32 $0x0, s20;
	[sflag:s22] =	ssyncset.done $0x0  }
0xa0: {  	[sflag:s22] =	ssyncadd.s32 s4;
	_ =	sdelay $0x1  }
0xa1: {  	s23 =	simm.s32 $0x1B8B  }
0xa2: {  	_ =	swait.ge [sflag:s23], $0x1  }
0xa3: {  	[sflag:s23] =	ssyncset.done $0x0  }
0xa4: {  	s25 =	simm.s32 $0x1B8E;
	s24 =	sld [smem:$0x3FFE];
	[sflag:s23] =	ssyncadd.s32 $0xFFFFFFFF  }
0xa5: {  	s26 =	simm.s32 $execute0_lowered;
	[smem:$0x3FD2] =	sst s25  }
0xa6: {  	s5 =	sshll.u32 s26, $0x1;
	_ =	strace $0x80000046;
	[dreg:$0x1] =	wrdreg $0xFFFFFFFF  }
0xa7: {  	s28 =	simm.s32 $_size_execute0_lowered;
	s3 =	sadd.s32 s3, s5;
	[dreg:$0x0] =	wrdreg $0x0  }
0xa8: {  	s5 =	sshll.u32 s28, $0x1;
	[dreg:$0x2] =	wrdreg s3  }
0xa9: {  	[dreg:$0x3] =	wrdreg s5  }
0xaa: {  	[dreg:$0x4] =	wrdreg $0xC0  }
0xab: {  	_ =	task [dreg:s7], $0x5FFFF  }
0xac: {  	[dreg:$0x1] =	wrdreg $0xFFFFFFFF  }
0xad: {  	[dreg:$0x0] =	wrdreg $0x60  }
0xae: {  	[dreg:$0x2] =	wrdreg s2  }
0xaf: {  	[dreg:$0x3] =	wrdreg s24  }
0xb0: {  	[dreg:$0x4] =	wrdreg $0xA6000  }
0xb1: {  	[dreg:$0x5] =	wrdreg $0x9  }
0xb2: {  	_ =	task.clear_ibuf [dreg:s7], $0x6FFFF;
	_ =	strace $0x90000046  }
0xb3: {  	s29 =	simm.s32 $0x9;
	_ =	strace $0x80000048  }
0xb4: {  	_ =	swait.ge [sflag:s29], $0x1  }
0xb5: {  	[sflag:s29] =	ssyncadd.s32 $0xFFFFFFFF  }
0xb6: {  	_ =	strace $0x90000048  }
0xb7: {  	_ =	sfence  }
0xb8: {  	s30 =	sld [smem:$0x0];
	_ =	sdelay $0x2  }
0xb9: {  	s31 =	sshll.u32 s1, $0xD;
	s1 =	sshrl.u32 s1, $0x2  }
0xba: {  	s3 =	sand.u32 $0x4000, s31;
	s1 =	sadd.s32 s1, s30  }
0xbb: {  	s0 =	sor.u32 s3, s0;
	s1 =	sshll.u32 s1, $0x11  }
0xbc: {  	s0 =	sor.u32 s1, s0  }
0xbd: {  	s0 =	sadd.s32 $0x8F2B, s0  }
0xbe: {  	[sflag:s0] =	ssyncadd.remote.s32 $0x1  }
0xbf: {  	_ =	sfence.sel $0xFFFF  }
0xc0: {  	[dreg:$0x0] =	wrdreg $0xFFFFFFFF;
	(pc) =	sbr.abs _section_cstart, $3  }
0xc1: {  	[dreg:$0x1] =	wrdreg $0xFFFFFFFF  }
0xc2: {  	_ =	task.clear_ibuf [dreg:s7], $0x2FFFF;
	_ =	strace $0x9FFFFFFF  }
0xc3: {  	(tm) =	ssettm $0x7FFFFFFF  }
tec
execute0_lowered:
.L_overlay_start_1:
0x0: {  	(tag) =	ssettag $0x1  }
0x1: {  	s1 =	rddreg [dreg:$0x0]  }
0x2: {  	s0 =	rddreg [dreg:$0x1]  }
0x3: {  	s3 =	rddreg [dreg:$0x2]  }
0x4: {  	s2 =	srdreg.scid;
	s10 =	stileid.u32  }
0x5: {  	s4 =	simm.s32 $0x0;
	s30 =	simm.s32 $0x1;
	s31 =	simm.s32 $0x3  }
0x6: {  	s2 =	sand.u32 $0x1, s2;
	s7 =	smul.u32 $0x2780, s10;
	[smem:$0x7FF] =	sst s4  }
0x7: {  	s5 =	sadd.s32 $0x3000, s0;
	s6 =	sadd.s32 $0x12A00, s0;
	s20 =	smul.u32 $0x4F000, s10  }
0x8: {  	s9 =	sadd.s32 $0x22400, s0;
	s23 =	sshll.u32 s10, $0x6;
	s8 =	smul.u32 $0x27800, s2  }
0x9: {  	_ =	strace $0x80000047;
	[dreg:$0x4] =	wrdreg s9;
	s19 =	sshll.u32 s2, $0x4  }
0xa: {  	s2 =	ssub.s32 $0x2, s2;
	[dreg:$0x5] =	wrdreg s23;
	s9 =	sor.u32 $0x1C03, s23  }
0xb: {  	s21 =	sshrl.u32 s2, $0x1;
	s22 =	sshrl.u32 s20, $0x2;
	[dreg:$0x6] =	wrdreg s9  }
0xc: {  	s7 =	sadd.s32 s7, s8;
	s8 =	sor.u32 s10, s19;
	s2 =	ssub.s32 s2, s21  }
0xd: {  	s21 =	simm.s32 $0x80;
	s0 =	sadd.s32 s7, s0;
	s8 =	smul.u32 $0x3E80, s8  }
0xe: {  	s7 =	sadd.s32 s22, s3;
	s18 =	smax.u32 s2, $0x1;
	s2 =	simm.s32 $0x0  }
0xf: {  	s17 =	sadd.s32 $0x24C00, s0;
	s19 =	sshrl.u32 s7, $0x3;
	s24 =	sshrl.u32 s8, $0x3  }
0x10: {  	s0 =	simm.s32 $0x4;
	s25 =	sadd.s32 s5, s24;
	s26 =	sadd.s32 s6, s24  }
0x11: {  	s14 =	sadd.s32 $0x10, s24;
	s10 =	sadd.s32 $0x20, s24;
	[dreg:$0x7] =	wrdreg s25  }
0x12: {  	[dreg:$0x8] =	wrdreg s26;
	s28 =	sadd.s32 s5, s14;
	s29 =	sadd.s32 s6, s14  }
0x13: {  	s15 =	sadd.s32 s5, s10;
	s16 =	sadd.s32 s6, s10;
	[dreg:$0x9] =	wrdreg s28  }
0x14: {  	s25 =	simm.s32 $0x2;
	s26 =	simm.s32 $0x50;
	[dreg:$0xa] =	wrdreg s29  }
.LBB2_1:
0x15: {  	s7 =	rddreg [dreg:$0x4]  }
0x16: {  	s9 =	rddreg [dreg:$0x6]  }
0x17: {  	[spmem:s19], [sflag:s9] =	dma.local [hbm:s7], $0x2780  }
0x18: {  	s7 =	rddreg [dreg:$0x7]  }
0x19: {  	[tilespmem:s4], [sflag:$0x2] =	stream.linear.gather [hbm4b:s7+s4], $0x80, $0x38;
	[tilespmem:$0x1E200] =	vst v63  }
0x1a: {  	s10 =	simm.s32 $0x300;
	s9 =	rddreg [dreg:$0x8]  }
0x1b: {  	[tilespmem:s10], [sflag:$0x2] =	stream.linear.gather [hbm4b:s9+s4], $0x80, $0x38;
	[tilespmem:$0x1E200] =	vst v63  }
0x1c: {  	s11 =	rddreg [dreg:$0x9]  }
0x1d: {  	[tilespmem:s21], [sflag:$0x2] =	stream.linear.gather [hbm4b:s11+s4], $0x80, $0x38;
	[tilespmem:$0x1E200] =	vst v63  }
0x1e: {  	s13 =	simm.s32 $0x380;
	s12 =	rddreg [dreg:$0xa]  }
0x1f: {  	[tilespmem:s13], [sflag:$0x2] =	stream.linear.gather [hbm4b:s12+s4], $0x80, $0x38;
	[tilespmem:$0x1E200] =	vst v63  }
0x20: {  	s14 =	simm.s32 $0x100  }
0x21: {  	[tilespmem:s14], [sflag:$0x2] =	stream.linear.gather [hbm4b:s15+s4], $0x80, $0x38;
	[tilespmem:$0x1E200] =	vst v63  }
0x22: {  	s20 =	simm.s32 $0x400  }
0x23: {  	[tilespmem:s20], [sflag:$0x2] =	stream.linear.gather [hbm4b:s16+s4], $0x80, $0x38;
	[tilespmem:$0x1E200] =	vst v63  }
0x24: {  	_ =	swait.ge [sflag:s25], $0x80  }
0x25: {  	[sflag:s25] =	ssyncset.done $0x0  }
0x26: {  	[sflag:s25] =	ssyncadd.s32 $0xFFFFFF80  }
0x27: {  	_ =	swait.ge [sflag:s25], $0x80  }
0x28: {  	[sflag:s25] =	ssyncset.done $0x0  }
0x29: {  	s22 =	simm.s32 $0x600;
	[sflag:s25] =	ssyncadd.s32 $0xFFFFFF80  }
0x2a: {  	[tilespmem:s22], [sflag:$0x1] =	stream.indirect.gather [hbm4b:s1+s26], $0x80, s4, s26, $0xb8;
	[tilespmem:$0x1E200] =	vst v63  }
0x2b: {  	_ =	swait.ge [sflag:s25], $0x80  }
0x2c: {  	s24 =	smul.u32 $0xAB, s31;
	[sflag:s25] =	ssyncset.done $0x0  }
0x2d: {  	s23 =	simm.s32 $0x2E00;
	p0 =	por $0x1, $0x1;
	[sflag:s25] =	ssyncadd.s32 $0xFFFFFF80  }
0x2e: {  	s7 =	sshrl.u32 s24, $0xA;
	s10 =	smin.u32 s31, $0x7C;
	_ =	swait.ge [sflag:s25], $0x80  }
0x2f: {  	s7 =	sand.u32 $0x3F, s7;
	s10 =	sshll.u32 s10, $0x7;
	[sflag:s25] =	ssyncset.done $0x0  }
0x30: {  	s7 =	smul.u32 $0x6, s7;
	s10 =	sadd.s32 s8, s10;
	[sflag:s25] =	ssyncadd.s32 $0xFFFFFF80  }
0x31: {  	[tilespmem:s23], [sflag:$0x1] =	stream.indirect.gather [hbm4b:s1+s26], $0x80, s21, s26, $0xb8;
	[tilespmem:$0x1E200] =	vst v63  }
0x32: {  	s7 =	ssub.s32 $0x3, s7;
	s23 =	simm.s32 $0x0;
	_ =	swait.ge [sflag:s31], $0x2780  }
0x33: {  	s7 =	sand.u32 $0xFF, s7;
	s24 =	smul.u32 $0xAB, s23;
	[sflag:s31] =	ssyncset.done $0x0  }
0x34: {  	s10 =	sshrl.u32 s10, $0x3;
	s7 =	sshll.u32 s7, $0x7;
	[sflag:s31] =	ssyncadd.s32 $0xFFFFD880  }
0x35: {  	s9 =	sshrl.u32 s24, $0xA;
	s24 =	simm.s32 @!p0 $0x3;
	[bflag:$0x0] =	sbarrier.arrive $0xFFFF  }
0x36: {  	s11 =	sadd.s32 s5, s10;
	s10 =	sadd.s32 s6, s10;
	_ =	swait.ge @!p0 [sflag:s24], $0x2800  }
0x37: {  	s20 =	simm.s32 $0x4;
	s28 =	sand.u32 $0x3, s23;
	[sflag:s24] =	ssyncset.done @!p0 $0x0  }
0x38: {  	s28 =	smul.u32 $0xA000, s28;
	s23 =	sand.u32 $0x3F, s9;
	[sflag:s24] =	ssyncadd.s32 @!p0 $0xFFFFD800  }
0x39: {  	[tilespmem:s7], [sflag:$0x2] =	stream.linear.gather [hbm4b:s11+s4], $0x80, $0x38;
	[tilespmem:$0x1E200] =	vst v63  }
0x3a: {  	s22 =	simm.s32 $0x5;
	s23 =	smul.u32 $0x6, s23;
	s7 =	sadd.s32 $0x300, s7  }
0x3b: {  	[tilespmem:s7], [sflag:$0x2] =	stream.linear.gather [hbm4b:s10+s4], $0x80, $0x38;
	[tilespmem:$0x1E200] =	vst v63  }
0x3c: {  	s12 =	ssub.s32 $0x0, s23;
	s23 =	smul.u32 $0xAB, s20;
	_ =	swait.ge [sflag:s25], $0x80  }
0x3d: {  	s13 =	sand.u32 $0xFF, s12;
	s7 =	simm.s32 $0x2;
	[sflag:s25] =	ssyncset.done $0x0  }
0x3e: {  	s29 =	smul.u32 $0xAB, s7;
	s11 =	sand.u32 $0x3, s7;
	[sflag:s25] =	ssyncadd.s32 $0xFFFFFF80  }
0x3f: {  	s24 =	sshll.u32 s13, $0x7;
	s10 =	smul.u32 $0xA000, s11;
	_ =	swait.ge [sflag:s25], $0x80  }
0x40: {  	s14 =	sshrl.u32 s29, $0xA;
	s29 =	sshrl.u32 s28, $0x2;
	[sflag:s25] =	ssyncset.done $0x0  }
0x41: {  	s28 =	sand.u32 $0x3F, s14;
	s29 =	sor.u32 $0x600, s29;
	[sflag:s25] =	ssyncadd.s32 $0xFFFFFF80  }
.LBB2_2:
0x42: {  	s11 =	smul.u32 $0x6, s28  }
0x43: {  	s10 =	sshrl.u32 s10, $0x2;
	s28 =	smov.u32 s22;
	s22 =	sadd.s32 $0x1, s22  }
0x44: {  	s12 =	smin.u32 s20, $0x7C;
	_ =	swait.ge [sflag:s30], $0x2800;
	s10 =	sor.u32 $0x600, s10  }
0x45: {  	s13 =	sadd.s32 $0xFFFFFFFD, s20;
	s23 =	sshrl.u32 s23, $0xA;
	[sflag:s30] =	ssyncset.done $0x0  }
0x46: {  	p1 =	slt.u32 s13, $0x2;
	s12 =	sshll.u32 s12, $0x7;
	s7 =	ssub.s32 s7, s11  }
0x47: {  	s14 =	sand.u32 $0x3, s13;
	s11 =	sand.u32 $0x3F, s23;
	s7 =	sand.u32 $0xFF, s7  }
0x48: {  	s9 =	smul.u32 $0xAB, s13;
	s12 =	sadd.s32 s8, s12;
	s7 =	sshll.u32 s7, $0x7  }
0x49: {  	s11 =	smul.u32 $0x6, s11;
	s12 =	sshrl.u32 s12, $0x3;
	[sflag:s30] =	ssyncadd.s32 $0xFFFFD800  }
0x4a: {  	[tilespmem:s10], [sflag:$0x1] =	stream.indirect.gather [hbm4b:s1+s26], $0x80, s7, s26, $0xb8;
	[tilespmem:$0x1E200] =	vst v63  }
0x4b: {  	s23 =	smul.u32 $0xAB, s28;
	s7 =	sshrl.u32 s9, $0xA;
	s9 =	sadd.s32 $0x300, s24  }
0x4c: {  	s11 =	ssub.s32 s20, s11;
	s10 =	simm.s32 @!p1 $0x3;
	s7 =	sand.u32 $0x3F, s7  }
0x4d: {  	[spmem:s3] =	stream.indirect.scatter.add.f32 [tilespmem:s29], [sflag:$0x3], $0x80, s9, s26, $0xb8;
	[tilespmem:$0x1E200] =	vst v63  }
0x4e: {  	s7 =	smul.u32 $0x6, s7;
	s9 =	sand.u32 $0xFF, s11;
	_ =	swait.ge @!p1 [sflag:s10], $0x2800  }
0x4f: {  	p0 =	sne.s32 s22, $0x80;
	s9 =	sshll.u32 s9, $0x7;
	[sflag:s10] =	ssyncset.done @!p1 $0x0  }
0x50: {  	s7 =	ssub.s32 s13, s7;
	[sflag:s10] =	ssyncadd.s32 @!p1 $0xFFFFD800;
	s10 =	sadd.s32 s5, s12  }
0x51: {  	[tilespmem:s9], [sflag:$0x2] =	stream.linear.gather [hbm4b:s10+s4], $0x80, $0x38;
	[tilespmem:$0x1E200] =	vst v63  }
0x52: {  	s7 =	sand.u32 $0xFF, s7;
	s9 =	sadd.s32 $0x300, s9;
	s10 =	sadd.s32 s6, s12  }
0x53: {  	[tilespmem:s9], [sflag:$0x2] =	stream.linear.gather [hbm4b:s10+s4], $0x80, $0x38;
	[tilespmem:$0x1E200] =	vst v63  }
0x54: {  	s24 =	sshll.u32 s7, $0x7;
	s9 =	smul.u32 $0xA000, s14;
	_ =	swait.ge [sflag:s25], $0x80  }
.Ltmp0:
0x55: {  	s7 =	sadd.s32 $0xFFFFFFFF, s20;
	[sflag:s25] =	ssyncset.done $0x0;
	(pc) =	sbr.rel @p0 .LBB2_2-.Ltmp0, $4  }
0x56: {  	s11 =	smul.u32 $0xAB, s7;
	s10 =	sand.u32 $0x3, s7;
	[sflag:s25] =	ssyncadd.s32 $0xFFFFFF80  }
0x57: {  	s20 =	smov.u32 s28;
	s10 =	smul.u32 $0xA000, s10;
	_ =	swait.ge [sflag:s25], $0x80  }
0x58: {  	s11 =	sshrl.u32 s11, $0xA;
	s9 =	sshrl.u32 s9, $0x2;
	[sflag:s25] =	ssyncset.done $0x0  }
0x59: {  	s28 =	sand.u32 $0x3F, s11;
	s29 =	sor.u32 $0x600, s9;
	[sflag:s25] =	ssyncadd.s32 $0xFFFFFF80  }
0x5a: {  	s9 =	smul.u32 $0x6, s28  }
0x5b: {  	s10 =	sshrl.u32 s10, $0x2;
	s11 =	smin.u32 s20, $0x7C;
	_ =	swait.ge [sflag:s30], $0x2800  }
0x5c: {  	s12 =	sadd.s32 $0xFFFFFFFD, s20;
	s13 =	sshrl.u32 s23, $0xA;
	s23 =	sadd.s32 $0x300, s24  }
0x5d: {  	s10 =	sor.u32 $0x600, s10;
	[sflag:s30] =	ssyncset.done $0x0;
	p0 =	slt.u32 s12, $0x2  }
0x5e: {  	s11 =	sshll.u32 s11, $0x7;
	s13 =	sand.u32 $0x3F, s13;
	s7 =	ssub.s32 s7, s9  }
0x5f: {  	s14 =	smul.u32 $0xAB, s12;
	s11 =	sadd.s32 s8, s11;
	s7 =	sand.u32 $0xFF, s7  }
0x60: {  	[sflag:s30] =	ssyncadd.s32 $0xFFFFD800;
	s22 =	smul.u32 $0x6, s13;
	s7 =	sshll.u32 s7, $0x7  }
0x61: {  	[tilespmem:s10], [sflag:$0x1] =	stream.indirect.gather [hbm4b:s1+s26], $0x80, s7, s26, $0xb8;
	[tilespmem:$0x1E200] =	vst v63  }
0x62: {  	s24 =	sshrl.u32 s11, $0x3;
	s28 =	sshrl.u32 s14, $0xA;
	s10 =	simm.s32 @!p0 $0x3  }
0x63: {  	[spmem:s3] =	stream.indirect.scatter.add.f32 [tilespmem:s29], [sflag:$0x3], $0x80, s23, s26, $0xb8;
	[tilespmem:$0x1E200] =	vst v63  }
0x64: {  	s14 =	sadd.s32 $0xFFFFFFFF, s20;
	s7 =	ssub.s32 s20, s22;
	_ =	swait.ge @!p0 [sflag:s10], $0x2800  }
0x65: {  	s11 =	sand.u32 $0x3F, s28;
	s7 =	sand.u32 $0xFF, s7;
	[sflag:s10] =	ssyncset.done @!p0 $0x0  }
0x66: {  	s7 =	sshll.u32 s7, $0x7;
	s29 =	sadd.s32 s5, s24;
	[sflag:s10] =	ssyncadd.s32 @!p0 $0xFFFFD800  }
0x67: {  	[tilespmem:s7], [sflag:$0x2] =	stream.linear.gather [hbm4b:s29+s4], $0x80, $0x38;
	[tilespmem:$0x1E200] =	vst v63  }
0x68: {  	s9 =	sadd.s32 s6, s24;
	s13 =	smul.u32 $0x6, s11;
	s7 =	sadd.s32 $0x300, s7  }
0x69: {  	[tilespmem:s7], [sflag:$0x2] =	stream.linear.gather [hbm4b:s9+s4], $0x80, $0x38;
	[tilespmem:$0x1E200] =	vst v63  }
0x6a: {  	s20 =	smul.u32 $0xAB, s14;
	s22 =	sand.u32 $0x3, s12;
	_ =	swait.ge [sflag:s25], $0x80  }
0x6b: {  	s11 =	smul.u32 $0xA000, s22;
	[sflag:s25] =	ssyncset.done $0x0  }
0x6c: {  	s23 =	sand.u32 $0x3, s14;
	s10 =	sshrl.u32 s20, $0xA;
	[sflag:s25] =	ssyncadd.s32 $0xFFFFFF80  }
0x6d: {  	s11 =	sshrl.u32 s11, $0x2;
	s10 =	sand.u32 $0x3F, s10;
	_ =	swait.ge [sflag:s25], $0x80  }
0x6e: {  	s10 =	smul.u32 $0x6, s10;
	s7 =	ssub.s32 s12, s13;
	[sflag:s25] =	ssyncset.done $0x0  }
0x6f: {  	s12 =	smul.u32 $0xA000, s23;
	s7 =	sand.u32 $0xFF, s7;
	[sflag:s25] =	ssyncadd.s32 $0xFFFFFF80  }
0x70: {  	s9 =	ssub.s32 s14, s10;
	s7 =	sshll.u32 s7, $0x7;
	_ =	swait.ge [sflag:s30], $0x2800  }
0x71: {  	s24 =	sshrl.u32 s12, $0x2;
	s9 =	sand.u32 $0xFF, s9;
	[sflag:s30] =	ssyncset.done $0x0  }
0x72: {  	s10 =	sor.u32 $0x600, s24;
	s9 =	sshll.u32 s9, $0x7;
	[sflag:s30] =	ssyncadd.s32 $0xFFFFD800  }
0x73: {  	[tilespmem:s10], [sflag:$0x1] =	stream.indirect.gather [hbm4b:s1+s26], $0x80, s9, s26, $0xb8;
	[tilespmem:$0x1E200] =	vst v63  }
0x74: {  	s28 =	sor.u32 $0x600, s11;
	s7 =	sadd.s32 $0x300, s7  }
0x75: {  	[spmem:s3] =	stream.indirect.scatter.add.f32 [tilespmem:s28], [sflag:$0x3], $0x80, s7, s26, $0xb8;
	[tilespmem:$0x1E200] =	vst v63  }
0x76: {  	_ =	swait.ge [sflag:s31], $0x2800  }
0x77: {  	[sflag:s31] =	ssyncset.done $0x0  }
0x78: {  	[sflag:s31] =	ssyncadd.s32 $0xFFFFD800  }
0x79: {  	_ =	swait.ge [sflag:s31], $0x2800  }
0x7a: {  	[sflag:s31] =	ssyncset.done $0x0  }
0x7b: {  	[sflag:s31] =	ssyncadd.s32 $0xFFFFD800  }
0x7c: {  	_ =	swait.ge [sflag:s30], $0x2800  }
0x7d: {  	[sflag:s30] =	ssyncset.done $0x0  }
0x7e: {  	[sflag:s30] =	ssyncadd.s32 $0xFFFFD800  }
0x7f: {  	_ =	swait.ge [sflag:s30], $0x2800  }
0x80: {  	[sflag:s30] =	ssyncset.done $0x0  }
0x81: {  	[sflag:s30] =	ssyncadd.s32 $0xFFFFD800  }
0x82: {  	_ =	swait.ge [sflag:s25], $0x80  }
0x83: {  	[sflag:s25] =	ssyncset.done $0x0  }
0x84: {  	[sflag:s25] =	ssyncadd.s32 $0xFFFFFF80  }
0x85: {  	_ =	swait.ge [sflag:s25], $0x80  }
0x86: {  	[sflag:s25] =	ssyncset.done $0x0  }
0x87: {  	[sflag:s25] =	ssyncadd.s32 $0xFFFFFF80  }
0x88: {  	s2 =	sadd.s32 $0x1, s2;
	[bflag:$0x0] =	sbarrier.arrive $0xFFFF  }
0x89: {  	p0 =	sne.s32 s2, s18;
	s29 =	rddreg [dreg:$0x5]  }
.Ltmp1:
0x8a: {  	s7 =	sor.u32 $0x1C04, s29;
	(pc) =	sbr.rel @p0 .LBB2_1-.Ltmp1, $4  }
0x8b: {  	[hbm:s17], [sflag:s7] =	dma.local [spmem:s19], $0x2780  }
0x8c: {  	_ =	swait.ge [sflag:s0], $0x2780  }
0x8d: {  	[sflag:s0] =	ssyncset.done $0x0  }
0x8e: {  	[sflag:s0] =	ssyncadd.s32 $0xFFFFD880  }
0x8f: {  	_ =	sfence.sel $0x180000  }
0x90: {  	[bflag:$0x0] =	sbarrier.arrive $0xFFFF  }
0x91: {  	_ =	strace $0x90000047  }
0x92: {  	s0 =	stileid.u32;
	[bflag:$0x2] =	sbarrier.arrive $0xFFFF  }
0x93: {  	p0 =	sne.s32 s0, $0x0;
	s0 =	rddreg [dreg:$0x3]  }
0x94: {  	s0 =	sadd.s32 @!p0 $0x100000, s0  }
0x95: {  	[sflag:s0] =	ssyncadd.tile.s32 @!p0 $0x1;
	_ =	shalt  }
.Lfunc_end2:
_tile_overlayer_lowered:
.L_overlay_start_2:
0x96: {  	(tag) =	ssettag $0x2  }
0x97: {  	s0 =	rddreg [dreg:$0x0];
	s2 =	stileid.u32  }
0x98: {  	s1 =	rddreg [dreg:$0x1];
	p0 =	sne.s32 s2, $0x0  }
0x99: {  	s3 =	rddreg [dreg:$0x2];
	[bflag:$0x3] =	sbarrier.arrive $0xFFFF;
	s2 =	simm.s32 @!p0 $0x1C04  }
0x9a: {  	[timem:s3], [sflag:s2] =	dma.local @!p0 [hbm:s0], s1  }
0x9b: {  	s0 =	simm.s32 @!p0 $0x4  }
0x9c: {  	_ =	swait.ge @!p0 [sflag:s0], s1  }
0x9d: {  	s1 =	ssub.s32 @!p0 $0x0, s1;
	[sflag:s0] =	ssyncset.done @!p0 $0x0  }
0x9e: {  	[sflag:s0] =	ssyncadd.s32 @!p0 s1  }
0x9f: {  	[bflag:$0x3] =	sbarrier.arrive $0xFFFF  }
0xa0: {  	_ =	shalt  }

// kernel: kernel.9.cloned.1.call-start
scs
__scs_entry_jumppad:
0x0: {  	(pc) =	sbr.rel $0x88, $3  }
0x1: {  	(tag) =	ssettag $0x0;
	lr =	simm.s32 $0x1  }
0x2: {  	[smem:$0x3F8E] =	sst lr;
	_ =	strace $0xD0000000  }
0x3: {  	_ = 	snop  }
0x4: {  	_ = 	snop  }
0x5: {  	_ = 	snop  }
0x6: {  	_ = 	snop  }
0x7: {  	_ = 	snop  }
__scs_overlays_trampoline_lowered:
0x8: {  	[smem:$0x3F9D] =	sst s0  }
0x9: {  	[smem:$0x3F9E] =	sst s1  }
0xa: {  	[smem:$0x3F9F] =	sst s2  }
0xb: {  	[smem:$0x3FA0] =	sst s3  }
0xc: {  	[smem:$0x3FA1] =	sst s4  }
0xd: {  	[smem:$0x3FA2] =	sst s5  }
0xe: {  	[smem:$0x3FA3] =	sst s6  }
0xf: {  	[smem:$0x3FA4] =	sst s7  }
0x10: {  	[smem:$0x3FA5] =	sst s8  }
0x11: {  	[smem:$0x3FA6] =	sst s9;
	s0 =	simm.s32 @!p0 $0x0  }
0x12: {  	s1 =	sld [smem:$0x3F8C];
	s0 =	simm.s32 @p0 $0x1  }
0x13: {  	[smem:$0x3FA7] =	sst s0;
	s0 =	simm.s32 @!p1 $0x0  }
0x14: {  	s2 =	sld [smem:$0x3F8B];
	s0 =	simm.s32 @p1 $0x1  }
0x15: {  	[smem:$0x3FA8] =	sst s0;
	s0 =	simm.s32 @!p2 $0x0  }
0x16: {  	s3 =	sld [smem:$0x3FDB];
	s0 =	simm.s32 @p2 $0x1  }
0x17: {  	s4 =	simm.s32 $0x1BF5;
	[smem:$0x3FAA] =	sst s0  }
0x18: {  	s0 =	sld [smem:$0x3F8D];
	_ =	swait.ge [sflag:s4], $0x0  }
0x19: {  	s7 =	sld [smem:$0x3F8E]  }
0x1a: {  	s8 =	sadd.s32 $0xFFFFE003, lr  }
0x1b: {  	s9 =	sadd.s32 $0xFFFFFEF7, lr;
	s5 =	simm.s32 $0xFFFFFFFF;
	p2 =	slt.u32 s8, $0xFFFFF086  }
0x1c: {  	p1 =	slt.u32 s9, $0xF7A;
	s5 =	simm.s32 @!p2 $0x0  }
0x1d: {  	s5 =	simm.s32 @p1 $0x1;
	p0 =	seq.s32 s7, s2  }
0x1e: {  	s7 =	smul.u32 @!p0 $0xF7A, s2;
	p2 =	seq.s32 @!p0 s5, $0x0  }
0x1f: {  	s9 =	smul.u32 $0xF7A, s1;
	s8 =	simm.s32 @!p0 $0x1BF5;
	p2 =	por !p2, p0  }
0x20: {  	[sflag:s8] =	ssyncset.s32 @!p0 $0xFFFFF086;
	s6 =	sadd.s32 @!p0 s3, s7;
	s7 =	simm.s32 @!p0 $0x108  }
0x21: {  	s3 =	sadd.s32 s3, s9;
	s6 =	sadd.s32 @!p0 $0x88, s6;
	s7 =	simm.s32 @p2 $0x1082  }
0x22: {  	[simem:s7], [sflag:s8] =	dma.local @!p0 [hbm:s6], $0xF7A  }
0x23: {  	s9 =	sor.u32 $0xD0000000, s2;
	s6 =	simm.s32 $0x108;
	_ =	swait.ge @!p0 [sflag:s8], $0x0  }
0x24: {  	s3 =	sadd.s32 $0x88, s3;
	s6 =	simm.s32 @!p1 $0x1082;
	[sflag:s4] =	ssyncset.s32 $0xFFFFF086  }
0x25: {  	[simem:s6], [sflag:s4] =	dma.local [hbm:s3], $0xF7A  }
0x26: {  	[smem:$0x3F8E] =	sst s1;
	(tag) =	ssettag s2;
	_ =	strace s9  }
0x27: {  	s1 =	sld [smem:$0x3F9E]  }
0x28: {  	s2 =	sld [smem:$0x3F9F]  }
0x29: {  	s4 =	sld [smem:$0x3FA1]  }
0x2a: {  	p0 =	seq.s32 s5, $0x0;
	s5 =	sld [smem:$0x3FA2]  }
0x2b: {  	s6 =	sld [smem:$0x3FA3]  }
0x2c: {  	s7 =	sld [smem:$0x3FA4]  }
0x2d: {  	s3 =	simm.s32 $0x108;
	s8 =	sld [smem:$0x3FA5]  }
0x2e: {  	s3 =	simm.s32 @!p0 $0x1082;
	s9 =	sld [smem:$0x3FA6]  }
0x2f: {  	lr =	sadd.s32 s0, s3;
	s0 =	sld [smem:$0x3F9D]  }
0x30: {  	s3 =	sld [smem:$0x3FA0]  }
0x31: {  	[smem:$0x3FA9] =	sst s10  }
0x32: {  	s10 =	sld [smem:$0x3FA7];
	_ =	sdelay $0x3  }
0x33: {  	p0 =	seq.s32 s10, $0x1;
	s10 =	sld [smem:$0x3FA9];
	_ =	sdelay $0x3  }
0x34: {  	[smem:$0x3FA9] =	sst s10  }
0x35: {  	s10 =	sld [smem:$0x3FA8];
	_ =	sdelay $0x3  }
0x36: {  	p1 =	seq.s32 s10, $0x1;
	s10 =	sld [smem:$0x3FA9];
	_ =	sdelay $0x3  }
0x37: {  	[smem:$0x3FA9] =	sst s10  }
0x38: {  	s10 =	sld [smem:$0x3FAA]  }
0x39: {  	_ = 	snop;
	(pc) =	sbr.ind lr, $3  }
0x3a: {  	_ = 	snop  }
0x3b: {  	_ = 	snop  }
0x3c: {  	p2 =	seq.s32 s10, $0x1;
	s10 =	sld [smem:$0x3FA9]  }
0x3d: {  	_ =	shalt  }
0x3e: {  	_ =	shalt  }
0x3f: {  	_ =	shalt  }
0x40: {  	_ =	shalt  }
0x41: {  	_ =	shalt  }
0x42: {  	_ =	shalt  }
0x43: {  	_ =	shalt  }
0x44: {  	_ =	shalt  }
0x45: {  	_ =	shalt  }
0x46: {  	_ =	shalt  }
0x47: {  	_ =	shalt  }
0x48: {  	_ =	shalt  }
0x49: {  	_ =	shalt  }
0x4a: {  	_ =	shalt  }
0x4b: {  	_ =	shalt  }
0x4c: {  	_ =	shalt  }
0x4d: {  	_ =	shalt  }
0x4e: {  	_ =	shalt  }
0x4f: {  	_ =	shalt  }
0x50: {  	_ =	shalt  }
0x51: {  	_ =	shalt  }
0x52: {  	_ =	shalt  }
0x53: {  	_ =	shalt  }
0x54: {  	_ =	shalt  }
0x55: {  	_ =	shalt  }
0x56: {  	_ =	shalt  }
0x57: {  	_ =	shalt  }
0x58: {  	_ =	shalt  }
0x59: {  	_ =	shalt  }
0x5a: {  	_ =	shalt  }
0x5b: {  	_ =	shalt  }
0x5c: {  	_ =	shalt  }
0x5d: {  	_ =	shalt  }
0x5e: {  	_ =	shalt  }
0x5f: {  	_ =	shalt  }
0x60: {  	_ =	shalt  }
0x61: {  	_ =	shalt  }
0x62: {  	_ =	shalt  }
0x63: {  	_ =	shalt  }
0x64: {  	_ =	shalt  }
0x65: {  	_ =	shalt  }
0x66: {  	_ =	shalt  }
0x67: {  	_ =	shalt  }
0x68: {  	_ =	shalt  }
0x69: {  	_ =	shalt  }
0x6a: {  	_ =	shalt  }
0x6b: {  	_ =	shalt  }
0x6c: {  	_ =	shalt  }
0x6d: {  	_ =	shalt  }
0x6e: {  	_ =	shalt  }
0x6f: {  	_ =	shalt  }
0x70: {  	_ =	shalt  }
0x71: {  	_ =	shalt  }
0x72: {  	_ =	shalt  }
0x73: {  	_ =	shalt  }
0x74: {  	_ =	shalt  }
0x75: {  	_ =	shalt  }
0x76: {  	_ =	shalt  }
0x77: {  	_ =	shalt  }
0x78: {  	_ =	shalt  }
0x79: {  	_ =	shalt  }
0x7a: {  	_ =	shalt  }
0x7b: {  	_ =	shalt  }
0x7c: {  	_ =	shalt  }
0x7d: {  	_ =	shalt  }
0x7e: {  	_ =	shalt  }
0x7f: {  	_ =	shalt  }
0x80: {  	_ =	shalt  }
0x81: {  	_ =	shalt  }
0x82: {  	_ =	shalt  }
0x83: {  	_ =	shalt  }
0x84: {  	_ =	shalt  }
0x85: {  	_ =	shalt  }
0x86: {  	_ =	shalt  }
0x87: {  	_ =	shalt  }
.Lfunc_end0:
.L_simem_size_0:
called_computation.1_lowered:
.L_overlay_start_0:
0x88: {  	s2 =	sld [smem:$0x3FD9]  }
0x89: {  	s3 =	sld [smem:$0x3FFE];
	_ =	sdelay $0x1  }
0x8a: {  	s1 =	srdreg.scid  }
0x8b: {  	s0 =	sand.u32 $0x1, s1  }
0x8c: {  	s16 =	sshll.u32 s0, $0xA;
	s2 =	sadd.s32 s3, s2  }
0x8d: {  	s2 =	sadd.s32 s2, s16  }
0x8e: {  	[smem:$0x3FB5] =	sst s2  }
0x8f: {  	_ = 	snop  }
0x90: {  	(tm) =	ssettm $0x1  }
0x91: {  	s17 =	sld [smem:$0x3FFB];
	_ =	sdelay $0x3  }
0x92: {  	_ =	strace s17  }
0x93: {  	s2 =	sld [smem:$0x3FFC];
	_ =	sdelay $0x3  }
0x94: {  	_ =	strace s2  }
0x95: {  	s2 =	sld [smem:$0x3FFD];
	_ =	sdelay $0x3  }
0x96: {  	_ =	strace s2  }
0x97: {  	_ =	strace $0x8FFFFFFF  }
0x98: {  	s18 =	sld [smem:$0x3FDB];
	_ =	sdelay $0x1  }
0x99: {  	s19 =	simm.s32 $_scs_section_size  }
0x9a: {  	s4 =	simm.s32 $_size__tile_overlayer_lowered;
	s5 =	simm.s32 $_tile_overlayer_lowered  }
0x9b: {  	s22 =	simm.s32 $0x1BFF;
	s21 =	sshll.u32 s5, $0x1;
	s2 =	sadd.s32 s19, s18  }
0x9c: {  	s6 =	simm.s32 $0x0;
	s20 =	sshll.u32 s4, $0x1;
	s4 =	sadd.s32 s21, s2  }
0x9d: {  	[timem:s6], [sflag:s22] =	dma.local [hbm:s4], s20  }
0x9e: {  	_ =	swait.ge [sflag:s22], s20  }
0x9f: {  	s3 =	ssub.s32 $0x0, s20;
	[sflag:s22] =	ssyncset.done $0x0  }
0xa0: {  	[sflag:s22] =	ssyncadd.s32 s3;
	_ =	sdelay $0x1  }
0xa1: {  	s23 =	simm.s32 $0x1B8B  }
0xa2: {  	_ =	swait.ge [sflag:s23], $0x1  }
0xa3: {  	[sflag:s23] =	ssyncset.done $0x0  }
0xa4: {  	s25 =	simm.s32 $0x1B8E;
	s24 =	sld [smem:$0x3FFE];
	[sflag:s23] =	ssyncadd.s32 $0xFFFFFFFF  }
0xa5: {  	s26 =	simm.s32 $execute0_lowered;
	[smem:$0x3FD2] =	sst s25  }
0xa6: {  	s4 =	sshll.u32 s26, $0x1;
	_ =	strace $0x80000049;
	[dreg:$0x1] =	wrdreg $0xFFFFFFFF  }
0xa7: {  	s28 =	simm.s32 $_size_execute0_lowered;
	s2 =	sadd.s32 s2, s4;
	[dreg:$0x0] =	wrdreg $0x0  }
0xa8: {  	s4 =	sshll.u32 s28, $0x1;
	[dreg:$0x2] =	wrdreg s2  }
0xa9: {  	[dreg:$0x3] =	wrdreg s4  }
0xaa: {  	[dreg:$0x4] =	wrdreg $0xC0  }
0xab: {  	_ =	task [dreg:s6], $0x5FFFF  }
0xac: {  	[dreg:$0x1] =	wrdreg $0xFFFFFFFF  }
0xad: {  	[dreg:$0x0] =	wrdreg $0x60  }
0xae: {  	[dreg:$0x2] =	wrdreg s24  }
0xaf: {  	[dreg:$0x3] =	wrdreg $0xA6000  }
0xb0: {  	[dreg:$0x4] =	wrdreg $0x9  }
0xb1: {  	_ =	task.clear_ibuf [dreg:s6], $0x5FFFF;
	_ =	strace $0x90000049  }
0xb2: {  	s29 =	simm.s32 $0x9;
	_ =	strace $0x8000004B  }
0xb3: {  	_ =	swait.ge [sflag:s29], $0x1  }
0xb4: {  	[sflag:s29] =	ssyncadd.s32 $0xFFFFFFFF  }
0xb5: {  	_ =	strace $0x9000004B  }
0xb6: {  	_ =	sfence  }
0xb7: {  	s30 =	sld [smem:$0x0];
	_ =	sdelay $0x2  }
0xb8: {  	s31 =	sshll.u32 s1, $0xD;
	s1 =	sshrl.u32 s1, $0x2  }
0xb9: {  	s3 =	sand.u32 $0x4000, s31;
	s1 =	sadd.s32 s1, s30  }
0xba: {  	s0 =	sor.u32 s3, s0;
	s1 =	sshll.u32 s1, $0x11  }
0xbb: {  	s0 =	sor.u32 s1, s0  }
0xbc: {  	s0 =	sadd.s32 $0x8F2B, s0  }
0xbd: {  	[sflag:s0] =	ssyncadd.remote.s32 $0x1  }
0xbe: {  	_ =	sfence.sel $0xFFFF  }
0xbf: {  	[dreg:$0x0] =	wrdreg $0xFFFFFFFF;
	(pc) =	sbr.abs _section_cstart, $3  }
0xc0: {  	[dreg:$0x1] =	wrdreg $0xFFFFFFFF  }
0xc1: {  	_ =	task.clear_ibuf [dreg:s6], $0x2FFFF;
	_ =	strace $0x9FFFFFFF  }
0xc2: {  	(tm) =	ssettm $0x7FFFFFFF  }
0xc3: {  	_ =	shalt  }
tec
execute0_lowered:
.L_overlay_start_1:
0x0: {  	(tag) =	ssettag $0x1  }
0x1: {  	s0 =	rddreg [dreg:$0x0]  }
0x2: {  	s1 =	rddreg [dreg:$0x1];
	s2 =	simm.s32 $0x0  }
0x3: {  	s3 =	srdreg.scid;
	s11 =	stileid.u32;
	s21 =	simm.s32 $0x80  }
0x4: {  	s30 =	simm.s32 $0x1;
	s31 =	simm.s32 $0x3;
	s6 =	smul.u32 $0x2780, s11  }
0x5: {  	[smem:$0x7FF] =	sst s2;
	s3 =	sand.u32 $0x1, s3;
	s9 =	smul.u32 $0x4F000, s11  }
0x6: {  	s5 =	sadd.s32 $0x83600, s0;
	s12 =	sadd.s32 $0x22400, s0;
	s4 =	smul.u32 $0x27100, s3  }
0x7: {  	_ =	strace $0x8000004A;
	s8 =	smul.u32 $0x27800, s3;
	s3 =	ssub.s32 $0x2, s3  }
0x8: {  	[dreg:$0x3] =	wrdreg s12;
	s10 =	sshrl.u32 s3, $0x1;
	s9 =	sshrl.u32 s9, $0x2  }
0x9: {  	s7 =	sadd.s32 s4, s0;
	s4 =	sadd.s32 $0x73C00, s0;
	s8 =	sadd.s32 s6, s8  }
0xa: {  	s6 =	smul.u32 $0x7D00, s11;
	s3 =	ssub.s32 s3, s10;
	s19 =	sadd.s32 s9, s1  }
0xb: {  	s0 =	sadd.s32 s8, s0;
	s8 =	sshll.u32 s11, $0x6;
	s16 =	sadd.s32 $0x24C00, s7  }
0xc: {  	s18 =	smax.u32 s3, $0x1;
	s19 =	sshrl.u32 s19, $0x3;
	s3 =	simm.s32 $0x0  }
0xd: {  	s24 =	sshrl.u32 s6, $0x3;
	s25 =	sor.u32 $0x1C03, s8;
	s17 =	sadd.s32 $0x93000, s0  }
0xe: {  	s0 =	simm.s32 $0x4;
	[dreg:$0x4] =	wrdreg s25;
	s26 =	sadd.s32 s4, s24  }
0xf: {  	s28 =	sadd.s32 s5, s24;
	s13 =	sor.u32 $0x10, s24;
	[dreg:$0x5] =	wrdreg s26  }
0x10: {  	s15 =	sadd.s32 $0x20, s24;
	s25 =	simm.s32 $0x2;
	[dreg:$0x6] =	wrdreg s28  }
0x11: {  	s29 =	sadd.s32 s4, s13;
	s13 =	sadd.s32 s5, s13;
	s14 =	sadd.s32 s4, s15  }
0x12: {  	s15 =	sadd.s32 s5, s15;
	s26 =	simm.s32 $0x50;
	[dreg:$0x7] =	wrdreg s29  }
.LBB2_1:
0x13: {  	s7 =	rddreg [dreg:$0x3]  }
0x14: {  	s9 =	rddreg [dreg:$0x4]  }
0x15: {  	[spmem:s19], [sflag:s9] =	dma.local [hbm:s7], $0x2780  }
0x16: {  	s7 =	rddreg [dreg:$0x5]  }
0x17: {  	[tilespmem:s2], [sflag:$0x2] =	stream.linear.gather [hbm4b:s7+s2], $0x80, $0x38;
	[tilespmem:$0x1E200] =	vst v63  }
0x18: {  	s11 =	simm.s32 $0x300;
	s10 =	rddreg [dreg:$0x6]  }
0x19: {  	[tilespmem:s11], [sflag:$0x2] =	stream.linear.gather [hbm4b:s10+s2], $0x80, $0x38;
	[tilespmem:$0x1E200] =	vst v63  }
0x1a: {  	s12 =	rddreg [dreg:$0x7]  }
0x1b: {  	[tilespmem:s21], [sflag:$0x2] =	stream.linear.gather [hbm4b:s12+s2], $0x80, $0x38;
	[tilespmem:$0x1E200] =	vst v63  }
0x1c: {  	s20 =	simm.s32 $0x380  }
0x1d: {  	[tilespmem:s20], [sflag:$0x2] =	stream.linear.gather [hbm4b:s13+s2], $0x80, $0x38;
	[tilespmem:$0x1E200] =	vst v63  }
0x1e: {  	s22 =	simm.s32 $0x100  }
0x1f: {  	[tilespmem:s22], [sflag:$0x2] =	stream.linear.gather [hbm4b:s14+s2], $0x80, $0x38;
	[tilespmem:$0x1E200] =	vst v63  }
0x20: {  	s23 =	simm.s32 $0x400  }
0x21: {  	[tilespmem:s23], [sflag:$0x2] =	stream.linear.gather [hbm4b:s15+s2], $0x80, $0x38;
	[tilespmem:$0x1E200] =	vst v63  }
0x22: {  	_ =	swait.ge [sflag:s25], $0x80  }
0x23: {  	[sflag:s25] =	ssyncset.done $0x0  }
0x24: {  	[sflag:s25] =	ssyncadd.s32 $0xFFFFFF80  }
0x25: {  	_ =	swait.ge [sflag:s25], $0x80  }
0x26: {  	[sflag:s25] =	ssyncset.done $0x0  }
0x27: {  	s24 =	simm.s32 $0x600;
	s10 =	sand.u32 $0xFF, s31;
	[sflag:s25] =	ssyncadd.s32 $0xFFFFFF80  }
0x28: {  	[tilespmem:s24], [sflag:$0x1] =	stream.indirect.gather [hbm4b:s16+s26], $0x80, s2, s26, $0xb8;
	[tilespmem:$0x1E200] =	vst v63  }
0x29: {  	s7 =	smul.u32 $0xAB, s10;
	_ =	swait.ge [sflag:s25], $0x80  }
0x2a: {  	[sflag:s25] =	ssyncset.done $0x0  }
0x2b: {  	s7 =	sshrl.u32 s7, $0xA;
	[sflag:s25] =	ssyncadd.s32 $0xFFFFFF80  }
0x2c: {  	p0 =	por $0x1, $0x1;
	s7 =	smul.u32 $0x6, s7;
	_ =	swait.ge [sflag:s25], $0x80  }
0x2d: {  	s9 =	simm.s32 $0x2E00;
	s28 =	simm.s32 @!p0 $0x3;
	[sflag:s25] =	ssyncset.done $0x0  }
0x2e: {  	s20 =	simm.s32 $0x4;
	s7 =	ssub.s32 $0x3, s7;
	[sflag:s25] =	ssyncadd.s32 $0xFFFFFF80  }
0x2f: {  	[tilespmem:s9], [sflag:$0x1] =	stream.indirect.gather [hbm4b:s16+s26], $0x80, s21, s26, $0xb8;
	[tilespmem:$0x1E200] =	vst v63  }
0x30: {  	s22 =	simm.s32 $0x0;
	s7 =	sand.u32 $0xFF, s7;
	_ =	swait.ge [sflag:s31], $0x2780  }
0x31: {  	s23 =	smul.u32 $0xAB, s22;
	s7 =	sshll.u32 s7, $0x7;
	[sflag:s31] =	ssyncset.done $0x0  }
0x32: {  	s22 =	sand.u32 $0x3, s22;
	s24 =	smin.u32 s31, $0xF9;
	[sflag:s31] =	ssyncadd.s32 $0xFFFFD880  }
0x33: {  	s10 =	smul.u32 $0xA000, s22;
	s24 =	sshll.u32 s24, $0x7;
	[bflag:$0x0] =	sbarrier.arrive $0xFFFF  }
0x34: {  	s23 =	sshrl.u32 s23, $0xA;
	s24 =	sadd.s32 s6, s24;
	_ =	swait.ge @!p0 [sflag:s28], $0x2800  }
0x35: {  	s23 =	sand.u32 $0x3F, s23;
	s29 =	sshrl.u32 s24, $0x3;
	[sflag:s28] =	ssyncset.done @!p0 $0x0  }
0x36: {  	s23 =	smul.u32 $0x6, s23;
	s24 =	sadd.s32 s4, s29;
	[sflag:s28] =	ssyncadd.s32 @!p0 $0xFFFFD800  }
0x37: {  	[tilespmem:s7], [sflag:$0x2] =	stream.linear.gather [hbm4b:s24+s2], $0x80, $0x38;
	[tilespmem:$0x1E200] =	vst v63  }
0x38: {  	s22 =	simm.s32 $0x5;
	s23 =	ssub.s32 $0x0, s23;
	s24 =	simm.s32 $0x2  }
0x39: {  	s12 =	sadd.s32 s5, s29;
	s7 =	sadd.s32 $0x300, s7;
	s11 =	sand.u32 $0xFF, s24  }
0x3a: {  	[tilespmem:s7], [sflag:$0x2] =	stream.linear.gather [hbm4b:s12+s2], $0x80, $0x38;
	[tilespmem:$0x1E200] =	vst v63  }
0x3b: {  	s23 =	sand.u32 $0xFF, s23;
	s29 =	sand.u32 $0x3, s24;
	s7 =	smul.u32 $0xAB, s11  }
0x3c: {  	s28 =	sshll.u32 s23, $0x7;
	s23 =	sshrl.u32 s10, $0x2;
	s29 =	smul.u32 $0xA000, s29  }
.LBB2_2:
0x3d: {  	s9 =	sand.u32 $0xFF, s20;
	s7 =	sshrl.u32 s7, $0xA;
	s10 =	sor.u32 $0x600, s23  }
0x3e: {  	s23 =	smov.u32 s22;
	s29 =	sshrl.u32 s29, $0x2;
	s28 =	sadd.s32 $0x300, s28  }
0x3f: {  	s11 =	smin.u32 s20, $0xF9;
	s12 =	sadd.s32 $0xFFFFFFFD, s20;
	s7 =	smul.u32 $0x6, s7  }
0x40: {  	s22 =	sadd.s32 $0x1, s22;
	s9 =	smul.u32 $0xAB, s9;
	_ =	swait.ge [sflag:s25], $0x80  }
0x41: {  	p0 =	slt.u32 s12, $0x2;
	s7 =	ssub.s32 s24, s7;
	[sflag:s25] =	ssyncset.done $0x0  }
0x42: {  	s11 =	sshll.u32 s11, $0x7;
	s24 =	smul.u32 $0xAB, s12;
	[sflag:s25] =	ssyncadd.s32 $0xFFFFFF80  }
0x43: {  	s29 =	sor.u32 $0x600, s29;
	s11 =	sadd.s32 s6, s11;
	_ =	swait.ge [sflag:s25], $0x80  }
0x44: {  	s9 =	sshrl.u32 s9, $0xA;
	s24 =	sshrl.u32 s24, $0xA;
	[sflag:s25] =	ssyncset.done $0x0  }
0x45: {  	s9 =	smul.u32 $0x6, s9;
	s24 =	sand.u32 $0x3F, s24;
	[sflag:s25] =	ssyncadd.s32 $0xFFFFFF80  }
0x46: {  	s11 =	sshrl.u32 s11, $0x3;
	s7 =	sand.u32 $0xFF, s7;
	_ =	swait.ge [sflag:s30], $0x2800  }
0x47: {  	s7 =	sshll.u32 s7, $0x7;
	s9 =	ssub.s32 s20, s9;
	[sflag:s30] =	ssyncset.done $0x0  }
0x48: {  	s24 =	smul.u32 $0x6, s24;
	s9 =	sand.u32 $0xFF, s9;
	[sflag:s30] =	ssyncadd.s32 $0xFFFFD800  }
0x49: {  	[tilespmem:s29], [sflag:$0x1] =	stream.indirect.gather [hbm4b:s16+s26], $0x80, s7, s26, $0xb8;
	[tilespmem:$0x1E200] =	vst v63  }
0x4a: {  	s9 =	sshll.u32 s9, $0x7;
	s24 =	ssub.s32 s12, s24;
	s7 =	simm.s32 @!p0 $0x3  }
0x4b: {  	[spmem:s1] =	stream.indirect.scatter.add.f32 [tilespmem:s10], [sflag:$0x3], $0x80, s28, s26, $0xb8;
	[tilespmem:$0x1E200] =	vst v63  }
0x4c: {  	s12 =	sand.u32 $0x3, s12;
	s10 =	sand.u32 $0xFF, s24;
	_ =	swait.ge @!p0 [sflag:s7], $0x2800  }
0x4d: {  	s28 =	sshll.u32 s10, $0x7;
	s10 =	sadd.s32 $0x300, s9;
	[sflag:s7] =	ssyncset.done @!p0 $0x0  }
0x4e: {  	[sflag:s7] =	ssyncadd.s32 @!p0 $0xFFFFD800;
	s7 =	sadd.s32 s4, s11;
	p0 =	sne.s32 s22, $0xFD  }
0x4f: {  	[tilespmem:s9], [sflag:$0x2] =	stream.linear.gather [hbm4b:s7+s2], $0x80, $0x38;
	[tilespmem:$0x1E200] =	vst v63  }
.Ltmp0:
0x50: {  	s24 =	sadd.s32 $0xFFFFFFFF, s20;
	(pc) =	sbr.rel @p0 .LBB2_2-.Ltmp0, $4  }
0x51: {  	s7 =	sand.u32 $0xFF, s24;
	s9 =	smul.u32 $0xA000, s12;
	s12 =	sand.u32 $0x3, s24  }
0x52: {  	s20 =	smov.u32 s23;
	s7 =	smul.u32 $0xAB, s7  }
0x53: {  	s11 =	sadd.s32 s5, s11;
	s29 =	smul.u32 $0xA000, s12;
	s23 =	sshrl.u32 s9, $0x2  }
0x54: {  	[tilespmem:s10], [sflag:$0x2] =	stream.linear.gather [hbm4b:s11+s2], $0x80, $0x38;
	[tilespmem:$0x1E200] =	vst v63  }
0x55: {  	s9 =	sand.u32 $0xFF, s20  }
0x56: {  	s7 =	sshrl.u32 s7, $0xA;
	s10 =	sor.u32 $0x600, s23;
	_ =	swait.ge [sflag:s25], $0x80  }
0x57: {  	s11 =	sshrl.u32 s29, $0x2;
	s12 =	sadd.s32 $0x300, s28;
	[sflag:s25] =	ssyncset.done $0x0  }
0x58: {  	s22 =	smin.u32 s20, $0xF9;
	s7 =	smul.u32 $0x6, s7;
	[sflag:s25] =	ssyncadd.s32 $0xFFFFFF80  }
0x59: {  	s23 =	sadd.s32 $0xFFFFFFFD, s20;
	s9 =	smul.u32 $0xAB, s9;
	_ =	swait.ge [sflag:s25], $0x80  }
0x5a: {  	p0 =	slt.u32 s23, $0x2;
	s28 =	smul.u32 $0xAB, s23;
	[sflag:s25] =	ssyncset.done $0x0  }
0x5b: {  	s22 =	sshll.u32 s22, $0x7;
	s11 =	sor.u32 $0x600, s11;
	[sflag:s25] =	ssyncadd.s32 $0xFFFFFF80  }
0x5c: {  	s22 =	sadd.s32 s6, s22;
	s7 =	ssub.s32 s24, s7;
	_ =	swait.ge [sflag:s30], $0x2800  }
0x5d: {  	s24 =	sshrl.u32 s28, $0xA;
	s7 =	sand.u32 $0xFF, s7;
	[sflag:s30] =	ssyncset.done $0x0  }
0x5e: {  	s9 =	sshrl.u32 s9, $0xA;
	s7 =	sshll.u32 s7, $0x7;
	[sflag:s30] =	ssyncadd.s32 $0xFFFFD800  }
0x5f: {  	[tilespmem:s11], [sflag:$0x1] =	stream.indirect.gather [hbm4b:s16+s26], $0x80, s7, s26, $0xb8;
	[tilespmem:$0x1E200] =	vst v63  }
0x60: {  	s29 =	sand.u32 $0x3F, s24;
	s9 =	smul.u32 $0x6, s9;
	s11 =	simm.s32 @!p0 $0x3  }
0x61: {  	[spmem:s1] =	stream.indirect.scatter.add.f32 [tilespmem:s10], [sflag:$0x3], $0x80, s12, s26, $0xb8;
	[tilespmem:$0x1E200] =	vst v63  }
0x62: {  	s24 =	sshrl.u32 s22, $0x3;
	s9 =	ssub.s32 s20, s9;
	_ =	swait.ge @!p0 [sflag:s11], $0x2800  }
0x63: {  	s28 =	sadd.s32 s4, s24;
	s9 =	sand.u32 $0xFF, s9;
	[sflag:s11] =	ssyncset.done @!p0 $0x0  }
0x64: {  	s9 =	sshll.u32 s9, $0x7;
	s7 =	smul.u32 $0x6, s29;
	[sflag:s11] =	ssyncadd.s32 @!p0 $0xFFFFD800  }
0x65: {  	[tilespmem:s9], [sflag:$0x2] =	stream.linear.gather [hbm4b:s28+s2], $0x80, $0x38;
	[tilespmem:$0x1E200] =	vst v63  }
0x66: {  	s29 =	sadd.s32 $0xFFFFFFFF, s20;
	s10 =	sadd.s32 s5, s24;
	s9 =	sadd.s32 $0x300, s9  }
0x67: {  	[tilespmem:s9], [sflag:$0x2] =	stream.linear.gather [hbm4b:s10+s2], $0x80, $0x38;
	[tilespmem:$0x1E200] =	vst v63  }
0x68: {  	s20 =	sand.u32 $0xFF, s29;
	_ =	swait.ge [sflag:s25], $0x80  }
0x69: {  	s22 =	sand.u32 $0x3, s23;
	s9 =	smul.u32 $0xAB, s20;
	[sflag:s25] =	ssyncset.done $0x0  }
0x6a: {  	s7 =	ssub.s32 s23, s7;
	s23 =	sand.u32 $0x3, s29;
	[sflag:s25] =	ssyncadd.s32 $0xFFFFFF80  }
0x6b: {  	s12 =	smul.u32 $0xA000, s23;
	s9 =	sshrl.u32 s9, $0xA;
	_ =	swait.ge [sflag:s25], $0x80  }
0x6c: {  	s7 =	sand.u32 $0xFF, s7;
	s9 =	smul.u32 $0x6, s9;
	[sflag:s25] =	ssyncset.done $0x0  }
0x6d: {  	s7 =	sshll.u32 s7, $0x7;
	s24 =	sshrl.u32 s12, $0x2;
	[sflag:s25] =	ssyncadd.s32 $0xFFFFFF80  }
0x6e: {  	s10 =	smul.u32 $0xA000, s22;
	s9 =	ssub.s32 s29, s9;
	_ =	swait.ge [sflag:s30], $0x2800  }
0x6f: {  	s11 =	sor.u32 $0x600, s24;
	s9 =	sand.u32 $0xFF, s9;
	[sflag:s30] =	ssyncset.done $0x0  }
0x70: {  	s10 =	sshrl.u32 s10, $0x2;
	s9 =	sshll.u32 s9, $0x7;
	[sflag:s30] =	ssyncadd.s32 $0xFFFFD800  }
0x71: {  	[tilespmem:s11], [sflag:$0x1] =	stream.indirect.gather [hbm4b:s16+s26], $0x80, s9, s26, $0xb8;
	[tilespmem:$0x1E200] =	vst v63  }
0x72: {  	s7 =	sadd.s32 $0x300, s7;
	s28 =	sor.u32 $0x600, s10  }
0x73: {  	[spmem:s1] =	stream.indirect.scatter.add.f32 [tilespmem:s28], [sflag:$0x3], $0x80, s7, s26, $0xb8;
	[tilespmem:$0x1E200] =	vst v63  }
0x74: {  	_ =	swait.ge [sflag:s31], $0x2800  }
0x75: {  	[sflag:s31] =	ssyncset.done $0x0  }
0x76: {  	[sflag:s31] =	ssyncadd.s32 $0xFFFFD800  }
0x77: {  	_ =	swait.ge [sflag:s31], $0x2800  }
0x78: {  	[sflag:s31] =	ssyncset.done $0x0  }
0x79: {  	[sflag:s31] =	ssyncadd.s32 $0xFFFFD800  }
0x7a: {  	_ =	swait.ge [sflag:s30], $0x2800  }
0x7b: {  	[sflag:s30] =	ssyncset.done $0x0  }
0x7c: {  	[sflag:s30] =	ssyncadd.s32 $0xFFFFD800  }
0x7d: {  	_ =	swait.ge [sflag:s30], $0x2800  }
0x7e: {  	[sflag:s30] =	ssyncset.done $0x0  }
0x7f: {  	[sflag:s30] =	ssyncadd.s32 $0xFFFFD800  }
0x80: {  	_ =	swait.ge [sflag:s25], $0x80  }
0x81: {  	[sflag:s25] =	ssyncset.done $0x0  }
0x82: {  	[sflag:s25] =	ssyncadd.s32 $0xFFFFFF80  }
0x83: {  	_ =	swait.ge [sflag:s25], $0x80  }
0x84: {  	s3 =	sadd.s32 $0x1, s3;
	[sflag:s25] =	ssyncset.done $0x0  }
0x85: {  	p0 =	sne.s32 s3, s18;
	[sflag:s25] =	ssyncadd.s32 $0xFFFFFF80  }
.Ltmp1:
0x86: {  	s29 =	sor.u32 $0x1C04, s8;
	[bflag:$0x0] =	sbarrier.arrive $0xFFFF;
	(pc) =	sbr.rel @p0 .LBB2_1-.Ltmp1, $4  }
0x87: {  	[hbm:s17], [sflag:s29] =	dma.local [spmem:s19], $0x2780  }
0x88: {  	_ =	swait.ge [sflag:s0], $0x2780  }
0x89: {  	[sflag:s0] =	ssyncset.done $0x0  }
0x8a: {  	[sflag:s0] =	ssyncadd.s32 $0xFFFFD880  }
0x8b: {  	_ =	sfence.sel $0x180000  }
0x8c: {  	[bflag:$0x0] =	sbarrier.arrive $0xFFFF  }
0x8d: {  	_ =	strace $0x9000004A  }
0x8e: {  	s0 =	stileid.u32;
	[bflag:$0x2] =	sbarrier.arrive $0xFFFF  }
0x8f: {  	p0 =	sne.s32 s0, $0x0;
	s0 =	rddreg [dreg:$0x2]  }
0x90: {  	s0 =	sadd.s32 @!p0 $0x100000, s0  }
0x91: {  	[sflag:s0] =	ssyncadd.tile.s32 @!p0 $0x1;
	_ =	shalt  }
.Lfunc_end2:
_tile_overlayer_lowered:
.L_overlay_start_2:
0x92: {  	(tag) =	ssettag $0x2  }
0x93: {  	s0 =	rddreg [dreg:$0x0];
	s2 =	stileid.u32  }
0x94: {  	s1 =	rddreg [dreg:$0x1];
	p0 =	sne.s32 s2, $0x0  }
0x95: {  	s3 =	rddreg [dreg:$0x2];
	[bflag:$0x3] =	sbarrier.arrive $0xFFFF;
	s2 =	simm.s32 @!p0 $0x1C04  }
0x96: {  	[timem:s3], [sflag:s2] =	dma.local @!p0 [hbm:s0], s1  }
0x97: {  	s0 =	simm.s32 @!p0 $0x4  }
0x98: {  	_ =	swait.ge @!p0 [sflag:s0], s1  }
0x99: {  	s1 =	ssub.s32 @!p0 $0x0, s1;
	[sflag:s0] =	ssyncset.done @!p0 $0x0  }
0x9a: {  	[sflag:s0] =	ssyncadd.s32 @!p0 s1  }
0x9b: {  	[bflag:$0x3] =	sbarrier.arrive $0xFFFF  }
0x9c: {  	_ =	shalt  }

</sc_bundles>
